<compile_context>
chip_gen: v7x
topology: tpu7x:2x2x1
jax: 0.10.2.dev20260603
libtpu: 0.0.44.dev20260713+nightly
codegen_flags: <defaults>
</compile_context>

<pallas_src>
import functools

import jax
import jax.numpy as jnp
from jax import lax
from jax.experimental import pallas as pl
from jax.experimental.pallas import tpu as pltpu
from jax.experimental.pallas import tpu_sc as plsc

N_NODES = 10000
E_RAND = 320000
E_TOTAL = E_RAND + N_NODES
D = 128
H = 4
C = 32

NC = 2
NS = 16
L = 16

G = 128
GROUPS = 81
E_PAD = NC * NS * GROUPS * G
N_ACC = 10112
ROWS = N_ACC // NS

EB = 4096
NB = 1000


def _hsel():
    hh = lax.broadcasted_iota(jnp.int32, (H, H * C), 0)
    jj = lax.broadcasted_iota(jnp.int32, (H, H * C), 1)
    return (jj // C == hh).astype(jnp.float32)


def _alpha_l_body(ea_ref, w_ref, attl_ref, out_ref):
    wv = w_ref[:, :] * attl_ref[0, :][:, None]
    vlt = lax.dot_general(_hsel(), wv, (((1,), (0,)), ((), ())),
                          preferred_element_type=jnp.float32)
    out_ref[:, :] = lax.dot_general(vlt, ea_ref[:, :], (((1,), (1,)), ((), ())),
                                    preferred_element_type=jnp.float32)


def _node_body(f_ref, w_ref, attr_ref, wres_ref, nr_ref, res_ref):
    f = f_ref[:, :]
    xi = lax.dot_general(f, w_ref[:, :], (((1,), (1,)), ((), ())),
                         preferred_element_type=jnp.float32)
    xia = xi * attr_ref[0, :][None, :]
    nr_ref[:, :] = lax.dot_general(_hsel(), xia, (((1,), (1,)), ((), ())),
                                   preferred_element_type=jnp.float32)
    res_ref[:, :] = lax.dot_general(f, wres_ref[:, :], (((1,), (1,)), ((), ())),
                                    preferred_element_type=jnp.float32)


def _y_body(ea_ref, ex_ref, w_ref, y_ref):
    xj = lax.dot_general(ea_ref[:, :], w_ref[:, :], (((1,), (1,)), ((), ())),
                         preferred_element_type=jnp.float32)
    scale = lax.dot_general(ex_ref[:, :], _hsel(), (((0,), (0,)), ((), ())),
                            preferred_element_type=jnp.float32)
    y_ref[:, :] = xj * scale


def _final_body(sa_ref, sb_ref, dp_ref, res_ref, out_ref):
    s = sa_ref[0] + sa_ref[1] + sb_ref[0] + sb_ref[1]
    d = dp_ref[0] + dp_ref[1]
    dexp = lax.dot_general(d, _hsel(), (((1,), (0,)), ((), ())),
                           preferred_element_type=jnp.float32) + 1e-16
    pre = s / dexp
    act = jnp.where(pre > 0, pre, jnp.exp(jnp.minimum(pre, 0.0)) - 1.0)
    out_ref[:, :] = act + res_ref[:, :]


_SC_MESH = plsc.VectorSubcoreMesh(core_axis_name="c", subcore_axis_name="s")


SUBG = 27
NSUB = GROUPS // SUBG
SE = SUBG * G


@functools.partial(
    pl.kernel,
    out_type=[
        jax.ShapeDtypeStruct((H * E_PAD,), jnp.float32),
        jax.ShapeDtypeStruct((NC * N_ACC * H,), jnp.float32),
    ],
    mesh=_SC_MESH,
    scratch_types=[
        pltpu.VMEM((H * N_NODES,), jnp.float32),
        pltpu.VMEM((H * SE,), jnp.float32),
        pltpu.VMEM((H * SE,), jnp.float32),
        pltpu.VMEM((SE,), jnp.int32),
        pltpu.VMEM((SE,), jnp.int32),
        pltpu.VMEM((H * SUBG, G), jnp.int32),
        pltpu.VMEM_SHARED((N_ACC * H,), jnp.float32),
        pltpu.SemaphoreType.DMA,
    ],
    compiler_params=pltpu.CompilerParams(use_tc_tiling_on_sc=False, needs_layout_passes=False),
)
def _sc_softmax(al_hbm, nr_hbm, tgt_hbm, src_hbm, zden_hbm,
                ex_hbm, dparts_hbm,
                nr_v, al_v, ex_v, tgt_v, src_v, idx_v, dacc, ssem):
    c = lax.axis_index("c")
    s = lax.axis_index("s")
    wid = c * NS + s

    pltpu.sync_copy(zden_hbm.at[pl.ds(s * ROWS * H, ROWS * H)],
                    dacc.at[pl.ds(s * ROWS * H, ROWS * H)])
    pltpu.sync_copy(nr_hbm, nr_v)
    plsc.subcore_barrier()

    @pl.loop(0, NSUB)
    def _sub(sub):
        base = wid * GROUPS * G + sub * SE
        for h in range(H):
            pltpu.sync_copy(al_hbm.at[pl.ds(h * E_PAD + base, SE)],
                            al_v.at[pl.ds(h * SE, SE)])
        pltpu.sync_copy(tgt_hbm.at[pl.ds(base, SE)], tgt_v)
        pltpu.sync_copy(src_hbm.at[pl.ds(base, SE)], src_v)

        @pl.loop(0, SUBG)
        def _group(gg):
            for h in range(H):
                for j in range(G // L):
                    o = gg * G + j * L
                    tg = tgt_v[pl.ds(o, L)]
                    r = plsc.load_gather(nr_v, [tg + h * N_NODES])
                    a = al_v[pl.ds(h * SE + o, L)] + r
                    ex = jnp.exp(jnp.maximum(a, 0.2 * a))
                    ex_v[pl.ds(h * SE + o, L)] = ex
                    sv = src_v[pl.ds(o, L)]
                    idx_v[h * SUBG + gg, pl.ds(j * L, L)] = sv * H + h

        for h in range(H):
            pltpu.sync_copy(ex_v.at[pl.ds(h * SE, SE)],
                            ex_hbm.at[pl.ds(h * E_PAD + base, SE)])

        @pl.loop(0, SUBG)
        def _fire(gg):
            for h in range(H):
                pltpu.async_copy(ex_v.at[pl.ds(h * SE + gg * G, G)],
                                 dacc.at[idx_v.at[h * SUBG + gg]],
                                 ssem, add=True)

        pltpu.make_async_copy(al_hbm.at[pl.ds(0, H * SE)], ex_v, ssem).wait()

    plsc.subcore_barrier()
    pltpu.sync_copy(dacc.at[pl.ds(s * ROWS * H, ROWS * H)],
                    dparts_hbm.at[pl.ds((c * NS + s) * ROWS * H, ROWS * H)])


def _make_sc_scatter(n_groups, gbase):
    @functools.partial(
        pl.kernel,
        out_type=jax.ShapeDtypeStruct((NC, N_ACC, D), jnp.float32),
        mesh=_SC_MESH,
        scratch_types=[
            pltpu.VMEM((G, D), jnp.float32),
            pltpu.VMEM((G, D), jnp.float32),
            pltpu.VMEM((n_groups, G), jnp.int32),
            pltpu.VMEM_SHARED((N_ACC, D), jnp.float32),
            pltpu.SemaphoreType.DMA,
            pltpu.SemaphoreType.DMA,
            pltpu.SemaphoreType.DMA,
            pltpu.SemaphoreType.DMA,
        ],
        compiler_params=pltpu.CompilerParams(use_tc_tiling_on_sc=False, needs_layout_passes=False),
    )
    def _sc_scatter(y_hbm, src_hbm, zout_hbm, oparts_hbm,
                    y0, y1, srcall, oacc, l0, l1, s0, s1):
        c = lax.axis_index("c")
        s = lax.axis_index("s")
        wid = c * NS + s
        ybufs = (y0, y1)
        lsems = (l0, l1)
        ssems = (s0, s1)

        pltpu.sync_copy(zout_hbm.at[pl.ds(s * ROWS, ROWS)], oacc.at[pl.ds(s * ROWS, ROWS)])
        pltpu.sync_copy(src_hbm.at[pl.ds(gbase + wid * n_groups, n_groups)], srcall)
        plsc.subcore_barrier()

        tbase = wid * n_groups * G
        pltpu.async_copy(y_hbm.at[pl.ds(tbase, G)], y0, l0)
        pltpu.async_copy(y_hbm.at[pl.ds(tbase + G, G)], y1, l1)

        @pl.loop(0, n_groups, step=2)
        def _g(g0):
            for b in range(2):
                g = g0 + b
                bo = 1 - b

                @pl.when(g < n_groups)
                def _():
                    pltpu.make_async_copy(y_hbm.at[pl.ds(0, G)], ybufs[b], lsems[b]).wait()
                    pltpu.async_copy(ybufs[b], oacc.at[srcall.at[g]], ssems[b], add=True)

                    @pl.when(jnp.logical_and(g >= 1, g + 1 < n_groups))
                    def _():
                        pltpu.make_async_copy(y_hbm.at[pl.ds(0, G)], ybufs[bo], ssems[bo]).wait()
                        pltpu.async_copy(y_hbm.at[pl.ds(tbase + (g + 1) * G, G)],
                                         ybufs[bo], lsems[bo])

        pltpu.make_async_copy(y_hbm.at[pl.ds(0, G)], y0, s0).wait()
        pltpu.make_async_copy(y_hbm.at[pl.ds(0, G)], y1, s1).wait()

        plsc.subcore_barrier()
        pltpu.sync_copy(oacc.at[pl.ds(s * ROWS, ROWS)],
                        oparts_hbm.at[c, pl.ds(s * ROWS, ROWS)])

    return _sc_scatter


GROUPS_A = 54
GROUPS_B = GROUPS - GROUPS_A
E_SPLIT = NC * NS * GROUPS_A * G
_sc_scatter_a = _make_sc_scatter(GROUPS_A, 0)
_sc_scatter_b = _make_sc_scatter(GROUPS_B, NC * NS * GROUPS_A)


def kernel(edge_attr, edge_index, W, att_l, att_r, W_res):
    src = edge_index[1].astype(jnp.int32)
    tgt = edge_index[0].astype(jnp.int32)
    npad = E_PAD - E_TOTAL
    pad_src = (jnp.arange(npad, dtype=jnp.int32) % L) + N_NODES
    src_p = jnp.concatenate([src, pad_src])
    tgt_p = jnp.concatenate([tgt, jnp.zeros((npad,), jnp.int32)])

    filtered = edge_attr[E_RAND:]
    attl2 = att_l.reshape(1, H * C)
    attr2 = att_r.reshape(1, H * C)
    zden = jnp.zeros((N_ACC * H,), jnp.float32)
    zout = jnp.zeros((N_ACC, D), jnp.float32)

    egrid = pl.cdiv(E_TOTAL, EB)

    alpha_l = pl.pallas_call(
        _alpha_l_body,
        grid=(egrid,),
        in_specs=[
            pl.BlockSpec((EB, D), lambda i: (i, 0)),
            pl.BlockSpec((H * C, D), lambda i: (0, 0)),
            pl.BlockSpec((1, H * C), lambda i: (0, 0)),
        ],
        out_specs=pl.BlockSpec((H, EB), lambda i: (0, i)),
        out_shape=jax.ShapeDtypeStruct((H, E_PAD), jnp.float32),
    )(edge_attr, W, attl2)

    node_r, res = pl.pallas_call(
        _node_body,
        grid=(pl.cdiv(N_NODES, 2048),),
        in_specs=[
            pl.BlockSpec((2048, D), lambda i: (i, 0)),
            pl.BlockSpec((H * C, D), lambda i: (0, 0)),
            pl.BlockSpec((1, H * C), lambda i: (0, 0)),
            pl.BlockSpec((H * C, D), lambda i: (0, 0)),
        ],
        out_specs=[
            pl.BlockSpec((H, 2048), lambda i: (0, i)),
            pl.BlockSpec((2048, H * C), lambda i: (i, 0)),
        ],
        out_shape=[
            jax.ShapeDtypeStruct((H, N_NODES), jnp.float32),
            jax.ShapeDtypeStruct((N_NODES, H * C), jnp.float32),
        ],
    )(filtered, W, attr2, W_res)

    ex_flat, dparts_flat = _sc_softmax(alpha_l.reshape(-1), node_r.reshape(-1),
                                       tgt_p, src_p, zden)
    ex = ex_flat.reshape(H, E_PAD)
    dparts = dparts_flat.reshape(NC, N_ACC, H)

    ga = GROUPS_A * NC * NS // (EB // G)
    gb = GROUPS_B * NC * NS // (EB // G)
    src2d = src_p.reshape(NC * NS * GROUPS, G)

    y_a = pl.pallas_call(
        _y_body,
        grid=(ga,),
        in_specs=[
            pl.BlockSpec((EB, D), lambda i: (i, 0)),
            pl.BlockSpec((H, EB), lambda i: (0, i)),
            pl.BlockSpec((H * C, D), lambda i: (0, 0)),
        ],
        out_specs=pl.BlockSpec((EB, D), lambda i: (i, 0)),
        out_shape=jax.ShapeDtypeStruct((E_SPLIT, D), jnp.float32),
    )(edge_attr, ex, W)

    y_b = pl.pallas_call(
        _y_body,
        grid=(gb,),
        in_specs=[
            pl.BlockSpec((EB, D), lambda i: (i + ga, 0)),
            pl.BlockSpec((H, EB), lambda i: (0, i + ga)),
            pl.BlockSpec((H * C, D), lambda i: (0, 0)),
        ],
        out_specs=pl.BlockSpec((EB, D), lambda i: (i, 0)),
        out_shape=jax.ShapeDtypeStruct((E_PAD - E_SPLIT, D), jnp.float32),
    )(edge_attr, ex, W)

    oparts_a = _sc_scatter_a(y_a, src2d, zout)
    oparts_b = _sc_scatter_b(y_b, src2d, zout)

    out = pl.pallas_call(
        _final_body,
        grid=(N_NODES // NB,),
        in_specs=[
            pl.BlockSpec((NC, NB, D), lambda i: (0, i, 0)),
            pl.BlockSpec((NC, NB, D), lambda i: (0, i, 0)),
            pl.BlockSpec((NC, NB, H), lambda i: (0, i, 0)),
            pl.BlockSpec((NB, H * C), lambda i: (i, 0)),
        ],
        out_specs=pl.BlockSpec((NB, H * C), lambda i: (i, 0)),
        out_shape=jax.ShapeDtypeStruct((N_NODES, H * C), jnp.float32),
    )(oparts_a, oparts_b, dparts, res)

    return out

# --- scband reference (transcript-rebuilt; emitter-appended) ---
"""Pipeline reference for scband-satemporal-gatlayer-89026082111543 (READ-ONLY COPY).

The authoritative reference and input builder live on the scoring server;
editing this copy changes nothing except your own understanding.
"""

import jax, jax.numpy as jnp
import numpy as np

N = 10000
E_RAND = 320000
D = 128
H = 4
C = 32  # output_dim // n_heads = 128 // 4


def setup_inputs(seed: int = 0) -> dict:
    key = jax.random.key(seed)
    k1, k2, k3, k4, k5, k6, k7 = jax.random.split(key, 7)
    # Random edges with guaranteed src != dst so the self-loop mask picks
    # exactly the trailing self-loop block (module semantics require
    # filtered_edge_attr[i] to correspond to node i).
    t = jax.random.randint(k1, (E_RAND,), 0, N)
    off = jax.random.randint(k2, (E_RAND,), 1, N)
    s = (t + off) % N
    loops = jnp.arange(N, dtype=t.dtype)
    # edge_index[0] = target nodes, edge_index[1] = source nodes
    edge_index = jnp.stack([jnp.concatenate([t, loops]), jnp.concatenate([s, loops])]).astype(jnp.int64)
    edge_attr = jax.random.normal(k3, (E_RAND + N, D), dtype=jnp.float32)
    W = jax.random.normal(k4, (H * C, D), dtype=jnp.float32) * (1.0 / np.sqrt(D))
    att_l = jax.random.normal(k5, (1, H, C), dtype=jnp.float32) * 0.1
    att_r = jax.random.normal(k6, (1, H, C), dtype=jnp.float32) * 0.1
    W_res = jax.random.normal(k7, (H * C, D), dtype=jnp.float32) * (1.0 / np.sqrt(D))
    return {"edge_attr": edge_attr, "edge_index": edge_index, "W": W, "att_l": att_l, "att_r": att_r, "W_res": W_res}


def reference(edge_attr, edge_index, W, att_l, att_r, W_res):
    src = edge_index[1]
    tgt = edge_index[0]
    mask = src == tgt
    n_nodes = edge_attr.shape[0] - E_RAND
    filtered = jax.ops.segment_sum(
        jnp.where(mask[:, None], edge_attr, 0.0), src, num_segments=n_nodes
    )                                       # [N, D] self-loop features, ordered by node id
    target_features = filtered[tgt]         # gather by target node id -> [E, D]
    x_i = (target_features @ W.T).reshape(-1, H, C)
    x_j = (edge_attr @ W.T).reshape(-1, H, C)
    alpha_l = (x_j * att_l).sum(axis=-1)    # [E, H]
    alpha_r = (x_i * att_r).sum(axis=-1)    # [E, H]
    alpha = jax.nn.leaky_relu(alpha_r + alpha_l, negative_slope=0.2)
    # segment softmax over source nodes (PyG-style, numerically stable)
    seg_max = jax.ops.segment_max(alpha, src, num_segments=n_nodes)
    ex = jnp.exp(alpha - seg_max[src])
    denom = jax.ops.segment_sum(ex, src, num_segments=n_nodes)
    coeff = ex / (denom[src] + 1e-16)
    # dropout disabled (eval mode)
    out = jax.ops.segment_sum(x_j * coeff[:, :, None], src, num_segments=n_nodes)
    out = jax.nn.elu(out).reshape(-1, H * C)
    out = out + filtered @ W_res.T          # residual branch
    return out

if __name__ == "__main__":
    import jax
    _d = setup_inputs()
    print(jax.jit(kernel)(*tuple(_d.values())))

</pallas_src>

<mosaic_0001>
#map = affine_map<(d0, d1) -> (0, 0)>
#map1 = affine_map<(d0, d1) -> (0, 0, 0)>
module attributes {stable_mosaic.version = 14 : i64} {
  func.func @_sc_scatter(%arg0: i32, %arg1: i32, %arg2: memref<110592x128xf32, #tpu.memory_space<hbm>>, %arg3: memref<2592x128xi32, #tpu.memory_space<hbm>>, %arg4: memref<10112x128xf32, #tpu.memory_space<hbm>>, %arg5: memref<2x10112x128xf32, #tpu.memory_space<hbm>>, %arg6: memref<128x128xf32, #tpu.memory_space<vmem>>, %arg7: memref<128x128xf32, #tpu.memory_space<vmem>>, %arg8: memref<27x128xi32, #tpu.memory_space<vmem>>, %arg9: memref<10112x128xf32, #tpu.memory_space<vmem_shared>>, %arg10: memref<!tpu.dma_semaphore, #tpu.memory_space<semaphore_mem>>, %arg11: memref<!tpu.dma_semaphore, #tpu.memory_space<semaphore_mem>>, %arg12: memref<!tpu.dma_semaphore, #tpu.memory_space<semaphore_mem>>, %arg13: memref<!tpu.dma_semaphore, #tpu.memory_space<semaphore_mem>>) attributes {dimension_semantics = [#tpu.dimension_semantics<core_parallel>, #tpu.dimension_semantics<subcore_parallel>], iteration_bounds = array<i64: 2, 16>, scalar_prefetch = 0 : i64, scratch_operands = 8 : i64, tpu.core_type = #tpu.core_type<sc_vector_subcore>, window_params = [{transform_indices = #map}, {transform_indices = #map}, {transform_indices = #map}, {transform_indices = #map1}]} {
    %mul3A = arith.constant 16 : i32
    %mul3A_0 = arith.muli %arg0, %mul3A : i32
    %add3A = arith.addi %mul3A_0, %arg1 : i32
    %mul3A_1 = arith.constant 632 : i32
    %mul3A_2 = arith.muli %arg1, %mul3A_1 : i32
    %mul3A_3 = arith.constant 632 : i32
    %mul3A_4 = arith.muli %arg1, %mul3A_3 : i32
    "tpu.region"() ({
      %run_scoped3A = tpu.sem_alloc : memref<!tpu.dma_semaphore, #tpu.memory_space<semaphore_mem>>
      %dma_start3A_42 = arith.constant 0 : i32
      %dma_start3A_43 = tpu.memref_slice %arg9[%mul3A_4, %dma_start3A_42] : memref<10112x128xf32, #tpu.memory_space<vmem_shared>> -> memref<632x128xf32, #tpu.memory_space<vmem_shared>>
      %dma_start3A_44 = arith.constant 0 : i32
      %dma_start3A_45 = tpu.memref_slice %arg4[%mul3A_2, %dma_start3A_44] : memref<10112x128xf32, #tpu.memory_space<hbm>> -> memref<632x128xf32, #tpu.memory_space<hbm>>
      tpu.enqueue_dma source(%dma_start3A_45 : memref<632x128xf32, #tpu.memory_space<hbm>>) target(%dma_start3A_43 : memref<632x128xf32, #tpu.memory_space<vmem_shared>>) target_semaphore(%run_scoped3A : memref<!tpu.dma_semaphore, #tpu.memory_space<semaphore_mem>>)
      %dma_wait3A_46 = arith.constant 0 : i32
      %dma_wait3A_47 = tpu.memref_slice %arg9[%mul3A_4, %dma_wait3A_46] : memref<10112x128xf32, #tpu.memory_space<vmem_shared>> -> memref<632x128xf32, #tpu.memory_space<vmem_shared>>
      %dma_wait3A_48 = arith.constant 0 : i32
      %dma_wait3A_49 = tpu.memref_slice %arg4[%mul3A_2, %dma_wait3A_48] : memref<10112x128xf32, #tpu.memory_space<hbm>> -> memref<632x128xf32, #tpu.memory_space<hbm>>
      tpu.wait_dma2 semaphore(%run_scoped3A : memref<!tpu.dma_semaphore, #tpu.memory_space<semaphore_mem>>) src(%dma_wait3A_49 : memref<632x128xf32, #tpu.memory_space<hbm>>) dst(%dma_wait3A_47 : memref<632x128xf32, #tpu.memory_space<vmem_shared>>)
      tpu.yield
    }) : () -> ()
    %mul3A_5 = arith.constant 27 : i32
    %mul3A_6 = arith.muli %add3A, %mul3A_5 : i32
    %add3A_7 = arith.constant 1728 : i32
    %add3A_8 = arith.addi %add3A_7, %mul3A_6 : i32
    "tpu.region"() ({
      %run_scoped3A = tpu.sem_alloc : memref<!tpu.dma_semaphore, #tpu.memory_space<semaphore_mem>>
      %dma_start3A_42 = arith.constant 0 : i32
      %dma_start3A_43 = tpu.memref_slice %arg3[%add3A_8, %dma_start3A_42] : memref<2592x128xi32, #tpu.memory_space<hbm>> -> memref<27x128xi32, #tpu.memory_space<hbm>>
      %dma_start3A_44 = arith.constant 0 : i32
      %dma_start3A_45 = tpu.memref_slice %arg3[%add3A_8, %dma_start3A_44] : memref<2592x128xi32, #tpu.memory_space<hbm>> -> memref<27x128xi32, #tpu.memory_space<hbm>>
      tpu.enqueue_dma source(%dma_start3A_45 : memref<27x128xi32, #tpu.memory_space<hbm>>) target(%arg8 : memref<27x128xi32, #tpu.memory_space<vmem>>) target_semaphore(%run_scoped3A : memref<!tpu.dma_semaphore, #tpu.memory_space<semaphore_mem>>)
      %dma_wait3A_46 = arith.constant 0 : i32
      %dma_wait3A_47 = tpu.memref_slice %arg3[%add3A_8, %dma_wait3A_46] : memref<2592x128xi32, #tpu.memory_space<hbm>> -> memref<27x128xi32, #tpu.memory_space<hbm>>
      %dma_wait3A_48 = arith.constant 0 : i32
      %dma_wait3A_49 = tpu.memref_slice %arg3[%add3A_8, %dma_wait3A_48] : memref<2592x128xi32, #tpu.memory_space<hbm>> -> memref<27x128xi32, #tpu.memory_space<hbm>>
      tpu.wait_dma2 semaphore(%run_scoped3A : memref<!tpu.dma_semaphore, #tpu.memory_space<semaphore_mem>>) src(%dma_wait3A_49 : memref<27x128xi32, #tpu.memory_space<hbm>>) dst(%arg8 : memref<27x128xi32, #tpu.memory_space<vmem>>)
      tpu.yield
    }) : () -> ()
    %barrier3A = arith.constant 0 : index
    tpu.barrier barrier_id(%barrier3A)
    %mul3A_9 = arith.constant 27 : i32
    %mul3A_10 = arith.muli %add3A, %mul3A_9 : i32
    %mul3A_11 = arith.constant 128 : i32
    %mul3A_12 = arith.muli %mul3A_10, %mul3A_11 : i32
    %dma_start3A = arith.constant 0 : i32
    %dma_start3A_13 = tpu.memref_slice %arg2[%mul3A_12, %dma_start3A] : memref<110592x128xf32, #tpu.memory_space<hbm>> -> memref<128x128xf32, #tpu.memory_space<hbm>>
    %dma_start3A_14 = arith.constant 0 : i32
    %dma_start3A_15 = tpu.memref_slice %arg2[%mul3A_12, %dma_start3A_14] : memref<110592x128xf32, #tpu.memory_space<hbm>> -> memref<128x128xf32, #tpu.memory_space<hbm>>
    tpu.enqueue_dma source(%dma_start3A_15 : memref<128x128xf32, #tpu.memory_space<hbm>>) target(%arg6 : memref<128x128xf32, #tpu.memory_space<vmem>>) target_semaphore(%arg10 : memref<!tpu.dma_semaphore, #tpu.memory_space<semaphore_mem>>)
    %add3A_16 = arith.constant 128 : i32
    %add3A_17 = arith.addi %mul3A_12, %add3A_16 : i32
    %dma_start3A_18 = arith.constant 0 : i32
    %dma_start3A_19 = tpu.memref_slice %arg2[%add3A_17, %dma_start3A_18] : memref<110592x128xf32, #tpu.memory_space<hbm>> -> memref<128x128xf32, #tpu.memory_space<hbm>>
    %dma_start3A_20 = arith.constant 0 : i32
    %dma_start3A_21 = tpu.memref_slice %arg2[%add3A_17, %dma_start3A_20] : memref<110592x128xf32, #tpu.memory_space<hbm>> -> memref<128x128xf32, #tpu.memory_space<hbm>>
    tpu.enqueue_dma source(%dma_start3A_21 : memref<128x128xf32, #tpu.memory_space<hbm>>) target(%arg7 : memref<128x128xf32, #tpu.memory_space<vmem>>) target_semaphore(%arg11 : memref<!tpu.dma_semaphore, #tpu.memory_space<semaphore_mem>>)
    %scan3A = arith.constant 0 : i32
    %scan3A_22 = arith.constant 14 : i32
    %scan3A_23 = arith.addi %scan3A, %scan3A_22 : i32
    %scan3A_24 = arith.constant 1 : i32
    scf.for %scan3A_42 = %scan3A to %scan3A_23 step %scan3A_24  : i32 {
      %mul3A_43 = arith.constant 2 : i32
      %mul3A_44 = arith.muli %scan3A_42, %mul3A_43 : i32
      %add3A_45 = arith.constant 0 : i32
      %add3A_46 = arith.addi %add3A_45, %mul3A_44 : i32
      %add3A_47 = arith.constant 0 : i32
      %add3A_48 = arith.addi %add3A_46, %add3A_47 : i32
      %lt3A = arith.constant 27 : i32
      %lt3A_49 = arith.cmpi slt, %add3A_48, %lt3A : i32
      %convert_element_type3A = arith.extui %lt3A_49 : i1 to i32
      %cond3A = arith.constant 0 : i32
      %cond3A_50 = arith.cmpi ne, %convert_element_type3A, %cond3A : i32
      scf.if %cond3A_50 {
        %dma_wait3A_58 = arith.constant 0 : i32
        %dma_wait3A_59 = arith.constant 0 : i32
        %dma_wait3A_60 = tpu.memref_slice %arg2[%dma_wait3A_58, %dma_wait3A_59] : memref<110592x128xf32, #tpu.memory_space<hbm>> -> memref<128x128xf32, #tpu.memory_space<hbm>>
        %dma_wait3A_61 = arith.constant 0 : i32
        %dma_wait3A_62 = arith.constant 0 : i32
        %dma_wait3A_63 = tpu.memref_slice %arg2[%dma_wait3A_61, %dma_wait3A_62] : memref<110592x128xf32, #tpu.memory_space<hbm>> -> memref<128x128xf32, #tpu.memory_space<hbm>>
        tpu.wait_dma2 semaphore(%arg10 : memref<!tpu.dma_semaphore, #tpu.memory_space<semaphore_mem>>) src(%dma_wait3A_63 : memref<128x128xf32, #tpu.memory_space<hbm>>) dst(%arg6 : memref<128x128xf32, #tpu.memory_space<vmem>>)
        %dma_start3A_64 = arith.constant 0 : i32
        %dma_start3A_65 = tpu.memref_slice %arg8[%add3A_48, %dma_start3A_64] : memref<27x128xi32, #tpu.memory_space<vmem>> -> memref<1x128xi32, #tpu.memory_space<vmem>>
        %dma_start3A_66 = tpu.memref_squeeze %dma_start3A_65 : memref<1x128xi32, #tpu.memory_space<vmem>> -> memref<128xi32, #tpu.memory_space<vmem>>
        %dma_start3A_67 = arith.constant 0 : i32
        %dma_start3A_68 = arith.constant 0 : i32
        %dma_start3A_69 = tpu.memref_slice %arg9[%dma_start3A_67, %dma_start3A_68] : memref<10112x128xf32, #tpu.memory_space<vmem_shared>> -> memref<10112x128xf32, #tpu.memory_space<vmem_shared>>
        tpu.enqueue_indirect_dma source(%arg6 : memref<128x128xf32, #tpu.memory_space<vmem>>) target(%dma_start3A_69 : memref<10112x128xf32, #tpu.memory_space<vmem_shared>>) offsets(%dma_start3A_66 : memref<128xi32, #tpu.memory_space<vmem>>) semaphore(%arg12 : memref<!tpu.dma_semaphore, #tpu.memory_space<semaphore_mem>>) {add = true}
        %ge3A = arith.constant 1 : i32
        %ge3A_70 = arith.cmpi sge, %add3A_48, %ge3A : i32
        %add3A_71 = arith.constant 1 : i32
        %add3A_72 = arith.addi %add3A_48, %add3A_71 : i32
        %lt3A_73 = arith.constant 27 : i32
        %lt3A_74 = arith.cmpi slt, %add3A_72, %lt3A_73 : i32
        %and3A = arith.andi %ge3A_70, %lt3A_74 : i1
        %convert_element_type3A_75 = arith.extui %and3A : i1 to i32
        %cond3A_76 = arith.constant 0 : i32
        %cond3A_77 = arith.cmpi ne, %convert_element_type3A_75, %cond3A_76 : i32
        scf.if %cond3A_77 {
          %dma_wait3A_78 = arith.constant 0 : i32
          %dma_wait3A_79 = arith.constant 0 : i32
          %dma_wait3A_80 = tpu.memref_slice %arg2[%dma_wait3A_78, %dma_wait3A_79] : memref<110592x128xf32, #tpu.memory_space<hbm>> -> memref<128x128xf32, #tpu.memory_space<hbm>>
          %dma_wait3A_81 = arith.constant 0 : i32
          %dma_wait3A_82 = arith.constant 0 : i32
          %dma_wait3A_83 = tpu.memref_slice %arg2[%dma_wait3A_81, %dma_wait3A_82] : memref<110592x128xf32, #tpu.memory_space<hbm>> -> memref<128x128xf32, #tpu.memory_space<hbm>>
          tpu.wait_dma2 semaphore(%arg13 : memref<!tpu.dma_semaphore, #tpu.memory_space<semaphore_mem>>) src(%dma_wait3A_83 : memref<128x128xf32, #tpu.memory_space<hbm>>) dst(%arg7 : memref<128x128xf32, #tpu.memory_space<vmem>>)
          %add3A_84 = arith.constant 1 : i32
          %add3A_85 = arith.addi %add3A_48, %add3A_84 : i32
          %mul3A_86 = arith.constant 128 : i32
          %mul3A_87 = arith.muli %add3A_85, %mul3A_86 : i32
          %add3A_88 = arith.addi %mul3A_12, %mul3A_87 : i32
          %dma_start3A_89 = arith.constant 0 : i32
          %dma_start3A_90 = tpu.memref_slice %arg2[%add3A_88, %dma_start3A_89] : memref<110592x128xf32, #tpu.memory_space<hbm>> -> memref<128x128xf32, #tpu.memory_space<hbm>>
          %dma_start3A_91 = arith.constant 0 : i32
          %dma_start3A_92 = tpu.memref_slice %arg2[%add3A_88, %dma_start3A_91] : memref<110592x128xf32, #tpu.memory_space<hbm>> -> memref<128x128xf32, #tpu.memory_space<hbm>>
          tpu.enqueue_dma source(%dma_start3A_92 : memref<128x128xf32, #tpu.memory_space<hbm>>) target(%arg7 : memref<128x128xf32, #tpu.memory_space<vmem>>) target_semaphore(%arg11 : memref<!tpu.dma_semaphore, #tpu.memory_space<semaphore_mem>>)
        } else {
        }
      } else {
      }
      %add3A_51 = arith.constant 1 : i32
      %add3A_52 = arith.addi %add3A_46, %add3A_51 : i32
      %lt3A_53 = arith.constant 27 : i32
      %lt3A_54 = arith.cmpi slt, %add3A_52, %lt3A_53 : i32
      %convert_element_type3A_55 = arith.extui %lt3A_54 : i1 to i32
      %cond3A_56 = arith.constant 0 : i32
      %cond3A_57 = arith.cmpi ne, %convert_element_type3A_55, %cond3A_56 : i32
      scf.if %cond3A_57 {
        %dma_wait3A_58 = arith.constant 0 : i32
        %dma_wait3A_59 = arith.constant 0 : i32
        %dma_wait3A_60 = tpu.memref_slice %arg2[%dma_wait3A_58, %dma_wait3A_59] : memref<110592x128xf32, #tpu.memory_space<hbm>> -> memref<128x128xf32, #tpu.memory_space<hbm>>
        %dma_wait3A_61 = arith.constant 0 : i32
        %dma_wait3A_62 = arith.constant 0 : i32
        %dma_wait3A_63 = tpu.memref_slice %arg2[%dma_wait3A_61, %dma_wait3A_62] : memref<110592x128xf32, #tpu.memory_space<hbm>> -> memref<128x128xf32, #tpu.memory_space<hbm>>
        tpu.wait_dma2 semaphore(%arg11 : memref<!tpu.dma_semaphore, #tpu.memory_space<semaphore_mem>>) src(%dma_wait3A_63 : memref<128x128xf32, #tpu.memory_space<hbm>>) dst(%arg7 : memref<128x128xf32, #tpu.memory_space<vmem>>)
        %dma_start3A_64 = arith.constant 0 : i32
        %dma_start3A_65 = tpu.memref_slice %arg8[%add3A_52, %dma_start3A_64] : memref<27x128xi32, #tpu.memory_space<vmem>> -> memref<1x128xi32, #tpu.memory_space<vmem>>
        %dma_start3A_66 = tpu.memref_squeeze %dma_start3A_65 : memref<1x128xi32, #tpu.memory_space<vmem>> -> memref<128xi32, #tpu.memory_space<vmem>>
        %dma_start3A_67 = arith.constant 0 : i32
        %dma_start3A_68 = arith.constant 0 : i32
        %dma_start3A_69 = tpu.memref_slice %arg9[%dma_start3A_67, %dma_start3A_68] : memref<10112x128xf32, #tpu.memory_space<vmem_shared>> -> memref<10112x128xf32, #tpu.memory_space<vmem_shared>>
        tpu.enqueue_indirect_dma source(%arg7 : memref<128x128xf32, #tpu.memory_space<vmem>>) target(%dma_start3A_69 : memref<10112x128xf32, #tpu.memory_space<vmem_shared>>) offsets(%dma_start3A_66 : memref<128xi32, #tpu.memory_space<vmem>>) semaphore(%arg13 : memref<!tpu.dma_semaphore, #tpu.memory_space<semaphore_mem>>) {add = true}
        %ge3A = arith.constant 1 : i32
        %ge3A_70 = arith.cmpi sge, %add3A_52, %ge3A : i32
        %add3A_71 = arith.constant 1 : i32
        %add3A_72 = arith.addi %add3A_52, %add3A_71 : i32
        %lt3A_73 = arith.constant 27 : i32
        %lt3A_74 = arith.cmpi slt, %add3A_72, %lt3A_73 : i32
        %and3A = arith.andi %ge3A_70, %lt3A_74 : i1
        %convert_element_type3A_75 = arith.extui %and3A : i1 to i32
        %cond3A_76 = arith.constant 0 : i32
        %cond3A_77 = arith.cmpi ne, %convert_element_type3A_75, %cond3A_76 : i32
        scf.if %cond3A_77 {
          %dma_wait3A_78 = arith.constant 0 : i32
          %dma_wait3A_79 = arith.constant 0 : i32
          %dma_wait3A_80 = tpu.memref_slice %arg2[%dma_wait3A_78, %dma_wait3A_79] : memref<110592x128xf32, #tpu.memory_space<hbm>> -> memref<128x128xf32, #tpu.memory_space<hbm>>
          %dma_wait3A_81 = arith.constant 0 : i32
          %dma_wait3A_82 = arith.constant 0 : i32
          %dma_wait3A_83 = tpu.memref_slice %arg2[%dma_wait3A_81, %dma_wait3A_82] : memref<110592x128xf32, #tpu.memory_space<hbm>> -> memref<128x128xf32, #tpu.memory_space<hbm>>
          tpu.wait_dma2 semaphore(%arg12 : memref<!tpu.dma_semaphore, #tpu.memory_space<semaphore_mem>>) src(%dma_wait3A_83 : memref<128x128xf32, #tpu.memory_space<hbm>>) dst(%arg6 : memref<128x128xf32, #tpu.memory_space<vmem>>)
          %add3A_84 = arith.constant 1 : i32
          %add3A_85 = arith.addi %add3A_52, %add3A_84 : i32
          %mul3A_86 = arith.constant 128 : i32
          %mul3A_87 = arith.muli %add3A_85, %mul3A_86 : i32
          %add3A_88 = arith.addi %mul3A_12, %mul3A_87 : i32
          %dma_start3A_89 = arith.constant 0 : i32
          %dma_start3A_90 = tpu.memref_slice %arg2[%add3A_88, %dma_start3A_89] : memref<110592x128xf32, #tpu.memory_space<hbm>> -> memref<128x128xf32, #tpu.memory_space<hbm>>
          %dma_start3A_91 = arith.constant 0 : i32
          %dma_start3A_92 = tpu.memref_slice %arg2[%add3A_88, %dma_start3A_91] : memref<110592x128xf32, #tpu.memory_space<hbm>> -> memref<128x128xf32, #tpu.memory_space<hbm>>
          tpu.enqueue_dma source(%dma_start3A_92 : memref<128x128xf32, #tpu.memory_space<hbm>>) target(%arg6 : memref<128x128xf32, #tpu.memory_space<vmem>>) target_semaphore(%arg10 : memref<!tpu.dma_semaphore, #tpu.memory_space<semaphore_mem>>)
        } else {
        }
      } else {
      }
    }
    %scan3A_25 = arith.constant 14 : i32
    %dma_wait3A = arith.constant 0 : i32
    %dma_wait3A_26 = arith.constant 0 : i32
    %dma_wait3A_27 = tpu.memref_slice %arg2[%dma_wait3A, %dma_wait3A_26] : memref<110592x128xf32, #tpu.memory_space<hbm>> -> memref<128x128xf32, #tpu.memory_space<hbm>>
    %dma_wait3A_28 = arith.constant 0 : i32
    %dma_wait3A_29 = arith.constant 0 : i32
    %dma_wait3A_30 = tpu.memref_slice %arg2[%dma_wait3A_28, %dma_wait3A_29] : memref<110592x128xf32, #tpu.memory_space<hbm>> -> memref<128x128xf32, #tpu.memory_space<hbm>>
    tpu.wait_dma2 semaphore(%arg12 : memref<!tpu.dma_semaphore, #tpu.memory_space<semaphore_mem>>) src(%dma_wait3A_30 : memref<128x128xf32, #tpu.memory_space<hbm>>) dst(%arg6 : memref<128x128xf32, #tpu.memory_space<vmem>>)
    %dma_wait3A_31 = arith.constant 0 : i32
    %dma_wait3A_32 = arith.constant 0 : i32
    %dma_wait3A_33 = tpu.memref_slice %arg2[%dma_wait3A_31, %dma_wait3A_32] : memref<110592x128xf32, #tpu.memory_space<hbm>> -> memref<128x128xf32, #tpu.memory_space<hbm>>
    %dma_wait3A_34 = arith.constant 0 : i32
    %dma_wait3A_35 = arith.constant 0 : i32
    %dma_wait3A_36 = tpu.memref_slice %arg2[%dma_wait3A_34, %dma_wait3A_35] : memref<110592x128xf32, #tpu.memory_space<hbm>> -> memref<128x128xf32, #tpu.memory_space<hbm>>
    tpu.wait_dma2 semaphore(%arg13 : memref<!tpu.dma_semaphore, #tpu.memory_space<semaphore_mem>>) src(%dma_wait3A_36 : memref<128x128xf32, #tpu.memory_space<hbm>>) dst(%arg7 : memref<128x128xf32, #tpu.memory_space<vmem>>)
    %barrier3A_37 = arith.constant 0 : index
    tpu.barrier barrier_id(%barrier3A_37)
    %mul3A_38 = arith.constant 632 : i32
    %mul3A_39 = arith.muli %arg1, %mul3A_38 : i32
    %mul3A_40 = arith.constant 632 : i32
    %mul3A_41 = arith.muli %arg1, %mul3A_40 : i32
    "tpu.region"() ({
      %run_scoped3A = tpu.sem_alloc : memref<!tpu.dma_semaphore, #tpu.memory_space<semaphore_mem>>
      %dma_start3A_42 = arith.constant 0 : i32
      %dma_start3A_43 = tpu.memref_slice %arg5[%arg0, %mul3A_41, %dma_start3A_42] : memref<2x10112x128xf32, #tpu.memory_space<hbm>> -> memref<1x632x128xf32, #tpu.memory_space<hbm>>
      %dma_start3A_44 = tpu.memref_squeeze %dma_start3A_43 : memref<1x632x128xf32, #tpu.memory_space<hbm>> -> memref<632x128xf32, #tpu.memory_space<hbm>>
      %dma_start3A_45 = arith.constant 0 : i32
      %dma_start3A_46 = tpu.memref_slice %arg9[%mul3A_39, %dma_start3A_45] : memref<10112x128xf32, #tpu.memory_space<vmem_shared>> -> memref<632x128xf32, #tpu.memory_space<vmem_shared>>
      tpu.enqueue_dma source(%dma_start3A_46 : memref<632x128xf32, #tpu.memory_space<vmem_shared>>) target(%dma_start3A_44 : memref<632x128xf32, #tpu.memory_space<hbm>>) target_semaphore(%run_scoped3A : memref<!tpu.dma_semaphore, #tpu.memory_space<semaphore_mem>>)
      %dma_wait3A_47 = arith.constant 0 : i32
      %dma_wait3A_48 = tpu.memref_slice %arg5[%arg0, %mul3A_41, %dma_wait3A_47] : memref<2x10112x128xf32, #tpu.memory_space<hbm>> -> memref<1x632x128xf32, #tpu.memory_space<hbm>>
      %dma_wait3A_49 = tpu.memref_squeeze %dma_wait3A_48 : memref<1x632x128xf32, #tpu.memory_space<hbm>> -> memref<632x128xf32, #tpu.memory_space<hbm>>
      %dma_wait3A_50 = arith.constant 0 : i32
      %dma_wait3A_51 = tpu.memref_slice %arg9[%mul3A_39, %dma_wait3A_50] : memref<10112x128xf32, #tpu.memory_space<vmem_shared>> -> memref<632x128xf32, #tpu.memory_space<vmem_shared>>
      tpu.wait_dma2 semaphore(%run_scoped3A : memref<!tpu.dma_semaphore, #tpu.memory_space<semaphore_mem>>) src(%dma_wait3A_51 : memref<632x128xf32, #tpu.memory_space<vmem_shared>>) dst(%dma_wait3A_49 : memref<632x128xf32, #tpu.memory_space<hbm>>)
      tpu.yield
    }) : () -> ()
    return
  }
}

#map = affine_map<(d0, d1) -> (0)>
module attributes {stable_mosaic.version = 14 : i64} {
  func.func @_sc_softmax(%arg0: i32, %arg1: i32, %arg2: memref<1327104xf32, #tpu.memory_space<hbm>>, %arg3: memref<40000xf32, #tpu.memory_space<hbm>>, %arg4: memref<331776xi32, #tpu.memory_space<hbm>>, %arg5: memref<331776xi32, #tpu.memory_space<hbm>>, %arg6: memref<40448xf32, #tpu.memory_space<hbm>>, %arg7: memref<1327104xf32, #tpu.memory_space<hbm>>, %arg8: memref<80896xf32, #tpu.memory_space<hbm>>, %arg9: memref<40000xf32, #tpu.memory_space<vmem>>, %arg10: memref<13824xf32, #tpu.memory_space<vmem>>, %arg11: memref<13824xf32, #tpu.memory_space<vmem>>, %arg12: memref<3456xi32, #tpu.memory_space<vmem>>, %arg13: memref<3456xi32, #tpu.memory_space<vmem>>, %arg14: memref<108x128xi32, #tpu.memory_space<vmem>>, %arg15: memref<40448xf32, #tpu.memory_space<vmem_shared>>, %arg16: memref<!tpu.dma_semaphore, #tpu.memory_space<semaphore_mem>>) attributes {dimension_semantics = [#tpu.dimension_semantics<core_parallel>, #tpu.dimension_semantics<subcore_parallel>], iteration_bounds = array<i64: 2, 16>, scalar_prefetch = 0 : i64, scratch_operands = 8 : i64, tpu.core_type = #tpu.core_type<sc_vector_subcore>, window_params = [{transform_indices = #map}, {transform_indices = #map}, {transform_indices = #map}, {transform_indices = #map}, {transform_indices = #map}, {transform_indices = #map}, {transform_indices = #map}]} {
    %mul3A = arith.constant 16 : i32
    %mul3A_0 = arith.muli %arg0, %mul3A : i32
    %add3A = arith.addi %mul3A_0, %arg1 : i32
    %mul3A_1 = arith.constant 632 : i32
    %mul3A_2 = arith.muli %arg1, %mul3A_1 : i32
    %mul3A_3 = arith.constant 4 : i32
    %mul3A_4 = arith.muli %mul3A_2, %mul3A_3 : i32
    %mul3A_5 = arith.constant 632 : i32
    %mul3A_6 = arith.muli %arg1, %mul3A_5 : i32
    %mul3A_7 = arith.constant 4 : i32
    %mul3A_8 = arith.muli %mul3A_6, %mul3A_7 : i32
    "tpu.region"() ({
      %run_scoped3A = tpu.sem_alloc : memref<!tpu.dma_semaphore, #tpu.memory_space<semaphore_mem>>
      %dma_start3A = tpu.memref_slice %arg15[%mul3A_8] : memref<40448xf32, #tpu.memory_space<vmem_shared>> -> memref<2528xf32, #tpu.memory_space<vmem_shared>>
      %dma_start3A_25 = tpu.memref_slice %arg6[%mul3A_4] : memref<40448xf32, #tpu.memory_space<hbm>> -> memref<2528xf32, #tpu.memory_space<hbm>>
      tpu.enqueue_dma source(%dma_start3A_25 : memref<2528xf32, #tpu.memory_space<hbm>>) target(%dma_start3A : memref<2528xf32, #tpu.memory_space<vmem_shared>>) target_semaphore(%run_scoped3A : memref<!tpu.dma_semaphore, #tpu.memory_space<semaphore_mem>>)
      %dma_wait3A = tpu.memref_slice %arg15[%mul3A_8] : memref<40448xf32, #tpu.memory_space<vmem_shared>> -> memref<2528xf32, #tpu.memory_space<vmem_shared>>
      %dma_wait3A_26 = tpu.memref_slice %arg6[%mul3A_4] : memref<40448xf32, #tpu.memory_space<hbm>> -> memref<2528xf32, #tpu.memory_space<hbm>>
      tpu.wait_dma2 semaphore(%run_scoped3A : memref<!tpu.dma_semaphore, #tpu.memory_space<semaphore_mem>>) src(%dma_wait3A_26 : memref<2528xf32, #tpu.memory_space<hbm>>) dst(%dma_wait3A : memref<2528xf32, #tpu.memory_space<vmem_shared>>)
      tpu.yield
    }) : () -> ()
    "tpu.region"() ({
      %run_scoped3A = tpu.sem_alloc : memref<!tpu.dma_semaphore, #tpu.memory_space<semaphore_mem>>
      tpu.enqueue_dma source(%arg3 : memref<40000xf32, #tpu.memory_space<hbm>>) target(%arg9 : memref<40000xf32, #tpu.memory_space<vmem>>) target_semaphore(%run_scoped3A : memref<!tpu.dma_semaphore, #tpu.memory_space<semaphore_mem>>)
      tpu.wait_dma2 semaphore(%run_scoped3A : memref<!tpu.dma_semaphore, #tpu.memory_space<semaphore_mem>>) src(%arg3 : memref<40000xf32, #tpu.memory_space<hbm>>) dst(%arg9 : memref<40000xf32, #tpu.memory_space<vmem>>)
      tpu.yield
    }) : () -> ()
    %barrier3A = arith.constant 0 : index
    tpu.barrier barrier_id(%barrier3A)
    %scan3A = arith.constant 0 : i32
    %scan3A_9 = arith.constant 3 : i32
    %scan3A_10 = arith.addi %scan3A, %scan3A_9 : i32
    %scan3A_11 = arith.constant 1 : i32
    scf.for %scan3A_25 = %scan3A to %scan3A_10 step %scan3A_11  : i32 {
      %mul3A_26 = arith.constant 1 : i32
      %mul3A_27 = arith.muli %scan3A_25, %mul3A_26 : i32
      %add3A_28 = arith.constant 0 : i32
      %add3A_29 = arith.addi %add3A_28, %mul3A_27 : i32
      %mul3A_30 = arith.constant 81 : i32
      %mul3A_31 = arith.muli %add3A, %mul3A_30 : i32
      %mul3A_32 = arith.constant 128 : i32
      %mul3A_33 = arith.muli %mul3A_31, %mul3A_32 : i32
      %mul3A_34 = arith.constant 3456 : i32
      %mul3A_35 = arith.muli %add3A_29, %mul3A_34 : i32
      %add3A_36 = arith.addi %mul3A_33, %mul3A_35 : i32
      %add3A_37 = arith.constant 0 : i32
      %add3A_38 = arith.addi %add3A_37, %add3A_36 : i32
      "tpu.region"() ({
        %run_scoped3A = tpu.sem_alloc : memref<!tpu.dma_semaphore, #tpu.memory_space<semaphore_mem>>
        %dma_start3A = arith.constant 0 : i32
        %dma_start3A_66 = tpu.memref_slice %arg10[%dma_start3A] : memref<13824xf32, #tpu.memory_space<vmem>> -> memref<3456xf32, #tpu.memory_space<vmem>>
        %dma_start3A_67 = tpu.memref_slice %arg2[%add3A_38] : memref<1327104xf32, #tpu.memory_space<hbm>> -> memref<3456xf32, #tpu.memory_space<hbm>>
        %dma_start3A_68 = arith.constant 0 : i32
        %dma_start3A_69 = tpu.memref_slice %arg10[%dma_start3A_68] : memref<13824xf32, #tpu.memory_space<vmem>> -> memref<3456xf32, #tpu.memory_space<vmem>>
        %dma_start3A_70 = tpu.memref_slice %arg2[%add3A_38] : memref<1327104xf32, #tpu.memory_space<hbm>> -> memref<3456xf32, #tpu.memory_space<hbm>>
        tpu.enqueue_dma source(%dma_start3A_70 : memref<3456xf32, #tpu.memory_space<hbm>>) target(%dma_start3A_69 : memref<3456xf32, #tpu.memory_space<vmem>>) target_semaphore(%run_scoped3A : memref<!tpu.dma_semaphore, #tpu.memory_space<semaphore_mem>>)
        %dma_wait3A_71 = arith.constant 0 : i32
        %dma_wait3A_72 = tpu.memref_slice %arg10[%dma_wait3A_71] : memref<13824xf32, #tpu.memory_space<vmem>> -> memref<3456xf32, #tpu.memory_space<vmem>>
        %dma_wait3A_73 = tpu.memref_slice %arg2[%add3A_38] : memref<1327104xf32, #tpu.memory_space<hbm>> -> memref<3456xf32, #tpu.memory_space<hbm>>
        %dma_wait3A_74 = arith.constant 0 : i32
        %dma_wait3A_75 = tpu.memref_slice %arg10[%dma_wait3A_74] : memref<13824xf32, #tpu.memory_space<vmem>> -> memref<3456xf32, #tpu.memory_space<vmem>>
        %dma_wait3A_76 = tpu.memref_slice %arg2[%add3A_38] : memref<1327104xf32, #tpu.memory_space<hbm>> -> memref<3456xf32, #tpu.memory_space<hbm>>
        tpu.wait_dma2 semaphore(%run_scoped3A : memref<!tpu.dma_semaphore, #tpu.memory_space<semaphore_mem>>) src(%dma_wait3A_76 : memref<3456xf32, #tpu.memory_space<hbm>>) dst(%dma_wait3A_75 : memref<3456xf32, #tpu.memory_space<vmem>>)
        tpu.yield
      }) : () -> ()
      %add3A_39 = arith.constant 331776 : i32
      %add3A_40 = arith.addi %add3A_39, %add3A_36 : i32
      "tpu.region"() ({
        %run_scoped3A = tpu.sem_alloc : memref<!tpu.dma_semaphore, #tpu.memory_space<semaphore_mem>>
        %dma_start3A = arith.constant 3456 : i32
        %dma_start3A_66 = tpu.memref_slice %arg10[%dma_start3A] : memref<13824xf32, #tpu.memory_space<vmem>> -> memref<3456xf32, #tpu.memory_space<vmem>>
        %dma_start3A_67 = tpu.memref_slice %arg2[%add3A_40] : memref<1327104xf32, #tpu.memory_space<hbm>> -> memref<3456xf32, #tpu.memory_space<hbm>>
        %dma_start3A_68 = arith.constant 3456 : i32
        %dma_start3A_69 = tpu.memref_slice %arg10[%dma_start3A_68] : memref<13824xf32, #tpu.memory_space<vmem>> -> memref<3456xf32, #tpu.memory_space<vmem>>
        %dma_start3A_70 = tpu.memref_slice %arg2[%add3A_40] : memref<1327104xf32, #tpu.memory_space<hbm>> -> memref<3456xf32, #tpu.memory_space<hbm>>
        tpu.enqueue_dma source(%dma_start3A_70 : memref<3456xf32, #tpu.memory_space<hbm>>) target(%dma_start3A_69 : memref<3456xf32, #tpu.memory_space<vmem>>) target_semaphore(%run_scoped3A : memref<!tpu.dma_semaphore, #tpu.memory_space<semaphore_mem>>)
        %dma_wait3A_71 = arith.constant 3456 : i32
        %dma_wait3A_72 = tpu.memref_slice %arg10[%dma_wait3A_71] : memref<13824xf32, #tpu.memory_space<vmem>> -> memref<3456xf32, #tpu.memory_space<vmem>>
        %dma_wait3A_73 = tpu.memref_slice %arg2[%add3A_40] : memref<1327104xf32, #tpu.memory_space<hbm>> -> memref<3456xf32, #tpu.memory_space<hbm>>
        %dma_wait3A_74 = arith.constant 3456 : i32
        %dma_wait3A_75 = tpu.memref_slice %arg10[%dma_wait3A_74] : memref<13824xf32, #tpu.memory_space<vmem>> -> memref<3456xf32, #tpu.memory_space<vmem>>
        %dma_wait3A_76 = tpu.memref_slice %arg2[%add3A_40] : memref<1327104xf32, #tpu.memory_space<hbm>> -> memref<3456xf32, #tpu.memory_space<hbm>>
        tpu.wait_dma2 semaphore(%run_scoped3A : memref<!tpu.dma_semaphore, #tpu.memory_space<semaphore_mem>>) src(%dma_wait3A_76 : memref<3456xf32, #tpu.memory_space<hbm>>) dst(%dma_wait3A_75 : memref<3456xf32, #tpu.memory_space<vmem>>)
        tpu.yield
      }) : () -> ()
      %add3A_41 = arith.constant 663552 : i32
      %add3A_42 = arith.addi %add3A_41, %add3A_36 : i32
      "tpu.region"() ({
        %run_scoped3A = tpu.sem_alloc : memref<!tpu.dma_semaphore, #tpu.memory_space<semaphore_mem>>
        %dma_start3A = arith.constant 6912 : i32
        %dma_start3A_66 = tpu.memref_slice %arg10[%dma_start3A] : memref<13824xf32, #tpu.memory_space<vmem>> -> memref<3456xf32, #tpu.memory_space<vmem>>
        %dma_start3A_67 = tpu.memref_slice %arg2[%add3A_42] : memref<1327104xf32, #tpu.memory_space<hbm>> -> memref<3456xf32, #tpu.memory_space<hbm>>
        %dma_start3A_68 = arith.constant 6912 : i32
        %dma_start3A_69 = tpu.memref_slice %arg10[%dma_start3A_68] : memref<13824xf32, #tpu.memory_space<vmem>> -> memref<3456xf32, #tpu.memory_space<vmem>>
        %dma_start3A_70 = tpu.memref_slice %arg2[%add3A_42] : memref<1327104xf32, #tpu.memory_space<hbm>> -> memref<3456xf32, #tpu.memory_space<hbm>>
        tpu.enqueue_dma source(%dma_start3A_70 : memref<3456xf32, #tpu.memory_space<hbm>>) target(%dma_start3A_69 : memref<3456xf32, #tpu.memory_space<vmem>>) target_semaphore(%run_scoped3A : memref<!tpu.dma_semaphore, #tpu.memory_space<semaphore_mem>>)
        %dma_wait3A_71 = arith.constant 6912 : i32
        %dma_wait3A_72 = tpu.memref_slice %arg10[%dma_wait3A_71] : memref<13824xf32, #tpu.memory_space<vmem>> -> memref<3456xf32, #tpu.memory_space<vmem>>
        %dma_wait3A_73 = tpu.memref_slice %arg2[%add3A_42] : memref<1327104xf32, #tpu.memory_space<hbm>> -> memref<3456xf32, #tpu.memory_space<hbm>>
        %dma_wait3A_74 = arith.constant 6912 : i32
        %dma_wait3A_75 = tpu.memref_slice %arg10[%dma_wait3A_74] : memref<13824xf32, #tpu.memory_space<vmem>> -> memref<3456xf32, #tpu.memory_space<vmem>>
        %dma_wait3A_76 = tpu.memref_slice %arg2[%add3A_42] : memref<1327104xf32, #tpu.memory_space<hbm>> -> memref<3456xf32, #tpu.memory_space<hbm>>
        tpu.wait_dma2 semaphore(%run_scoped3A : memref<!tpu.dma_semaphore, #tpu.memory_space<semaphore_mem>>) src(%dma_wait3A_76 : memref<3456xf32, #tpu.memory_space<hbm>>) dst(%dma_wait3A_75 : memref<3456xf32, #tpu.memory_space<vmem>>)
        tpu.yield
      }) : () -> ()
      %add3A_43 = arith.constant 995328 : i32
      %add3A_44 = arith.addi %add3A_43, %add3A_36 : i32
      "tpu.region"() ({
        %run_scoped3A = tpu.sem_alloc : memref<!tpu.dma_semaphore, #tpu.memory_space<semaphore_mem>>
        %dma_start3A = arith.constant 10368 : i32
        %dma_start3A_66 = tpu.memref_slice %arg10[%dma_start3A] : memref<13824xf32, #tpu.memory_space<vmem>> -> memref<3456xf32, #tpu.memory_space<vmem>>
        %dma_start3A_67 = tpu.memref_slice %arg2[%add3A_44] : memref<1327104xf32, #tpu.memory_space<hbm>> -> memref<3456xf32, #tpu.memory_space<hbm>>
        %dma_start3A_68 = arith.constant 10368 : i32
        %dma_start3A_69 = tpu.memref_slice %arg10[%dma_start3A_68] : memref<13824xf32, #tpu.memory_space<vmem>> -> memref<3456xf32, #tpu.memory_space<vmem>>
        %dma_start3A_70 = tpu.memref_slice %arg2[%add3A_44] : memref<1327104xf32, #tpu.memory_space<hbm>> -> memref<3456xf32, #tpu.memory_space<hbm>>
        tpu.enqueue_dma source(%dma_start3A_70 : memref<3456xf32, #tpu.memory_space<hbm>>) target(%dma_start3A_69 : memref<3456xf32, #tpu.memory_space<vmem>>) target_semaphore(%run_scoped3A : memref<!tpu.dma_semaphore, #tpu.memory_space<semaphore_mem>>)
        %dma_wait3A_71 = arith.constant 10368 : i32
        %dma_wait3A_72 = tpu.memref_slice %arg10[%dma_wait3A_71] : memref<13824xf32, #tpu.memory_space<vmem>> -> memref<3456xf32, #tpu.memory_space<vmem>>
        %dma_wait3A_73 = tpu.memref_slice %arg2[%add3A_44] : memref<1327104xf32, #tpu.memory_space<hbm>> -> memref<3456xf32, #tpu.memory_space<hbm>>
        %dma_wait3A_74 = arith.constant 10368 : i32
        %dma_wait3A_75 = tpu.memref_slice %arg10[%dma_wait3A_74] : memref<13824xf32, #tpu.memory_space<vmem>> -> memref<3456xf32, #tpu.memory_space<vmem>>
        %dma_wait3A_76 = tpu.memref_slice %arg2[%add3A_44] : memref<1327104xf32, #tpu.memory_space<hbm>> -> memref<3456xf32, #tpu.memory_space<hbm>>
        tpu.wait_dma2 semaphore(%run_scoped3A : memref<!tpu.dma_semaphore, #tpu.memory_space<semaphore_mem>>) src(%dma_wait3A_76 : memref<3456xf32, #tpu.memory_space<hbm>>) dst(%dma_wait3A_75 : memref<3456xf32, #tpu.memory_space<vmem>>)
        tpu.yield
      }) : () -> ()
      "tpu.region"() ({
        %run_scoped3A = tpu.sem_alloc : memref<!tpu.dma_semaphore, #tpu.memory_space<semaphore_mem>>
        %dma_start3A = tpu.memref_slice %arg4[%add3A_36] : memref<331776xi32, #tpu.memory_space<hbm>> -> memref<3456xi32, #tpu.memory_space<hbm>>
        %dma_start3A_66 = tpu.memref_slice %arg4[%add3A_36] : memref<331776xi32, #tpu.memory_space<hbm>> -> memref<3456xi32, #tpu.memory_space<hbm>>
        tpu.enqueue_dma source(%dma_start3A_66 : memref<3456xi32, #tpu.memory_space<hbm>>) target(%arg12 : memref<3456xi32, #tpu.memory_space<vmem>>) target_semaphore(%run_scoped3A : memref<!tpu.dma_semaphore, #tpu.memory_space<semaphore_mem>>)
        %dma_wait3A_67 = tpu.memref_slice %arg4[%add3A_36] : memref<331776xi32, #tpu.memory_space<hbm>> -> memref<3456xi32, #tpu.memory_space<hbm>>
        %dma_wait3A_68 = tpu.memref_slice %arg4[%add3A_36] : memref<331776xi32, #tpu.memory_space<hbm>> -> memref<3456xi32, #tpu.memory_space<hbm>>
        tpu.wait_dma2 semaphore(%run_scoped3A : memref<!tpu.dma_semaphore, #tpu.memory_space<semaphore_mem>>) src(%dma_wait3A_68 : memref<3456xi32, #tpu.memory_space<hbm>>) dst(%arg12 : memref<3456xi32, #tpu.memory_space<vmem>>)
        tpu.yield
      }) : () -> ()
      "tpu.region"() ({
        %run_scoped3A = tpu.sem_alloc : memref<!tpu.dma_semaphore, #tpu.memory_space<semaphore_mem>>
        %dma_start3A = tpu.memref_slice %arg5[%add3A_36] : memref<331776xi32, #tpu.memory_space<hbm>> -> memref<3456xi32, #tpu.memory_space<hbm>>
        %dma_start3A_66 = tpu.memref_slice %arg5[%add3A_36] : memref<331776xi32, #tpu.memory_space<hbm>> -> memref<3456xi32, #tpu.memory_space<hbm>>
        tpu.enqueue_dma source(%dma_start3A_66 : memref<3456xi32, #tpu.memory_space<hbm>>) target(%arg13 : memref<3456xi32, #tpu.memory_space<vmem>>) target_semaphore(%run_scoped3A : memref<!tpu.dma_semaphore, #tpu.memory_space<semaphore_mem>>)
        %dma_wait3A_67 = tpu.memref_slice %arg5[%add3A_36] : memref<331776xi32, #tpu.memory_space<hbm>> -> memref<3456xi32, #tpu.memory_space<hbm>>
        %dma_wait3A_68 = tpu.memref_slice %arg5[%add3A_36] : memref<331776xi32, #tpu.memory_space<hbm>> -> memref<3456xi32, #tpu.memory_space<hbm>>
        tpu.wait_dma2 semaphore(%run_scoped3A : memref<!tpu.dma_semaphore, #tpu.memory_space<semaphore_mem>>) src(%dma_wait3A_68 : memref<3456xi32, #tpu.memory_space<hbm>>) dst(%arg13 : memref<3456xi32, #tpu.memory_space<vmem>>)
        tpu.yield
      }) : () -> ()
      %scan3A_45 = arith.constant 0 : i32
      %scan3A_46 = arith.constant 27 : i32
      %scan3A_47 = arith.addi %scan3A_45, %scan3A_46 : i32
      %scan3A_48 = arith.constant 1 : i32
      scf.for %scan3A_66 = %scan3A_45 to %scan3A_47 step %scan3A_48  : i32 {
        %mul3A_67 = arith.constant 1 : i32
        %mul3A_68 = arith.muli %scan3A_66, %mul3A_67 : i32
        %add3A_69 = arith.constant 0 : i32
        %add3A_70 = arith.addi %add3A_69, %mul3A_68 : i32
        %mul3A_71 = arith.constant 128 : i32
        %mul3A_72 = arith.muli %add3A_70, %mul3A_71 : i32
        %add3A_73 = arith.constant 0 : i32
        %add3A_74 = arith.addi %mul3A_72, %add3A_73 : i32
        %get3A = arith.index_cast %add3A_74 : i32 to index
        %get3A_75 = tpu.vector_load %arg12[%get3A] {strides = array<i32>} : memref<3456xi32, #tpu.memory_space<vmem>>, vector<16xi32>,
        %add3A_76 = arith.constant 0 : i32
        %add3A_77 = vector.broadcast %add3A_76 : i32 to vector<16xi32>
        %add3A_78 = arith.addi %get3A_75, %add3A_77 : vector<16xi32>
        %gather3A = tpu.vector_load_idx %arg9[%add3A_78] : memref<40000xf32, #tpu.memory_space<vmem>>[vector<16xi32>], vector<16xf32>,
        %add3A_79 = arith.constant 0 : i32
        %add3A_80 = arith.addi %add3A_79, %add3A_74 : i32
        %get3A_81 = arith.index_cast %add3A_80 : i32 to index
        %get3A_82 = tpu.vector_load %arg10[%get3A_81] {strides = array<i32>} : memref<13824xf32, #tpu.memory_space<vmem>>, vector<16xf32>,
        %add3A_83 = arith.addf %get3A_82, %gather3A : vector<16xf32>
        %mul3A_84 = arith.constant 2.000000e-01 : f32
        %mul3A_85 = vector.broadcast %mul3A_84 : f32 to vector<16xf32>
        %mul3A_86 = arith.mulf %mul3A_85, %add3A_83 : vector<16xf32>
        %max3A = arith.maximumf %add3A_83, %mul3A_86 : vector<16xf32>
        %exp3A = math.exp %max3A : vector<16xf32>
        %add3A_87 = arith.constant 0 : i32
        %add3A_88 = arith.addi %add3A_87, %add3A_74 : i32
        %swap3A = arith.index_cast %add3A_88 : i32 to index
        %swap3A_89 = tpu.vector_load %arg11[%swap3A] {strides = array<i32>} : memref<13824xf32, #tpu.memory_space<vmem>>, vector<16xf32>,
        tpu.vector_store %arg11[%swap3A], %exp3A {strides = array<i32>} : memref<13824xf32, #tpu.memory_space<vmem>>, vector<16xf32>,
        %get3A_90 = arith.index_cast %add3A_74 : i32 to index
        %get3A_91 = tpu.vector_load %arg13[%get3A_90] {strides = array<i32>} : memref<3456xi32, #tpu.memory_space<vmem>>, vector<16xi32>,
        %mul3A_92 = arith.constant 4 : i32
        %mul3A_93 = vector.broadcast %mul3A_92 : i32 to vector<16xi32>
        %mul3A_94 = arith.muli %get3A_91, %mul3A_93 : vector<16xi32>
        %add3A_95 = arith.constant 0 : i32
        %add3A_96 = vector.broadcast %add3A_95 : i32 to vector<16xi32>
        %add3A_97 = arith.addi %mul3A_94, %add3A_96 : vector<16xi32>
        %add3A_98 = arith.constant 0 : i32
        %add3A_99 = arith.addi %add3A_98, %add3A_70 : i32
        %swap3A_100 = arith.index_cast %add3A_99 : i32 to index
        %swap3A_101 = arith.constant 0 : index
        %swap3A_102 = tpu.vector_load %arg14[%swap3A_100, %swap3A_101] {strides = array<i32>} : memref<108x128xi32, #tpu.memory_space<vmem>>, vector<16xi32>,
        tpu.vector_store %arg14[%swap3A_100, %swap3A_101], %add3A_97 {strides = array<i32>} : memref<108x128xi32, #tpu.memory_space<vmem>>, vector<16xi32>,
        %mul3A_103 = arith.constant 128 : i32
        %mul3A_104 = arith.muli %add3A_70, %mul3A_103 : i32
        %add3A_105 = arith.constant 16 : i32
        %add3A_106 = arith.addi %mul3A_104, %add3A_105 : i32
        %get3A_107 = arith.index_cast %add3A_106 : i32 to index
        %get3A_108 = tpu.vector_load %arg12[%get3A_107] {strides = array<i32>} : memref<3456xi32, #tpu.memory_space<vmem>>, vector<16xi32>,
        %add3A_109 = arith.constant 0 : i32
        %add3A_110 = vector.broadcast %add3A_109 : i32 to vector<16xi32>
        %add3A_111 = arith.addi %get3A_108, %add3A_110 : vector<16xi32>
        %gather3A_112 = tpu.vector_load_idx %arg9[%add3A_111] : memref<40000xf32, #tpu.memory_space<vmem>>[vector<16xi32>], vector<16xf32>,
        %add3A_113 = arith.constant 0 : i32
        %add3A_114 = arith.addi %add3A_113, %add3A_106 : i32
        %get3A_115 = arith.index_cast %add3A_114 : i32 to index
        %get3A_116 = tpu.vector_load %arg10[%get3A_115] {strides = array<i32>} : memref<13824xf32, #tpu.memory_space<vmem>>, vector<16xf32>,
        %add3A_117 = arith.addf %get3A_116, %gather3A_112 : vector<16xf32>
        %mul3A_118 = arith.constant 2.000000e-01 : f32
        %mul3A_119 = vector.broadcast %mul3A_118 : f32 to vector<16xf32>
        %mul3A_120 = arith.mulf %mul3A_119, %add3A_117 : vector<16xf32>
        %max3A_121 = arith.maximumf %add3A_117, %mul3A_120 : vector<16xf32>
        %exp3A_122 = math.exp %max3A_121 : vector<16xf32>
        %add3A_123 = arith.constant 0 : i32
        %add3A_124 = arith.addi %add3A_123, %add3A_106 : i32
        %swap3A_125 = arith.index_cast %add3A_124 : i32 to index
        %swap3A_126 = tpu.vector_load %arg11[%swap3A_125] {strides = array<i32>} : memref<13824xf32, #tpu.memory_space<vmem>>, vector<16xf32>,
        tpu.vector_store %arg11[%swap3A_125], %exp3A_122 {strides = array<i32>} : memref<13824xf32, #tpu.memory_space<vmem>>, vector<16xf32>,
        %get3A_127 = arith.index_cast %add3A_106 : i32 to index
        %get3A_128 = tpu.vector_load %arg13[%get3A_127] {strides = array<i32>} : memref<3456xi32, #tpu.memory_space<vmem>>, vector<16xi32>,
        %mul3A_129 = arith.constant 4 : i32
        %mul3A_130 = vector.broadcast %mul3A_129 : i32 to vector<16xi32>
        %mul3A_131 = arith.muli %get3A_128, %mul3A_130 : vector<16xi32>
        %add3A_132 = arith.constant 0 : i32
        %add3A_133 = vector.broadcast %add3A_132 : i32 to vector<16xi32>
        %add3A_134 = arith.addi %mul3A_131, %add3A_133 : vector<16xi32>
        %add3A_135 = arith.constant 0 : i32
        %add3A_136 = arith.addi %add3A_135, %add3A_70 : i32
        %swap3A_137 = arith.index_cast %add3A_136 : i32 to index
        %swap3A_138 = arith.constant 16 : index
        %swap3A_139 = tpu.vector_load %arg14[%swap3A_137, %swap3A_138] {strides = array<i32>} : memref<108x128xi32, #tpu.memory_space<vmem>>, vector<16xi32>,
        tpu.vector_store %arg14[%swap3A_137, %swap3A_138], %add3A_134 {strides = array<i32>} : memref<108x128xi32, #tpu.memory_space<vmem>>, vector<16xi32>,
        %mul3A_140 = arith.constant 128 : i32
        %mul3A_141 = arith.muli %add3A_70, %mul3A_140 : i32
        %add3A_142 = arith.constant 32 : i32
        %add3A_143 = arith.addi %mul3A_141, %add3A_142 : i32
        %get3A_144 = arith.index_cast %add3A_143 : i32 to index
        %get3A_145 = tpu.vector_load %arg12[%get3A_144] {strides = array<i32>} : memref<3456xi32, #tpu.memory_space<vmem>>, vector<16xi32>,
        %add3A_146 = arith.constant 0 : i32
        %add3A_147 = vector.broadcast %add3A_146 : i32 to vector<16xi32>
        %add3A_148 = arith.addi %get3A_145, %add3A_147 : vector<16xi32>
        %gather3A_149 = tpu.vector_load_idx %arg9[%add3A_148] : memref<40000xf32, #tpu.memory_space<vmem>>[vector<16xi32>], vector<16xf32>,
        %add3A_150 = arith.constant 0 : i32
        %add3A_151 = arith.addi %add3A_150, %add3A_143 : i32
        %get3A_152 = arith.index_cast %add3A_151 : i32 to index
        %get3A_153 = tpu.vector_load %arg10[%get3A_152] {strides = array<i32>} : memref<13824xf32, #tpu.memory_space<vmem>>, vector<16xf32>,
        %add3A_154 = arith.addf %get3A_153, %gather3A_149 : vector<16xf32>
        %mul3A_155 = arith.constant 2.000000e-01 : f32
        %mul3A_156 = vector.broadcast %mul3A_155 : f32 to vector<16xf32>
        %mul3A_157 = arith.mulf %mul3A_156, %add3A_154 : vector<16xf32>
        %max3A_158 = arith.maximumf %add3A_154, %mul3A_157 : vector<16xf32>
        %exp3A_159 = math.exp %max3A_158 : vector<16xf32>
        %add3A_160 = arith.constant 0 : i32
        %add3A_161 = arith.addi %add3A_160, %add3A_143 : i32
        %swap3A_162 = arith.index_cast %add3A_161 : i32 to index
        %swap3A_163 = tpu.vector_load %arg11[%swap3A_162] {strides = array<i32>} : memref<13824xf32, #tpu.memory_space<vmem>>, vector<16xf32>,
        tpu.vector_store %arg11[%swap3A_162], %exp3A_159 {strides = array<i32>} : memref<13824xf32, #tpu.memory_space<vmem>>, vector<16xf32>,
        %get3A_164 = arith.index_cast %add3A_143 : i32 to index
        %get3A_165 = tpu.vector_load %arg13[%get3A_164] {strides = array<i32>} : memref<3456xi32, #tpu.memory_space<vmem>>, vector<16xi32>,
        %mul3A_166 = arith.constant 4 : i32
        %mul3A_167 = vector.broadcast %mul3A_166 : i32 to vector<16xi32>
        %mul3A_168 = arith.muli %get3A_165, %mul3A_167 : vector<16xi32>
        %add3A_169 = arith.constant 0 : i32
        %add3A_170 = vector.broadcast %add3A_169 : i32 to vector<16xi32>
        %add3A_171 = arith.addi %mul3A_168, %add3A_170 : vector<16xi32>
        %add3A_172 = arith.constant 0 : i32
        %add3A_173 = arith.addi %add3A_172, %add3A_70 : i32
        %swap3A_174 = arith.index_cast %add3A_173 : i32 to index
        %swap3A_175 = arith.constant 32 : index
        %swap3A_176 = tpu.vector_load %arg14[%swap3A_174, %swap3A_175] {strides = array<i32>} : memref<108x128xi32, #tpu.memory_space<vmem>>, vector<16xi32>,
        tpu.vector_store %arg14[%swap3A_174, %swap3A_175], %add3A_171 {strides = array<i32>} : memref<108x128xi32, #tpu.memory_space<vmem>>, vector<16xi32>,
        %mul3A_177 = arith.constant 128 : i32
        %mul3A_178 = arith.muli %add3A_70, %mul3A_177 : i32
        %add3A_179 = arith.constant 48 : i32
        %add3A_180 = arith.addi %mul3A_178, %add3A_179 : i32
        %get3A_181 = arith.index_cast %add3A_180 : i32 to index
        %get3A_182 = tpu.vector_load %arg12[%get3A_181] {strides = array<i32>} : memref<3456xi32, #tpu.memory_space<vmem>>, vector<16xi32>,
        %add3A_183 = arith.constant 0 : i32
        %add3A_184 = vector.broadcast %add3A_183 : i32 to vector<16xi32>
        %add3A_185 = arith.addi %get3A_182, %add3A_184 : vector<16xi32>
        %gather3A_186 = tpu.vector_load_idx %arg9[%add3A_185] : memref<40000xf32, #tpu.memory_space<vmem>>[vector<16xi32>], vector<16xf32>,
        %add3A_187 = arith.constant 0 : i32
        %add3A_188 = arith.addi %add3A_187, %add3A_180 : i32
        %get3A_189 = arith.index_cast %add3A_188 : i32 to index
        %get3A_190 = tpu.vector_load %arg10[%get3A_189] {strides = array<i32>} : memref<13824xf32, #tpu.memory_space<vmem>>, vector<16xf32>,
        %add3A_191 = arith.addf %get3A_190, %gather3A_186 : vector<16xf32>
        %mul3A_192 = arith.constant 2.000000e-01 : f32
        %mul3A_193 = vector.broadcast %mul3A_192 : f32 to vector<16xf32>
        %mul3A_194 = arith.mulf %mul3A_193, %add3A_191 : vector<16xf32>
        %max3A_195 = arith.maximumf %add3A_191, %mul3A_194 : vector<16xf32>
        %exp3A_196 = math.exp %max3A_195 : vector<16xf32>
        %add3A_197 = arith.constant 0 : i32
        %add3A_198 = arith.addi %add3A_197, %add3A_180 : i32
        %swap3A_199 = arith.index_cast %add3A_198 : i32 to index
        %swap3A_200 = tpu.vector_load %arg11[%swap3A_199] {strides = array<i32>} : memref<13824xf32, #tpu.memory_space<vmem>>, vector<16xf32>,
        tpu.vector_store %arg11[%swap3A_199], %exp3A_196 {strides = array<i32>} : memref<13824xf32, #tpu.memory_space<vmem>>, vector<16xf32>,
        %get3A_201 = arith.index_cast %add3A_180 : i32 to index
        %get3A_202 = tpu.vector_load %arg13[%get3A_201] {strides = array<i32>} : memref<3456xi32, #tpu.memory_space<vmem>>, vector<16xi32>,
        %mul3A_203 = arith.constant 4 : i32
        %mul3A_204 = vector.broadcast %mul3A_203 : i32 to vector<16xi32>
        %mul3A_205 = arith.muli %get3A_202, %mul3A_204 : vector<16xi32>
        %add3A_206 = arith.constant 0 : i32
        %add3A_207 = vector.broadcast %add3A_206 : i32 to vector<16xi32>
        %add3A_208 = arith.addi %mul3A_205, %add3A_207 : vector<16xi32>
        %add3A_209 = arith.constant 0 : i32
        %add3A_210 = arith.addi %add3A_209, %add3A_70 : i32
        %swap3A_211 = arith.index_cast %add3A_210 : i32 to index
        %swap3A_212 = arith.constant 48 : index
        %swap3A_213 = tpu.vector_load %arg14[%swap3A_211, %swap3A_212] {strides = array<i32>} : memref<108x128xi32, #tpu.memory_space<vmem>>, vector<16xi32>,
        tpu.vector_store %arg14[%swap3A_211, %swap3A_212], %add3A_208 {strides = array<i32>} : memref<108x128xi32, #tpu.memory_space<vmem>>, vector<16xi32>,
        %mul3A_214 = arith.constant 128 : i32
        %mul3A_215 = arith.muli %add3A_70, %mul3A_214 : i32
        %add3A_216 = arith.constant 64 : i32
        %add3A_217 = arith.addi %mul3A_215, %add3A_216 : i32
        %get3A_218 = arith.index_cast %add3A_217 : i32 to index
        %get3A_219 = tpu.vector_load %arg12[%get3A_218] {strides = array<i32>} : memref<3456xi32, #tpu.memory_space<vmem>>, vector<16xi32>,
        %add3A_220 = arith.constant 0 : i32
        %add3A_221 = vector.broadcast %add3A_220 : i32 to vector<16xi32>
        %add3A_222 = arith.addi %get3A_219, %add3A_221 : vector<16xi32>
        %gather3A_223 = tpu.vector_load_idx %arg9[%add3A_222] : memref<40000xf32, #tpu.memory_space<vmem>>[vector<16xi32>], vector<16xf32>,
        %add3A_224 = arith.constant 0 : i32
        %add3A_225 = arith.addi %add3A_224, %add3A_217 : i32
        %get3A_226 = arith.index_cast %add3A_225 : i32 to index
        %get3A_227 = tpu.vector_load %arg10[%get3A_226] {strides = array<i32>} : memref<13824xf32, #tpu.memory_space<vmem>>, vector<16xf32>,
        %add3A_228 = arith.addf %get3A_227, %gather3A_223 : vector<16xf32>
        %mul3A_229 = arith.constant 2.000000e-01 : f32
        %mul3A_230 = vector.broadcast %mul3A_229 : f32 to vector<16xf32>
        %mul3A_231 = arith.mulf %mul3A_230, %add3A_228 : vector<16xf32>
        %max3A_232 = arith.maximumf %add3A_228, %mul3A_231 : vector<16xf32>
        %exp3A_233 = math.exp %max3A_232 : vector<16xf32>
        %add3A_234 = arith.constant 0 : i32
        %add3A_235 = arith.addi %add3A_234, %add3A_217 : i32
        %swap3A_236 = arith.index_cast %add3A_235 : i32 to index
        %swap3A_237 = tpu.vector_load %arg11[%swap3A_236] {strides = array<i32>} : memref<13824xf32, #tpu.memory_space<vmem>>, vector<16xf32>,
        tpu.vector_store %arg11[%swap3A_236], %exp3A_233 {strides = array<i32>} : memref<13824xf32, #tpu.memory_space<vmem>>, vector<16xf32>,
        %get3A_238 = arith.index_cast %add3A_217 : i32 to index
        %get3A_239 = tpu.vector_load %arg13[%get3A_238] {strides = array<i32>} : memref<3456xi32, #tpu.memory_space<vmem>>, vector<16xi32>,
        %mul3A_240 = arith.constant 4 : i32
        %mul3A_241 = vector.broadcast %mul3A_240 : i32 to vector<16xi32>
        %mul3A_242 = arith.muli %get3A_239, %mul3A_241 : vector<16xi32>
        %add3A_243 = arith.constant 0 : i32
        %add3A_244 = vector.broadcast %add3A_243 : i32 to vector<16xi32>
        %add3A_245 = arith.addi %mul3A_242, %add3A_244 : vector<16xi32>
        %add3A_246 = arith.constant 0 : i32
        %add3A_247 = arith.addi %add3A_246, %add3A_70 : i32
        %swap3A_248 = arith.index_cast %add3A_247 : i32 to index
        %swap3A_249 = arith.constant 64 : index
        %swap3A_250 = tpu.vector_load %arg14[%swap3A_248, %swap3A_249] {strides = array<i32>} : memref<108x128xi32, #tpu.memory_space<vmem>>, vector<16xi32>,
        tpu.vector_store %arg14[%swap3A_248, %swap3A_249], %add3A_245 {strides = array<i32>} : memref<108x128xi32, #tpu.memory_space<vmem>>, vector<16xi32>,
        %mul3A_251 = arith.constant 128 : i32
        %mul3A_252 = arith.muli %add3A_70, %mul3A_251 : i32
        %add3A_253 = arith.constant 80 : i32
        %add3A_254 = arith.addi %mul3A_252, %add3A_253 : i32
        %get3A_255 = arith.index_cast %add3A_254 : i32 to index
        %get3A_256 = tpu.vector_load %arg12[%get3A_255] {strides = array<i32>} : memref<3456xi32, #tpu.memory_space<vmem>>, vector<16xi32>,
        %add3A_257 = arith.constant 0 : i32
        %add3A_258 = vector.broadcast %add3A_257 : i32 to vector<16xi32>
        %add3A_259 = arith.addi %get3A_256, %add3A_258 : vector<16xi32>
        %gather3A_260 = tpu.vector_load_idx %arg9[%add3A_259] : memref<40000xf32, #tpu.memory_space<vmem>>[vector<16xi32>], vector<16xf32>,
        %add3A_261 = arith.constant 0 : i32
        %add3A_262 = arith.addi %add3A_261, %add3A_254 : i32
        %get3A_263 = arith.index_cast %add3A_262 : i32 to index
        %get3A_264 = tpu.vector_load %arg10[%get3A_263] {strides = array<i32>} : memref<13824xf32, #tpu.memory_space<vmem>>, vector<16xf32>,
        %add3A_265 = arith.addf %get3A_264, %gather3A_260 : vector<16xf32>
        %mul3A_266 = arith.constant 2.000000e-01 : f32
        %mul3A_267 = vector.broadcast %mul3A_266 : f32 to vector<16xf32>
        %mul3A_268 = arith.mulf %mul3A_267, %add3A_265 : vector<16xf32>
        %max3A_269 = arith.maximumf %add3A_265, %mul3A_268 : vector<16xf32>
        %exp3A_270 = math.exp %max3A_269 : vector<16xf32>
        %add3A_271 = arith.constant 0 : i32
        %add3A_272 = arith.addi %add3A_271, %add3A_254 : i32
        %swap3A_273 = arith.index_cast %add3A_272 : i32 to index
        %swap3A_274 = tpu.vector_load %arg11[%swap3A_273] {strides = array<i32>} : memref<13824xf32, #tpu.memory_space<vmem>>, vector<16xf32>,
        tpu.vector_store %arg11[%swap3A_273], %exp3A_270 {strides = array<i32>} : memref<13824xf32, #tpu.memory_space<vmem>>, vector<16xf32>,
        %get3A_275 = arith.index_cast %add3A_254 : i32 to index
        %get3A_276 = tpu.vector_load %arg13[%get3A_275] {strides = array<i32>} : memref<3456xi32, #tpu.memory_space<vmem>>, vector<16xi32>,
        %mul3A_277 = arith.constant 4 : i32
        %mul3A_278 = vector.broadcast %mul3A_277 : i32 to vector<16xi32>
        %mul3A_279 = arith.muli %get3A_276, %mul3A_278 : vector<16xi32>
        %add3A_280 = arith.constant 0 : i32
        %add3A_281 = vector.broadcast %add3A_280 : i32 to vector<16xi32>
        %add3A_282 = arith.addi %mul3A_279, %add3A_281 : vector<16xi32>
        %add3A_283 = arith.constant 0 : i32
        %add3A_284 = arith.addi %add3A_283, %add3A_70 : i32
        %swap3A_285 = arith.index_cast %add3A_284 : i32 to index
        %swap3A_286 = arith.constant 80 : index
        %swap3A_287 = tpu.vector_load %arg14[%swap3A_285, %swap3A_286] {strides = array<i32>} : memref<108x128xi32, #tpu.memory_space<vmem>>, vector<16xi32>,
        tpu.vector_store %arg14[%swap3A_285, %swap3A_286], %add3A_282 {strides = array<i32>} : memref<108x128xi32, #tpu.memory_space<vmem>>, vector<16xi32>,
        %mul3A_288 = arith.constant 128 : i32
        %mul3A_289 = arith.muli %add3A_70, %mul3A_288 : i32
        %add3A_290 = arith.constant 96 : i32
        %add3A_291 = arith.addi %mul3A_289, %add3A_290 : i32
        %get3A_292 = arith.index_cast %add3A_291 : i32 to index
        %get3A_293 = tpu.vector_load %arg12[%get3A_292] {strides = array<i32>} : memref<3456xi32, #tpu.memory_space<vmem>>, vector<16xi32>,
        %add3A_294 = arith.constant 0 : i32
        %add3A_295 = vector.broadcast %add3A_294 : i32 to vector<16xi32>
        %add3A_296 = arith.addi %get3A_293, %add3A_295 : vector<16xi32>
        %gather3A_297 = tpu.vector_load_idx %arg9[%add3A_296] : memref<40000xf32, #tpu.memory_space<vmem>>[vector<16xi32>], vector<16xf32>,
        %add3A_298 = arith.constant 0 : i32
        %add3A_299 = arith.addi %add3A_298, %add3A_291 : i32
        %get3A_300 = arith.index_cast %add3A_299 : i32 to index
        %get3A_301 = tpu.vector_load %arg10[%get3A_300] {strides = array<i32>} : memref<13824xf32, #tpu.memory_space<vmem>>, vector<16xf32>,
        %add3A_302 = arith.addf %get3A_301, %gather3A_297 : vector<16xf32>
        %mul3A_303 = arith.constant 2.000000e-01 : f32
        %mul3A_304 = vector.broadcast %mul3A_303 : f32 to vector<16xf32>
        %mul3A_305 = arith.mulf %mul3A_304, %add3A_302 : vector<16xf32>
        %max3A_306 = arith.maximumf %add3A_302, %mul3A_305 : vector<16xf32>
        %exp3A_307 = math.exp %max3A_306 : vector<16xf32>
        %add3A_308 = arith.constant 0 : i32
        %add3A_309 = arith.addi %add3A_308, %add3A_291 : i32
        %swap3A_310 = arith.index_cast %add3A_309 : i32 to index
        %swap3A_311 = tpu.vector_load %arg11[%swap3A_310] {strides = array<i32>} : memref<13824xf32, #tpu.memory_space<vmem>>, vector<16xf32>,
        tpu.vector_store %arg11[%swap3A_310], %exp3A_307 {strides = array<i32>} : memref<13824xf32, #tpu.memory_space<vmem>>, vector<16xf32>,
        %get3A_312 = arith.index_cast %add3A_291 : i32 to index
        %get3A_313 = tpu.vector_load %arg13[%get3A_312] {strides = array<i32>} : memref<3456xi32, #tpu.memory_space<vmem>>, vector<16xi32>,
        %mul3A_314 = arith.constant 4 : i32
        %mul3A_315 = vector.broadcast %mul3A_314 : i32 to vector<16xi32>
        %mul3A_316 = arith.muli %get3A_313, %mul3A_315 : vector<16xi32>
        %add3A_317 = arith.constant 0 : i32
        %add3A_318 = vector.broadcast %add3A_317 : i32 to vector<16xi32>
        %add3A_319 = arith.addi %mul3A_316, %add3A_318 : vector<16xi32>
        %add3A_320 = arith.constant 0 : i32
        %add3A_321 = arith.addi %add3A_320, %add3A_70 : i32
        %swap3A_322 = arith.index_cast %add3A_321 : i32 to index
        %swap3A_323 = arith.constant 96 : index
        %swap3A_324 = tpu.vector_load %arg14[%swap3A_322, %swap3A_323] {strides = array<i32>} : memref<108x128xi32, #tpu.memory_space<vmem>>, vector<16xi32>,
        tpu.vector_store %arg14[%swap3A_322, %swap3A_323], %add3A_319 {strides = array<i32>} : memref<108x128xi32, #tpu.memory_space<vmem>>, vector<16xi32>,
        %mul3A_325 = arith.constant 128 : i32
        %mul3A_326 = arith.muli %add3A_70, %mul3A_325 : i32
        %add3A_327 = arith.constant 112 : i32
        %add3A_328 = arith.addi %mul3A_326, %add3A_327 : i32
        %get3A_329 = arith.index_cast %add3A_328 : i32 to index
        %get3A_330 = tpu.vector_load %arg12[%get3A_329] {strides = array<i32>} : memref<3456xi32, #tpu.memory_space<vmem>>, vector<16xi32>,
        %add3A_331 = arith.constant 0 : i32
        %add3A_332 = vector.broadcast %add3A_331 : i32 to vector<16xi32>
        %add3A_333 = arith.addi %get3A_330, %add3A_332 : vector<16xi32>
        %gather3A_334 = tpu.vector_load_idx %arg9[%add3A_333] : memref<40000xf32, #tpu.memory_space<vmem>>[vector<16xi32>], vector<16xf32>,
        %add3A_335 = arith.constant 0 : i32
        %add3A_336 = arith.addi %add3A_335, %add3A_328 : i32
        %get3A_337 = arith.index_cast %add3A_336 : i32 to index
        %get3A_338 = tpu.vector_load %arg10[%get3A_337] {strides = array<i32>} : memref<13824xf32, #tpu.memory_space<vmem>>, vector<16xf32>,
        %add3A_339 = arith.addf %get3A_338, %gather3A_334 : vector<16xf32>
        %mul3A_340 = arith.constant 2.000000e-01 : f32
        %mul3A_341 = vector.broadcast %mul3A_340 : f32 to vector<16xf32>
        %mul3A_342 = arith.mulf %mul3A_341, %add3A_339 : vector<16xf32>
        %max3A_343 = arith.maximumf %add3A_339, %mul3A_342 : vector<16xf32>
        %exp3A_344 = math.exp %max3A_343 : vector<16xf32>
        %add3A_345 = arith.constant 0 : i32
        %add3A_346 = arith.addi %add3A_345, %add3A_328 : i32
        %swap3A_347 = arith.index_cast %add3A_346 : i32 to index
        %swap3A_348 = tpu.vector_load %arg11[%swap3A_347] {strides = array<i32>} : memref<13824xf32, #tpu.memory_space<vmem>>, vector<16xf32>,
        tpu.vector_store %arg11[%swap3A_347], %exp3A_344 {strides = array<i32>} : memref<13824xf32, #tpu.memory_space<vmem>>, vector<16xf32>,
        %get3A_349 = arith.index_cast %add3A_328 : i32 to index
        %get3A_350 = tpu.vector_load %arg13[%get3A_349] {strides = array<i32>} : memref<3456xi32, #tpu.memory_space<vmem>>, vector<16xi32>,
        %mul3A_351 = arith.constant 4 : i32
        %mul3A_352 = vector.broadcast %mul3A_351 : i32 to vector<16xi32>
        %mul3A_353 = arith.muli %get3A_350, %mul3A_352 : vector<16xi32>
        %add3A_354 = arith.constant 0 : i32
        %add3A_355 = vector.broadcast %add3A_354 : i32 to vector<16xi32>
        %add3A_356 = arith.addi %mul3A_353, %add3A_355 : vector<16xi32>
        %add3A_357 = arith.constant 0 : i32
        %add3A_358 = arith.addi %add3A_357, %add3A_70 : i32
        %swap3A_359 = arith.index_cast %add3A_358 : i32 to index
        %swap3A_360 = arith.constant 112 : index
        %swap3A_361 = tpu.vector_load %arg14[%swap3A_359, %swap3A_360] {strides = array<i32>} : memref<108x128xi32, #tpu.memory_space<vmem>>, vector<16xi32>,
        tpu.vector_store %arg14[%swap3A_359, %swap3A_360], %add3A_356 {strides = array<i32>} : memref<108x128xi32, #tpu.memory_space<vmem>>, vector<16xi32>,
        %mul3A_362 = arith.constant 128 : i32
        %mul3A_363 = arith.muli %add3A_70, %mul3A_362 : i32
        %add3A_364 = arith.constant 0 : i32
        %add3A_365 = arith.addi %mul3A_363, %add3A_364 : i32
        %get3A_366 = arith.index_cast %add3A_365 : i32 to index
        %get3A_367 = tpu.vector_load %arg12[%get3A_366] {strides = array<i32>} : memref<3456xi32, #tpu.memory_space<vmem>>, vector<16xi32>,
        %add3A_368 = arith.constant 10000 : i32
        %add3A_369 = vector.broadcast %add3A_368 : i32 to vector<16xi32>
        %add3A_370 = arith.addi %get3A_367, %add3A_369 : vector<16xi32>
        %gather3A_371 = tpu.vector_load_idx %arg9[%add3A_370] : memref<40000xf32, #tpu.memory_space<vmem>>[vector<16xi32>], vector<16xf32>,
        %add3A_372 = arith.constant 3456 : i32
        %add3A_373 = arith.addi %add3A_372, %add3A_365 : i32
        %get3A_374 = arith.index_cast %add3A_373 : i32 to index
        %get3A_375 = tpu.vector_load %arg10[%get3A_374] {strides = array<i32>} : memref<13824xf32, #tpu.memory_space<vmem>>, vector<16xf32>,
        %add3A_376 = arith.addf %get3A_375, %gather3A_371 : vector<16xf32>
        %mul3A_377 = arith.constant 2.000000e-01 : f32
        %mul3A_378 = vector.broadcast %mul3A_377 : f32 to vector<16xf32>
        %mul3A_379 = arith.mulf %mul3A_378, %add3A_376 : vector<16xf32>
        %max3A_380 = arith.maximumf %add3A_376, %mul3A_379 : vector<16xf32>
        %exp3A_381 = math.exp %max3A_380 : vector<16xf32>
        %add3A_382 = arith.constant 3456 : i32
        %add3A_383 = arith.addi %add3A_382, %add3A_365 : i32
        %swap3A_384 = arith.index_cast %add3A_383 : i32 to index
        %swap3A_385 = tpu.vector_load %arg11[%swap3A_384] {strides = array<i32>} : memref<13824xf32, #tpu.memory_space<vmem>>, vector<16xf32>,
        tpu.vector_store %arg11[%swap3A_384], %exp3A_381 {strides = array<i32>} : memref<13824xf32, #tpu.memory_space<vmem>>, vector<16xf32>,
        %get3A_386 = arith.index_cast %add3A_365 : i32 to index
        %get3A_387 = tpu.vector_load %arg13[%get3A_386] {strides = array<i32>} : memref<3456xi32, #tpu.memory_space<vmem>>, vector<16xi32>,
        %mul3A_388 = arith.constant 4 : i32
        %mul3A_389 = vector.broadcast %mul3A_388 : i32 to vector<16xi32>
        %mul3A_390 = arith.muli %get3A_387, %mul3A_389 : vector<16xi32>
        %add3A_391 = arith.constant 1 : i32
        %add3A_392 = vector.broadcast %add3A_391 : i32 to vector<16xi32>
        %add3A_393 = arith.addi %mul3A_390, %add3A_392 : vector<16xi32>
        %add3A_394 = arith.constant 27 : i32
        %add3A_395 = arith.addi %add3A_394, %add3A_70 : i32
        %swap3A_396 = arith.index_cast %add3A_395 : i32 to index
        %swap3A_397 = arith.constant 0 : index
        %swap3A_398 = tpu.vector_load %arg14[%swap3A_396, %swap3A_397] {strides = array<i32>} : memref<108x128xi32, #tpu.memory_space<vmem>>, vector<16xi32>,
        tpu.vector_store %arg14[%swap3A_396, %swap3A_397], %add3A_393 {strides = array<i32>} : memref<108x128xi32, #tpu.memory_space<vmem>>, vector<16xi32>,
        %mul3A_399 = arith.constant 128 : i32
        %mul3A_400 = arith.muli %add3A_70, %mul3A_399 : i32
        %add3A_401 = arith.constant 16 : i32
        %add3A_402 = arith.addi %mul3A_400, %add3A_401 : i32
        %get3A_403 = arith.index_cast %add3A_402 : i32 to index
        %get3A_404 = tpu.vector_load %arg12[%get3A_403] {strides = array<i32>} : memref<3456xi32, #tpu.memory_space<vmem>>, vector<16xi32>,
        %add3A_405 = arith.constant 10000 : i32
        %add3A_406 = vector.broadcast %add3A_405 : i32 to vector<16xi32>
        %add3A_407 = arith.addi %get3A_404, %add3A_406 : vector<16xi32>
        %gather3A_408 = tpu.vector_load_idx %arg9[%add3A_407] : memref<40000xf32, #tpu.memory_space<vmem>>[vector<16xi32>], vector<16xf32>,
        %add3A_409 = arith.constant 3456 : i32
        %add3A_410 = arith.addi %add3A_409, %add3A_402 : i32
        %get3A_411 = arith.index_cast %add3A_410 : i32 to index
        %get3A_412 = tpu.vector_load %arg10[%get3A_411] {strides = array<i32>} : memref<13824xf32, #tpu.memory_space<vmem>>, vector<16xf32>,
        %add3A_413 = arith.addf %get3A_412, %gather3A_408 : vector<16xf32>
        %mul3A_414 = arith.constant 2.000000e-01 : f32
        %mul3A_415 = vector.broadcast %mul3A_414 : f32 to vector<16xf32>
        %mul3A_416 = arith.mulf %mul3A_415, %add3A_413 : vector<16xf32>
        %max3A_417 = arith.maximumf %add3A_413, %mul3A_416 : vector<16xf32>
        %exp3A_418 = math.exp %max3A_417 : vector<16xf32>
        %add3A_419 = arith.constant 3456 : i32
        %add3A_420 = arith.addi %add3A_419, %add3A_402 : i32
        %swap3A_421 = arith.index_cast %add3A_420 : i32 to index
        %swap3A_422 = tpu.vector_load %arg11[%swap3A_421] {strides = array<i32>} : memref<13824xf32, #tpu.memory_space<vmem>>, vector<16xf32>,
        tpu.vector_store %arg11[%swap3A_421], %exp3A_418 {strides = array<i32>} : memref<13824xf32, #tpu.memory_space<vmem>>, vector<16xf32>,
        %get3A_423 = arith.index_cast %add3A_402 : i32 to index
        %get3A_424 = tpu.vector_load %arg13[%get3A_423] {strides = array<i32>} : memref<3456xi32, #tpu.memory_space<vmem>>, vector<16xi32>,
        %mul3A_425 = arith.constant 4 : i32
        %mul3A_426 = vector.broadcast %mul3A_425 : i32 to vector<16xi32>
        %mul3A_427 = arith.muli %get3A_424, %mul3A_426 : vector<16xi32>
        %add3A_428 = arith.constant 1 : i32
        %add3A_429 = vector.broadcast %add3A_428 : i32 to vector<16xi32>
        %add3A_430 = arith.addi %mul3A_427, %add3A_429 : vector<16xi32>
        %add3A_431 = arith.constant 27 : i32
        %add3A_432 = arith.addi %add3A_431, %add3A_70 : i32
        %swap3A_433 = arith.index_cast %add3A_432 : i32 to index
        %swap3A_434 = arith.constant 16 : index
        %swap3A_435 = tpu.vector_load %arg14[%swap3A_433, %swap3A_434] {strides = array<i32>} : memref<108x128xi32, #tpu.memory_space<vmem>>, vector<16xi32>,
        tpu.vector_store %arg14[%swap3A_433, %swap3A_434], %add3A_430 {strides = array<i32>} : memref<108x128xi32, #tpu.memory_space<vmem>>, vector<16xi32>,
        %mul3A_436 = arith.constant 128 : i32
        %mul3A_437 = arith.muli %add3A_70, %mul3A_436 : i32
        %add3A_438 = arith.constant 32 : i32
        %add3A_439 = arith.addi %mul3A_437, %add3A_438 : i32
        %get3A_440 = arith.index_cast %add3A_439 : i32 to index
        %get3A_441 = tpu.vector_load %arg12[%get3A_440] {strides = array<i32>} : memref<3456xi32, #tpu.memory_space<vmem>>, vector<16xi32>,
        %add3A_442 = arith.constant 10000 : i32
        %add3A_443 = vector.broadcast %add3A_442 : i32 to vector<16xi32>
        %add3A_444 = arith.addi %get3A_441, %add3A_443 : vector<16xi32>
        %gather3A_445 = tpu.vector_load_idx %arg9[%add3A_444] : memref<40000xf32, #tpu.memory_space<vmem>>[vector<16xi32>], vector<16xf32>,
        %add3A_446 = arith.constant 3456 : i32
        %add3A_447 = arith.addi %add3A_446, %add3A_439 : i32
        %get3A_448 = arith.index_cast %add3A_447 : i32 to index
        %get3A_449 = tpu.vector_load %arg10[%get3A_448] {strides = array<i32>} : memref<13824xf32, #tpu.memory_space<vmem>>, vector<16xf32>,
        %add3A_450 = arith.addf %get3A_449, %gather3A_445 : vector<16xf32>
        %mul3A_451 = arith.constant 2.000000e-01 : f32
        %mul3A_452 = vector.broadcast %mul3A_451 : f32 to vector<16xf32>
        %mul3A_453 = arith.mulf %mul3A_452, %add3A_450 : vector<16xf32>
        %max3A_454 = arith.maximumf %add3A_450, %mul3A_453 : vector<16xf32>
        %exp3A_455 = math.exp %max3A_454 : vector<16xf32>
        %add3A_456 = arith.constant 3456 : i32
        %add3A_457 = arith.addi %add3A_456, %add3A_439 : i32
        %swap3A_458 = arith.index_cast %add3A_457 : i32 to index
        %swap3A_459 = tpu.vector_load %arg11[%swap3A_458] {strides = array<i32>} : memref<13824xf32, #tpu.memory_space<vmem>>, vector<16xf32>,
        tpu.vector_store %arg11[%swap3A_458], %exp3A_455 {strides = array<i32>} : memref<13824xf32, #tpu.memory_space<vmem>>, vector<16xf32>,
        %get3A_460 = arith.index_cast %add3A_439 : i32 to index
        %get3A_461 = tpu.vector_load %arg13[%get3A_460] {strides = array<i32>} : memref<3456xi32, #tpu.memory_space<vmem>>, vector<16xi32>,
        %mul3A_462 = arith.constant 4 : i32
        %mul3A_463 = vector.broadcast %mul3A_462 : i32 to vector<16xi32>
        %mul3A_464 = arith.muli %get3A_461, %mul3A_463 : vector<16xi32>
        %add3A_465 = arith.constant 1 : i32
        %add3A_466 = vector.broadcast %add3A_465 : i32 to vector<16xi32>
        %add3A_467 = arith.addi %mul3A_464, %add3A_466 : vector<16xi32>
        %add3A_468 = arith.constant 27 : i32
        %add3A_469 = arith.addi %add3A_468, %add3A_70 : i32
        %swap3A_470 = arith.index_cast %add3A_469 : i32 to index
        %swap3A_471 = arith.constant 32 : index
        %swap3A_472 = tpu.vector_load %arg14[%swap3A_470, %swap3A_471] {strides = array<i32>} : memref<108x128xi32, #tpu.memory_space<vmem>>, vector<16xi32>,
        tpu.vector_store %arg14[%swap3A_470, %swap3A_471], %add3A_467 {strides = array<i32>} : memref<108x128xi32, #tpu.memory_space<vmem>>, vector<16xi32>,
        %mul3A_473 = arith.constant 128 : i32
        %mul3A_474 = arith.muli %add3A_70, %mul3A_473 : i32
        %add3A_475 = arith.constant 48 : i32
        %add3A_476 = arith.addi %mul3A_474, %add3A_475 : i32
        %get3A_477 = arith.index_cast %add3A_476 : i32 to index
        %get3A_478 = tpu.vector_load %arg12[%get3A_477] {strides = array<i32>} : memref<3456xi32, #tpu.memory_space<vmem>>, vector<16xi32>,
        %add3A_479 = arith.constant 10000 : i32
        %add3A_480 = vector.broadcast %add3A_479 : i32 to vector<16xi32>
        %add3A_481 = arith.addi %get3A_478, %add3A_480 : vector<16xi32>
        %gather3A_482 = tpu.vector_load_idx %arg9[%add3A_481] : memref<40000xf32, #tpu.memory_space<vmem>>[vector<16xi32>], vector<16xf32>,
        %add3A_483 = arith.constant 3456 : i32
        %add3A_484 = arith.addi %add3A_483, %add3A_476 : i32
        %get3A_485 = arith.index_cast %add3A_484 : i32 to index
        %get3A_486 = tpu.vector_load %arg10[%get3A_485] {strides = array<i32>} : memref<13824xf32, #tpu.memory_space<vmem>>, vector<16xf32>,
        %add3A_487 = arith.addf %get3A_486, %gather3A_482 : vector<16xf32>
        %mul3A_488 = arith.constant 2.000000e-01 : f32
        %mul3A_489 = vector.broadcast %mul3A_488 : f32 to vector<16xf32>
        %mul3A_490 = arith.mulf %mul3A_489, %add3A_487 : vector<16xf32>
        %max3A_491 = arith.maximumf %add3A_487, %mul3A_490 : vector<16xf32>
        %exp3A_492 = math.exp %max3A_491 : vector<16xf32>
        %add3A_493 = arith.constant 3456 : i32
        %add3A_494 = arith.addi %add3A_493, %add3A_476 : i32
        %swap3A_495 = arith.index_cast %add3A_494 : i32 to index
        %swap3A_496 = tpu.vector_load %arg11[%swap3A_495] {strides = array<i32>} : memref<13824xf32, #tpu.memory_space<vmem>>, vector<16xf32>,
        tpu.vector_store %arg11[%swap3A_495], %exp3A_492 {strides = array<i32>} : memref<13824xf32, #tpu.memory_space<vmem>>, vector<16xf32>,
        %get3A_497 = arith.index_cast %add3A_476 : i32 to index
        %get3A_498 = tpu.vector_load %arg13[%get3A_497] {strides = array<i32>} : memref<3456xi32, #tpu.memory_space<vmem>>, vector<16xi32>,
        %mul3A_499 = arith.constant 4 : i32
        %mul3A_500 = vector.broadcast %mul3A_499 : i32 to vector<16xi32>
        %mul3A_501 = arith.muli %get3A_498, %mul3A_500 : vector<16xi32>
        %add3A_502 = arith.constant 1 : i32
        %add3A_503 = vector.broadcast %add3A_502 : i32 to vector<16xi32>
        %add3A_504 = arith.addi %mul3A_501, %add3A_503 : vector<16xi32>
        %add3A_505 = arith.constant 27 : i32
        %add3A_506 = arith.addi %add3A_505, %add3A_70 : i32
        %swap3A_507 = arith.index_cast %add3A_506 : i32 to index
        %swap3A_508 = arith.constant 48 : index
        %swap3A_509 = tpu.vector_load %arg14[%swap3A_507, %swap3A_508] {strides = array<i32>} : memref<108x128xi32, #tpu.memory_space<vmem>>, vector<16xi32>,
        tpu.vector_store %arg14[%swap3A_507, %swap3A_508], %add3A_504 {strides = array<i32>} : memref<108x128xi32, #tpu.memory_space<vmem>>, vector<16xi32>,
        %mul3A_510 = arith.constant 128 : i32
        %mul3A_511 = arith.muli %add3A_70, %mul3A_510 : i32
        %add3A_512 = arith.constant 64 : i32
        %add3A_513 = arith.addi %mul3A_511, %add3A_512 : i32
        %get3A_514 = arith.index_cast %add3A_513 : i32 to index
        %get3A_515 = tpu.vector_load %arg12[%get3A_514] {strides = array<i32>} : memref<3456xi32, #tpu.memory_space<vmem>>, vector<16xi32>,
        %add3A_516 = arith.constant 10000 : i32
        %add3A_517 = vector.broadcast %add3A_516 : i32 to vector<16xi32>
        %add3A_518 = arith.addi %get3A_515, %add3A_517 : vector<16xi32>
        %gather3A_519 = tpu.vector_load_idx %arg9[%add3A_518] : memref<40000xf32, #tpu.memory_space<vmem>>[vector<16xi32>], vector<16xf32>,
        %add3A_520 = arith.constant 3456 : i32
        %add3A_521 = arith.addi %add3A_520, %add3A_513 : i32
        %get3A_522 = arith.index_cast %add3A_521 : i32 to index
        %get3A_523 = tpu.vector_load %arg10[%get3A_522] {strides = array<i32>} : memref<13824xf32, #tpu.memory_space<vmem>>, vector<16xf32>,
        %add3A_524 = arith.addf %get3A_523, %gather3A_519 : vector<16xf32>
        %mul3A_525 = arith.constant 2.000000e-01 : f32
        %mul3A_526 = vector.broadcast %mul3A_525 : f32 to vector<16xf32>
        %mul3A_527 = arith.mulf %mul3A_526, %add3A_524 : vector<16xf32>
        %max3A_528 = arith.maximumf %add3A_524, %mul3A_527 : vector<16xf32>
        %exp3A_529 = math.exp %max3A_528 : vector<16xf32>
        %add3A_530 = arith.constant 3456 : i32
        %add3A_531 = arith.addi %add3A_530, %add3A_513 : i32
        %swap3A_532 = arith.index_cast %add3A_531 : i32 to index
        %swap3A_533 = tpu.vector_load %arg11[%swap3A_532] {strides = array<i32>} : memref<13824xf32, #tpu.memory_space<vmem>>, vector<16xf32>,
        tpu.vector_store %arg11[%swap3A_532], %exp3A_529 {strides = array<i32>} : memref<13824xf32, #tpu.memory_space<vmem>>, vector<16xf32>,
        %get3A_534 = arith.index_cast %add3A_513 : i32 to index
        %get3A_535 = tpu.vector_load %arg13[%get3A_534] {strides = array<i32>} : memref<3456xi32, #tpu.memory_space<vmem>>, vector<16xi32>,
        %mul3A_536 = arith.constant 4 : i32
        %mul3A_537 = vector.broadcast %mul3A_536 : i32 to vector<16xi32>
        %mul3A_538 = arith.muli %get3A_535, %mul3A_537 : vector<16xi32>
        %add3A_539 = arith.constant 1 : i32
        %add3A_540 = vector.broadcast %add3A_539 : i32 to vector<16xi32>
        %add3A_541 = arith.addi %mul3A_538, %add3A_540 : vector<16xi32>
        %add3A_542 = arith.constant 27 : i32
        %add3A_543 = arith.addi %add3A_542, %add3A_70 : i32
        %swap3A_544 = arith.index_cast %add3A_543 : i32 to index
        %swap3A_545 = arith.constant 64 : index
        %swap3A_546 = tpu.vector_load %arg14[%swap3A_544, %swap3A_545] {strides = array<i32>} : memref<108x128xi32, #tpu.memory_space<vmem>>, vector<16xi32>,
        tpu.vector_store %arg14[%swap3A_544, %swap3A_545], %add3A_541 {strides = array<i32>} : memref<108x128xi32, #tpu.memory_space<vmem>>, vector<16xi32>,
        %mul3A_547 = arith.constant 128 : i32
        %mul3A_548 = arith.muli %add3A_70, %mul3A_547 : i32
        %add3A_549 = arith.constant 80 : i32
        %add3A_550 = arith.addi %mul3A_548, %add3A_549 : i32
        %get3A_551 = arith.index_cast %add3A_550 : i32 to index
        %get3A_552 = tpu.vector_load %arg12[%get3A_551] {strides = array<i32>} : memref<3456xi32, #tpu.memory_space<vmem>>, vector<16xi32>,
        %add3A_553 = arith.constant 10000 : i32
        %add3A_554 = vector.broadcast %add3A_553 : i32 to vector<16xi32>
        %add3A_555 = arith.addi %get3A_552, %add3A_554 : vector<16xi32>
        %gather3A_556 = tpu.vector_load_idx %arg9[%add3A_555] : memref<40000xf32, #tpu.memory_space<vmem>>[vector<16xi32>], vector<16xf32>,
        %add3A_557 = arith.constant 3456 : i32
        %add3A_558 = arith.addi %add3A_557, %add3A_550 : i32
        %get3A_559 = arith.index_cast %add3A_558 : i32 to index
        %get3A_560 = tpu.vector_load %arg10[%get3A_559] {strides = array<i32>} : memref<13824xf32, #tpu.memory_space<vmem>>, vector<16xf32>,
        %add3A_561 = arith.addf %get3A_560, %gather3A_556 : vector<16xf32>
        %mul3A_562 = arith.constant 2.000000e-01 : f32
        %mul3A_563 = vector.broadcast %mul3A_562 : f32 to vector<16xf32>
        %mul3A_564 = arith.mulf %mul3A_563, %add3A_561 : vector<16xf32>
        %max3A_565 = arith.maximumf %add3A_561, %mul3A_564 : vector<16xf32>
        %exp3A_566 = math.exp %max3A_565 : vector<16xf32>
        %add3A_567 = arith.constant 3456 : i32
        %add3A_568 = arith.addi %add3A_567, %add3A_550 : i32
        %swap3A_569 = arith.index_cast %add3A_568 : i32 to index
        %swap3A_570 = tpu.vector_load %arg11[%swap3A_569] {strides = array<i32>} : memref<13824xf32, #tpu.memory_space<vmem>>, vector<16xf32>,
        tpu.vector_store %arg11[%swap3A_569], %exp3A_566 {strides = array<i32>} : memref<13824xf32, #tpu.memory_space<vmem>>, vector<16xf32>,
        %get3A_571 = arith.index_cast %add3A_550 : i32 to index
        %get3A_572 = tpu.vector_load %arg13[%get3A_571] {strides = array<i32>} : memref<3456xi32, #tpu.memory_space<vmem>>, vector<16xi32>,
        %mul3A_573 = arith.constant 4 : i32
        %mul3A_574 = vector.broadcast %mul3A_573 : i32 to vector<16xi32>
        %mul3A_575 = arith.muli %get3A_572, %mul3A_574 : vector<16xi32>
        %add3A_576 = arith.constant 1 : i32
        %add3A_577 = vector.broadcast %add3A_576 : i32 to vector<16xi32>
        %add3A_578 = arith.addi %mul3A_575, %add3A_577 : vector<16xi32>
        %add3A_579 = arith.constant 27 : i32
        %add3A_580 = arith.addi %add3A_579, %add3A_70 : i32
        %swap3A_581 = arith.index_cast %add3A_580 : i32 to index
        %swap3A_582 = arith.constant 80 : index
        %swap3A_583 = tpu.vector_load %arg14[%swap3A_581, %swap3A_582] {strides = array<i32>} : memref<108x128xi32, #tpu.memory_space<vmem>>, vector<16xi32>,
        tpu.vector_store %arg14[%swap3A_581, %swap3A_582], %add3A_578 {strides = array<i32>} : memref<108x128xi32, #tpu.memory_space<vmem>>, vector<16xi32>,
        %mul3A_584 = arith.constant 128 : i32
        %mul3A_585 = arith.muli %add3A_70, %mul3A_584 : i32
        %add3A_586 = arith.constant 96 : i32
        %add3A_587 = arith.addi %mul3A_585, %add3A_586 : i32
        %get3A_588 = arith.index_cast %add3A_587 : i32 to index
        %get3A_589 = tpu.vector_load %arg12[%get3A_588] {strides = array<i32>} : memref<3456xi32, #tpu.memory_space<vmem>>, vector<16xi32>,
        %add3A_590 = arith.constant 10000 : i32
        %add3A_591 = vector.broadcast %add3A_590 : i32 to vector<16xi32>
        %add3A_592 = arith.addi %get3A_589, %add3A_591 : vector<16xi32>
        %gather3A_593 = tpu.vector_load_idx %arg9[%add3A_592] : memref<40000xf32, #tpu.memory_space<vmem>>[vector<16xi32>], vector<16xf32>,
        %add3A_594 = arith.constant 3456 : i32
        %add3A_595 = arith.addi %add3A_594, %add3A_587 : i32
        %get3A_596 = arith.index_cast %add3A_595 : i32 to index
        %get3A_597 = tpu.vector_load %arg10[%get3A_596] {strides = array<i32>} : memref<13824xf32, #tpu.memory_space<vmem>>, vector<16xf32>,
        %add3A_598 = arith.addf %get3A_597, %gather3A_593 : vector<16xf32>
        %mul3A_599 = arith.constant 2.000000e-01 : f32
        %mul3A_600 = vector.broadcast %mul3A_599 : f32 to vector<16xf32>
        %mul3A_601 = arith.mulf %mul3A_600, %add3A_598 : vector<16xf32>
        %max3A_602 = arith.maximumf %add3A_598, %mul3A_601 : vector<16xf32>
        %exp3A_603 = math.exp %max3A_602 : vector<16xf32>
        %add3A_604 = arith.constant 3456 : i32
        %add3A_605 = arith.addi %add3A_604, %add3A_587 : i32
        %swap3A_606 = arith.index_cast %add3A_605 : i32 to index
        %swap3A_607 = tpu.vector_load %arg11[%swap3A_606] {strides = array<i32>} : memref<13824xf32, #tpu.memory_space<vmem>>, vector<16xf32>,
        tpu.vector_store %arg11[%swap3A_606], %exp3A_603 {strides = array<i32>} : memref<13824xf32, #tpu.memory_space<vmem>>, vector<16xf32>,
        %get3A_608 = arith.index_cast %add3A_587 : i32 to index
        %get3A_609 = tpu.vector_load %arg13[%get3A_608] {strides = array<i32>} : memref<3456xi32, #tpu.memory_space<vmem>>, vector<16xi32>,
        %mul3A_610 = arith.constant 4 : i32
        %mul3A_611 = vector.broadcast %mul3A_610 : i32 to vector<16xi32>
        %mul3A_612 = arith.muli %get3A_609, %mul3A_611 : vector<16xi32>
        %add3A_613 = arith.constant 1 : i32
        %add3A_614 = vector.broadcast %add3A_613 : i32 to vector<16xi32>
        %add3A_615 = arith.addi %mul3A_612, %add3A_614 : vector<16xi32>
        %add3A_616 = arith.constant 27 : i32
        %add3A_617 = arith.addi %add3A_616, %add3A_70 : i32
        %swap3A_618 = arith.index_cast %add3A_617 : i32 to index
        %swap3A_619 = arith.constant 96 : index
        %swap3A_620 = tpu.vector_load %arg14[%swap3A_618, %swap3A_619] {strides = array<i32>} : memref<108x128xi32, #tpu.memory_space<vmem>>, vector<16xi32>,
        tpu.vector_store %arg14[%swap3A_618, %swap3A_619], %add3A_615 {strides = array<i32>} : memref<108x128xi32, #tpu.memory_space<vmem>>, vector<16xi32>,
        %mul3A_621 = arith.constant 128 : i32
        %mul3A_622 = arith.muli %add3A_70, %mul3A_621 : i32
        %add3A_623 = arith.constant 112 : i32
        %add3A_624 = arith.addi %mul3A_622, %add3A_623 : i32
        %get3A_625 = arith.index_cast %add3A_624 : i32 to index
        %get3A_626 = tpu.vector_load %arg12[%get3A_625] {strides = array<i32>} : memref<3456xi32, #tpu.memory_space<vmem>>, vector<16xi32>,
        %add3A_627 = arith.constant 10000 : i32
        %add3A_628 = vector.broadcast %add3A_627 : i32 to vector<16xi32>
        %add3A_629 = arith.addi %get3A_626, %add3A_628 : vector<16xi32>
        %gather3A_630 = tpu.vector_load_idx %arg9[%add3A_629] : memref<40000xf32, #tpu.memory_space<vmem>>[vector<16xi32>], vector<16xf32>,
        %add3A_631 = arith.constant 3456 : i32
        %add3A_632 = arith.addi %add3A_631, %add3A_624 : i32
        %get3A_633 = arith.index_cast %add3A_632 : i32 to index
        %get3A_634 = tpu.vector_load %arg10[%get3A_633] {strides = array<i32>} : memref<13824xf32, #tpu.memory_space<vmem>>, vector<16xf32>,
        %add3A_635 = arith.addf %get3A_634, %gather3A_630 : vector<16xf32>
        %mul3A_636 = arith.constant 2.000000e-01 : f32
        %mul3A_637 = vector.broadcast %mul3A_636 : f32 to vector<16xf32>
        %mul3A_638 = arith.mulf %mul3A_637, %add3A_635 : vector<16xf32>
        %max3A_639 = arith.maximumf %add3A_635, %mul3A_638 : vector<16xf32>
        %exp3A_640 = math.exp %max3A_639 : vector<16xf32>
        %add3A_641 = arith.constant 3456 : i32
        %add3A_642 = arith.addi %add3A_641, %add3A_624 : i32
        %swap3A_643 = arith.index_cast %add3A_642 : i32 to index
        %swap3A_644 = tpu.vector_load %arg11[%swap3A_643] {strides = array<i32>} : memref<13824xf32, #tpu.memory_space<vmem>>, vector<16xf32>,
        tpu.vector_store %arg11[%swap3A_643], %exp3A_640 {strides = array<i32>} : memref<13824xf32, #tpu.memory_space<vmem>>, vector<16xf32>,
        %get3A_645 = arith.index_cast %add3A_624 : i32 to index
        %get3A_646 = tpu.vector_load %arg13[%get3A_645] {strides = array<i32>} : memref<3456xi32, #tpu.memory_space<vmem>>, vector<16xi32>,
        %mul3A_647 = arith.constant 4 : i32
        %mul3A_648 = vector.broadcast %mul3A_647 : i32 to vector<16xi32>
        %mul3A_649 = arith.muli %get3A_646, %mul3A_648 : vector<16xi32>
        %add3A_650 = arith.constant 1 : i32
        %add3A_651 = vector.broadcast %add3A_650 : i32 to vector<16xi32>
        %add3A_652 = arith.addi %mul3A_649, %add3A_651 : vector<16xi32>
        %add3A_653 = arith.constant 27 : i32
        %add3A_654 = arith.addi %add3A_653, %add3A_70 : i32
        %swap3A_655 = arith.index_cast %add3A_654 : i32 to index
        %swap3A_656 = arith.constant 112 : index
        %swap3A_657 = tpu.vector_load %arg14[%swap3A_655, %swap3A_656] {strides = array<i32>} : memref<108x128xi32, #tpu.memory_space<vmem>>, vector<16xi32>,
        tpu.vector_store %arg14[%swap3A_655, %swap3A_656], %add3A_652 {strides = array<i32>} : memref<108x128xi32, #tpu.memory_space<vmem>>, vector<16xi32>,
        %mul3A_658 = arith.constant 128 : i32
        %mul3A_659 = arith.muli %add3A_70, %mul3A_658 : i32
        %add3A_660 = arith.constant 0 : i32
        %add3A_661 = arith.addi %mul3A_659, %add3A_660 : i32
        %get3A_662 = arith.index_cast %add3A_661 : i32 to index
        %get3A_663 = tpu.vector_load %arg12[%get3A_662] {strides = array<i32>} : memref<3456xi32, #tpu.memory_space<vmem>>, vector<16xi32>,
        %add3A_664 = arith.constant 20000 : i32
        %add3A_665 = vector.broadcast %add3A_664 : i32 to vector<16xi32>
        %add3A_666 = arith.addi %get3A_663, %add3A_665 : vector<16xi32>
        %gather3A_667 = tpu.vector_load_idx %arg9[%add3A_666] : memref<40000xf32, #tpu.memory_space<vmem>>[vector<16xi32>], vector<16xf32>,
        %add3A_668 = arith.constant 6912 : i32
        %add3A_669 = arith.addi %add3A_668, %add3A_661 : i32
        %get3A_670 = arith.index_cast %add3A_669 : i32 to index
        %get3A_671 = tpu.vector_load %arg10[%get3A_670] {strides = array<i32>} : memref<13824xf32, #tpu.memory_space<vmem>>, vector<16xf32>,
        %add3A_672 = arith.addf %get3A_671, %gather3A_667 : vector<16xf32>
        %mul3A_673 = arith.constant 2.000000e-01 : f32
        %mul3A_674 = vector.broadcast %mul3A_673 : f32 to vector<16xf32>
        %mul3A_675 = arith.mulf %mul3A_674, %add3A_672 : vector<16xf32>
        %max3A_676 = arith.maximumf %add3A_672, %mul3A_675 : vector<16xf32>
        %exp3A_677 = math.exp %max3A_676 : vector<16xf32>
        %add3A_678 = arith.constant 6912 : i32
        %add3A_679 = arith.addi %add3A_678, %add3A_661 : i32
        %swap3A_680 = arith.index_cast %add3A_679 : i32 to index
        %swap3A_681 = tpu.vector_load %arg11[%swap3A_680] {strides = array<i32>} : memref<13824xf32, #tpu.memory_space<vmem>>, vector<16xf32>,
        tpu.vector_store %arg11[%swap3A_680], %exp3A_677 {strides = array<i32>} : memref<13824xf32, #tpu.memory_space<vmem>>, vector<16xf32>,
        %get3A_682 = arith.index_cast %add3A_661 : i32 to index
        %get3A_683 = tpu.vector_load %arg13[%get3A_682] {strides = array<i32>} : memref<3456xi32, #tpu.memory_space<vmem>>, vector<16xi32>,
        %mul3A_684 = arith.constant 4 : i32
        %mul3A_685 = vector.broadcast %mul3A_684 : i32 to vector<16xi32>
        %mul3A_686 = arith.muli %get3A_683, %mul3A_685 : vector<16xi32>
        %add3A_687 = arith.constant 2 : i32
        %add3A_688 = vector.broadcast %add3A_687 : i32 to vector<16xi32>
        %add3A_689 = arith.addi %mul3A_686, %add3A_688 : vector<16xi32>
        %add3A_690 = arith.constant 54 : i32
        %add3A_691 = arith.addi %add3A_690, %add3A_70 : i32
        %swap3A_692 = arith.index_cast %add3A_691 : i32 to index
        %swap3A_693 = arith.constant 0 : index
        %swap3A_694 = tpu.vector_load %arg14[%swap3A_692, %swap3A_693] {strides = array<i32>} : memref<108x128xi32, #tpu.memory_space<vmem>>, vector<16xi32>,
        tpu.vector_store %arg14[%swap3A_692, %swap3A_693], %add3A_689 {strides = array<i32>} : memref<108x128xi32, #tpu.memory_space<vmem>>, vector<16xi32>,
        %mul3A_695 = arith.constant 128 : i32
        %mul3A_696 = arith.muli %add3A_70, %mul3A_695 : i32
        %add3A_697 = arith.constant 16 : i32
        %add3A_698 = arith.addi %mul3A_696, %add3A_697 : i32
        %get3A_699 = arith.index_cast %add3A_698 : i32 to index
        %get3A_700 = tpu.vector_load %arg12[%get3A_699] {strides = array<i32>} : memref<3456xi32, #tpu.memory_space<vmem>>, vector<16xi32>,
        %add3A_701 = arith.constant 20000 : i32
        %add3A_702 = vector.broadcast %add3A_701 : i32 to vector<16xi32>
        %add3A_703 = arith.addi %get3A_700, %add3A_702 : vector<16xi32>
        %gather3A_704 = tpu.vector_load_idx %arg9[%add3A_703] : memref<40000xf32, #tpu.memory_space<vmem>>[vector<16xi32>], vector<16xf32>,
        %add3A_705 = arith.constant 6912 : i32
        %add3A_706 = arith.addi %add3A_705, %add3A_698 : i32
        %get3A_707 = arith.index_cast %add3A_706 : i32 to index
        %get3A_708 = tpu.vector_load %arg10[%get3A_707] {strides = array<i32>} : memref<13824xf32, #tpu.memory_space<vmem>>, vector<16xf32>,
        %add3A_709 = arith.addf %get3A_708, %gather3A_704 : vector<16xf32>
        %mul3A_710 = arith.constant 2.000000e-01 : f32
        %mul3A_711 = vector.broadcast %mul3A_710 : f32 to vector<16xf32>
        %mul3A_712 = arith.mulf %mul3A_711, %add3A_709 : vector<16xf32>
        %max3A_713 = arith.maximumf %add3A_709, %mul3A_712 : vector<16xf32>
        %exp3A_714 = math.exp %max3A_713 : vector<16xf32>
        %add3A_715 = arith.constant 6912 : i32
        %add3A_716 = arith.addi %add3A_715, %add3A_698 : i32
        %swap3A_717 = arith.index_cast %add3A_716 : i32 to index
        %swap3A_718 = tpu.vector_load %arg11[%swap3A_717] {strides = array<i32>} : memref<13824xf32, #tpu.memory_space<vmem>>, vector<16xf32>,
        tpu.vector_store %arg11[%swap3A_717], %exp3A_714 {strides = array<i32>} : memref<13824xf32, #tpu.memory_space<vmem>>, vector<16xf32>,
        %get3A_719 = arith.index_cast %add3A_698 : i32 to index
        %get3A_720 = tpu.vector_load %arg13[%get3A_719] {strides = array<i32>} : memref<3456xi32, #tpu.memory_space<vmem>>, vector<16xi32>,
        %mul3A_721 = arith.constant 4 : i32
        %mul3A_722 = vector.broadcast %mul3A_721 : i32 to vector<16xi32>
        %mul3A_723 = arith.muli %get3A_720, %mul3A_722 : vector<16xi32>
        %add3A_724 = arith.constant 2 : i32
        %add3A_725 = vector.broadcast %add3A_724 : i32 to vector<16xi32>
        %add3A_726 = arith.addi %mul3A_723, %add3A_725 : vector<16xi32>
        %add3A_727 = arith.constant 54 : i32
        %add3A_728 = arith.addi %add3A_727, %add3A_70 : i32
        %swap3A_729 = arith.index_cast %add3A_728 : i32 to index
        %swap3A_730 = arith.constant 16 : index
        %swap3A_731 = tpu.vector_load %arg14[%swap3A_729, %swap3A_730] {strides = array<i32>} : memref<108x128xi32, #tpu.memory_space<vmem>>, vector<16xi32>,
        tpu.vector_store %arg14[%swap3A_729, %swap3A_730], %add3A_726 {strides = array<i32>} : memref<108x128xi32, #tpu.memory_space<vmem>>, vector<16xi32>,
        %mul3A_732 = arith.constant 128 : i32
        %mul3A_733 = arith.muli %add3A_70, %mul3A_732 : i32
        %add3A_734 = arith.constant 32 : i32
        %add3A_735 = arith.addi %mul3A_733, %add3A_734 : i32
        %get3A_736 = arith.index_cast %add3A_735 : i32 to index
        %get3A_737 = tpu.vector_load %arg12[%get3A_736] {strides = array<i32>} : memref<3456xi32, #tpu.memory_space<vmem>>, vector<16xi32>,
        %add3A_738 = arith.constant 20000 : i32
        %add3A_739 = vector.broadcast %add3A_738 : i32 to vector<16xi32>
        %add3A_740 = arith.addi %get3A_737, %add3A_739 : vector<16xi32>
        %gather3A_741 = tpu.vector_load_idx %arg9[%add3A_740] : memref<40000xf32, #tpu.memory_space<vmem>>[vector<16xi32>], vector<16xf32>,
        %add3A_742 = arith.constant 6912 : i32
        %add3A_743 = arith.addi %add3A_742, %add3A_735 : i32
        %get3A_744 = arith.index_cast %add3A_743 : i32 to index
        %get3A_745 = tpu.vector_load %arg10[%get3A_744] {strides = array<i32>} : memref<13824xf32, #tpu.memory_space<vmem>>, vector<16xf32>,
        %add3A_746 = arith.addf %get3A_745, %gather3A_741 : vector<16xf32>
        %mul3A_747 = arith.constant 2.000000e-01 : f32
        %mul3A_748 = vector.broadcast %mul3A_747 : f32 to vector<16xf32>
        %mul3A_749 = arith.mulf %mul3A_748, %add3A_746 : vector<16xf32>
        %max3A_750 = arith.maximumf %add3A_746, %mul3A_749 : vector<16xf32>
        %exp3A_751 = math.exp %max3A_750 : vector<16xf32>
        %add3A_752 = arith.constant 6912 : i32
        %add3A_753 = arith.addi %add3A_752, %add3A_735 : i32
        %swap3A_754 = arith.index_cast %add3A_753 : i32 to index
        %swap3A_755 = tpu.vector_load %arg11[%swap3A_754] {strides = array<i32>} : memref<13824xf32, #tpu.memory_space<vmem>>, vector<16xf32>,
        tpu.vector_store %arg11[%swap3A_754], %exp3A_751 {strides = array<i32>} : memref<13824xf32, #tpu.memory_space<vmem>>, vector<16xf32>,
        %get3A_756 = arith.index_cast %add3A_735 : i32 to index
        %get3A_757 = tpu.vector_load %arg13[%get3A_756] {strides = array<i32>} : memref<3456xi32, #tpu.memory_space<vmem>>, vector<16xi32>,
        %mul3A_758 = arith.constant 4 : i32
        %mul3A_759 = vector.broadcast %mul3A_758 : i32 to vector<16xi32>
        %mul3A_760 = arith.muli %get3A_757, %mul3A_759 : vector<16xi32>
        %add3A_761 = arith.constant 2 : i32
        %add3A_762 = vector.broadcast %add3A_761 : i32 to vector<16xi32>
        %add3A_763 = arith.addi %mul3A_760, %add3A_762 : vector<16xi32>
        %add3A_764 = arith.constant 54 : i32
        %add3A_765 = arith.addi %add3A_764, %add3A_70 : i32
        %swap3A_766 = arith.index_cast %add3A_765 : i32 to index
        %swap3A_767 = arith.constant 32 : index
        %swap3A_768 = tpu.vector_load %arg14[%swap3A_766, %swap3A_767] {strides = array<i32>} : memref<108x128xi32, #tpu.memory_space<vmem>>, vector<16xi32>,
        tpu.vector_store %arg14[%swap3A_766, %swap3A_767], %add3A_763 {strides = array<i32>} : memref<108x128xi32, #tpu.memory_space<vmem>>, vector<16xi32>,
        %mul3A_769 = arith.constant 128 : i32
        %mul3A_770 = arith.muli %add3A_70, %mul3A_769 : i32
        %add3A_771 = arith.constant 48 : i32
        %add3A_772 = arith.addi %mul3A_770, %add3A_771 : i32
        %get3A_773 = arith.index_cast %add3A_772 : i32 to index
        %get3A_774 = tpu.vector_load %arg12[%get3A_773] {strides = array<i32>} : memref<3456xi32, #tpu.memory_space<vmem>>, vector<16xi32>,
        %add3A_775 = arith.constant 20000 : i32
        %add3A_776 = vector.broadcast %add3A_775 : i32 to vector<16xi32>
        %add3A_777 = arith.addi %get3A_774, %add3A_776 : vector<16xi32>
        %gather3A_778 = tpu.vector_load_idx %arg9[%add3A_777] : memref<40000xf32, #tpu.memory_space<vmem>>[vector<16xi32>], vector<16xf32>,
        %add3A_779 = arith.constant 6912 : i32
        %add3A_780 = arith.addi %add3A_779, %add3A_772 : i32
        %get3A_781 = arith.index_cast %add3A_780 : i32 to index
        %get3A_782 = tpu.vector_load %arg10[%get3A_781] {strides = array<i32>} : memref<13824xf32, #tpu.memory_space<vmem>>, vector<16xf32>,
        %add3A_783 = arith.addf %get3A_782, %gather3A_778 : vector<16xf32>
        %mul3A_784 = arith.constant 2.000000e-01 : f32
        %mul3A_785 = vector.broadcast %mul3A_784 : f32 to vector<16xf32>
        %mul3A_786 = arith.mulf %mul3A_785, %add3A_783 : vector<16xf32>
        %max3A_787 = arith.maximumf %add3A_783, %mul3A_786 : vector<16xf32>
        %exp3A_788 = math.exp %max3A_787 : vector<16xf32>
        %add3A_789 = arith.constant 6912 : i32
        %add3A_790 = arith.addi %add3A_789, %add3A_772 : i32
        %swap3A_791 = arith.index_cast %add3A_790 : i32 to index
        %swap3A_792 = tpu.vector_load %arg11[%swap3A_791] {strides = array<i32>} : memref<13824xf32, #tpu.memory_space<vmem>>, vector<16xf32>,
        tpu.vector_store %arg11[%swap3A_791], %exp3A_788 {strides = array<i32>} : memref<13824xf32, #tpu.memory_space<vmem>>, vector<16xf32>,
        %get3A_793 = arith.index_cast %add3A_772 : i32 to index
        %get3A_794 = tpu.vector_load %arg13[%get3A_793] {strides = array<i32>} : memref<3456xi32, #tpu.memory_space<vmem>>, vector<16xi32>,
        %mul3A_795 = arith.constant 4 : i32
        %mul3A_796 = vector.broadcast %mul3A_795 : i32 to vector<16xi32>
        %mul3A_797 = arith.muli %get3A_794, %mul3A_796 : vector<16xi32>
        %add3A_798 = arith.constant 2 : i32
        %add3A_799 = vector.broadcast %add3A_798 : i32 to vector<16xi32>
        %add3A_800 = arith.addi %mul3A_797, %add3A_799 : vector<16xi32>
        %add3A_801 = arith.constant 54 : i32
        %add3A_802 = arith.addi %add3A_801, %add3A_70 : i32
        %swap3A_803 = arith.index_cast %add3A_802 : i32 to index
        %swap3A_804 = arith.constant 48 : index
        %swap3A_805 = tpu.vector_load %arg14[%swap3A_803, %swap3A_804] {strides = array<i32>} : memref<108x128xi32, #tpu.memory_space<vmem>>, vector<16xi32>,
        tpu.vector_store %arg14[%swap3A_803, %swap3A_804], %add3A_800 {strides = array<i32>} : memref<108x128xi32, #tpu.memory_space<vmem>>, vector<16xi32>,
        %mul3A_806 = arith.constant 128 : i32
        %mul3A_807 = arith.muli %add3A_70, %mul3A_806 : i32
        %add3A_808 = arith.constant 64 : i32
        %add3A_809 = arith.addi %mul3A_807, %add3A_808 : i32
        %get3A_810 = arith.index_cast %add3A_809 : i32 to index
        %get3A_811 = tpu.vector_load %arg12[%get3A_810] {strides = array<i32>} : memref<3456xi32, #tpu.memory_space<vmem>>, vector<16xi32>,
        %add3A_812 = arith.constant 20000 : i32
        %add3A_813 = vector.broadcast %add3A_812 : i32 to vector<16xi32>
        %add3A_814 = arith.addi %get3A_811, %add3A_813 : vector<16xi32>
        %gather3A_815 = tpu.vector_load_idx %arg9[%add3A_814] : memref<40000xf32, #tpu.memory_space<vmem>>[vector<16xi32>], vector<16xf32>,
        %add3A_816 = arith.constant 6912 : i32
        %add3A_817 = arith.addi %add3A_816, %add3A_809 : i32
        %get3A_818 = arith.index_cast %add3A_817 : i32 to index
        %get3A_819 = tpu.vector_load %arg10[%get3A_818] {strides = array<i32>} : memref<13824xf32, #tpu.memory_space<vmem>>, vector<16xf32>,
        %add3A_820 = arith.addf %get3A_819, %gather3A_815 : vector<16xf32>
        %mul3A_821 = arith.constant 2.000000e-01 : f32
        %mul3A_822 = vector.broadcast %mul3A_821 : f32 to vector<16xf32>
        %mul3A_823 = arith.mulf %mul3A_822, %add3A_820 : vector<16xf32>
        %max3A_824 = arith.maximumf %add3A_820, %mul3A_823 : vector<16xf32>
        %exp3A_825 = math.exp %max3A_824 : vector<16xf32>
        %add3A_826 = arith.constant 6912 : i32
        %add3A_827 = arith.addi %add3A_826, %add3A_809 : i32
        %swap3A_828 = arith.index_cast %add3A_827 : i32 to index
        %swap3A_829 = tpu.vector_load %arg11[%swap3A_828] {strides = array<i32>} : memref<13824xf32, #tpu.memory_space<vmem>>, vector<16xf32>,
        tpu.vector_store %arg11[%swap3A_828], %exp3A_825 {strides = array<i32>} : memref<13824xf32, #tpu.memory_space<vmem>>, vector<16xf32>,
        %get3A_830 = arith.index_cast %add3A_809 : i32 to index
        %get3A_831 = tpu.vector_load %arg13[%get3A_830] {strides = array<i32>} : memref<3456xi32, #tpu.memory_space<vmem>>, vector<16xi32>,
        %mul3A_832 = arith.constant 4 : i32
        %mul3A_833 = vector.broadcast %mul3A_832 : i32 to vector<16xi32>
        %mul3A_834 = arith.muli %get3A_831, %mul3A_833 : vector<16xi32>
        %add3A_835 = arith.constant 2 : i32
        %add3A_836 = vector.broadcast %add3A_835 : i32 to vector<16xi32>
        %add3A_837 = arith.addi %mul3A_834, %add3A_836 : vector<16xi32>
        %add3A_838 = arith.constant 54 : i32
        %add3A_839 = arith.addi %add3A_838, %add3A_70 : i32
        %swap3A_840 = arith.index_cast %add3A_839 : i32 to index
        %swap3A_841 = arith.constant 64 : index
        %swap3A_842 = tpu.vector_load %arg14[%swap3A_840, %swap3A_841] {strides = array<i32>} : memref<108x128xi32, #tpu.memory_space<vmem>>, vector<16xi32>,
        tpu.vector_store %arg14[%swap3A_840, %swap3A_841], %add3A_837 {strides = array<i32>} : memref<108x128xi32, #tpu.memory_space<vmem>>, vector<16xi32>,
        %mul3A_843 = arith.constant 128 : i32
        %mul3A_844 = arith.muli %add3A_70, %mul3A_843 : i32
        %add3A_845 = arith.constant 80 : i32
        %add3A_846 = arith.addi %mul3A_844, %add3A_845 : i32
        %get3A_847 = arith.index_cast %add3A_846 : i32 to index
        %get3A_848 = tpu.vector_load %arg12[%get3A_847] {strides = array<i32>} : memref<3456xi32, #tpu.memory_space<vmem>>, vector<16xi32>,
        %add3A_849 = arith.constant 20000 : i32
        %add3A_850 = vector.broadcast %add3A_849 : i32 to vector<16xi32>
        %add3A_851 = arith.addi %get3A_848, %add3A_850 : vector<16xi32>
        %gather3A_852 = tpu.vector_load_idx %arg9[%add3A_851] : memref<40000xf32, #tpu.memory_space<vmem>>[vector<16xi32>], vector<16xf32>,
        %add3A_853 = arith.constant 6912 : i32
        %add3A_854 = arith.addi %add3A_853, %add3A_846 : i32
        %get3A_855 = arith.index_cast %add3A_854 : i32 to index
        %get3A_856 = tpu.vector_load %arg10[%get3A_855] {strides = array<i32>} : memref<13824xf32, #tpu.memory_space<vmem>>, vector<16xf32>,
        %add3A_857 = arith.addf %get3A_856, %gather3A_852 : vector<16xf32>
        %mul3A_858 = arith.constant 2.000000e-01 : f32
        %mul3A_859 = vector.broadcast %mul3A_858 : f32 to vector<16xf32>
        %mul3A_860 = arith.mulf %mul3A_859, %add3A_857 : vector<16xf32>
        %max3A_861 = arith.maximumf %add3A_857, %mul3A_860 : vector<16xf32>
        %exp3A_862 = math.exp %max3A_861 : vector<16xf32>
        %add3A_863 = arith.constant 6912 : i32
        %add3A_864 = arith.addi %add3A_863, %add3A_846 : i32
        %swap3A_865 = arith.index_cast %add3A_864 : i32 to index
        %swap3A_866 = tpu.vector_load %arg11[%swap3A_865] {strides = array<i32>} : memref<13824xf32, #tpu.memory_space<vmem>>, vector<16xf32>,
        tpu.vector_store %arg11[%swap3A_865], %exp3A_862 {strides = array<i32>} : memref<13824xf32, #tpu.memory_space<vmem>>, vector<16xf32>,
        %get3A_867 = arith.index_cast %add3A_846 : i32 to index
        %get3A_868 = tpu.vector_load %arg13[%get3A_867] {strides = array<i32>} : memref<3456xi32, #tpu.memory_space<vmem>>, vector<16xi32>,
        %mul3A_869 = arith.constant 4 : i32
        %mul3A_870 = vector.broadcast %mul3A_869 : i32 to vector<16xi32>
        %mul3A_871 = arith.muli %get3A_868, %mul3A_870 : vector<16xi32>
        %add3A_872 = arith.constant 2 : i32
        %add3A_873 = vector.broadcast %add3A_872 : i32 to vector<16xi32>
        %add3A_874 = arith.addi %mul3A_871, %add3A_873 : vector<16xi32>
        %add3A_875 = arith.constant 54 : i32
        %add3A_876 = arith.addi %add3A_875, %add3A_70 : i32
        %swap3A_877 = arith.index_cast %add3A_876 : i32 to index
        %swap3A_878 = arith.constant 80 : index
        %swap3A_879 = tpu.vector_load %arg14[%swap3A_877, %swap3A_878] {strides = array<i32>} : memref<108x128xi32, #tpu.memory_space<vmem>>, vector<16xi32>,
        tpu.vector_store %arg14[%swap3A_877, %swap3A_878], %add3A_874 {strides = array<i32>} : memref<108x128xi32, #tpu.memory_space<vmem>>, vector<16xi32>,
        %mul3A_880 = arith.constant 128 : i32
        %mul3A_881 = arith.muli %add3A_70, %mul3A_880 : i32
        %add3A_882 = arith.constant 96 : i32
        %add3A_883 = arith.addi %mul3A_881, %add3A_882 : i32
        %get3A_884 = arith.index_cast %add3A_883 : i32 to index
        %get3A_885 = tpu.vector_load %arg12[%get3A_884] {strides = array<i32>} : memref<3456xi32, #tpu.memory_space<vmem>>, vector<16xi32>,
        %add3A_886 = arith.constant 20000 : i32
        %add3A_887 = vector.broadcast %add3A_886 : i32 to vector<16xi32>
        %add3A_888 = arith.addi %get3A_885, %add3A_887 : vector<16xi32>
        %gather3A_889 = tpu.vector_load_idx %arg9[%add3A_888] : memref<40000xf32, #tpu.memory_space<vmem>>[vector<16xi32>], vector<16xf32>,
        %add3A_890 = arith.constant 6912 : i32
        %add3A_891 = arith.addi %add3A_890, %add3A_883 : i32
        %get3A_892 = arith.index_cast %add3A_891 : i32 to index
        %get3A_893 = tpu.vector_load %arg10[%get3A_892] {strides = array<i32>} : memref<13824xf32, #tpu.memory_space<vmem>>, vector<16xf32>,
        %add3A_894 = arith.addf %get3A_893, %gather3A_889 : vector<16xf32>
        %mul3A_895 = arith.constant 2.000000e-01 : f32
        %mul3A_896 = vector.broadcast %mul3A_895 : f32 to vector<16xf32>
        %mul3A_897 = arith.mulf %mul3A_896, %add3A_894 : vector<16xf32>
        %max3A_898 = arith.maximumf %add3A_894, %mul3A_897 : vector<16xf32>
        %exp3A_899 = math.exp %max3A_898 : vector<16xf32>
        %add3A_900 = arith.constant 6912 : i32
        %add3A_901 = arith.addi %add3A_900, %add3A_883 : i32
        %swap3A_902 = arith.index_cast %add3A_901 : i32 to index
        %swap3A_903 = tpu.vector_load %arg11[%swap3A_902] {strides = array<i32>} : memref<13824xf32, #tpu.memory_space<vmem>>, vector<16xf32>,
        tpu.vector_store %arg11[%swap3A_902], %exp3A_899 {strides = array<i32>} : memref<13824xf32, #tpu.memory_space<vmem>>, vector<16xf32>,
        %get3A_904 = arith.index_cast %add3A_883 : i32 to index
        %get3A_905 = tpu.vector_load %arg13[%get3A_904] {strides = array<i32>} : memref<3456xi32, #tpu.memory_space<vmem>>, vector<16xi32>,
        %mul3A_906 = arith.constant 4 : i32
        %mul3A_907 = vector.broadcast %mul3A_906 : i32 to vector<16xi32>
        %mul3A_908 = arith.muli %get3A_905, %mul3A_907 : vector<16xi32>
        %add3A_909 = arith.constant 2 : i32
        %add3A_910 = vector.broadcast %add3A_909 : i32 to vector<16xi32>
        %add3A_911 = arith.addi %mul3A_908, %add3A_910 : vector<16xi32>
        %add3A_912 = arith.constant 54 : i32
        %add3A_913 = arith.addi %add3A_912, %add3A_70 : i32
        %swap3A_914 = arith.index_cast %add3A_913 : i32 to index
        %swap3A_915 = arith.constant 96 : index
        %swap3A_916 = tpu.vector_load %arg14[%swap3A_914, %swap3A_915] {strides = array<i32>} : memref<108x128xi32, #tpu.memory_space<vmem>>, vector<16xi32>,
        tpu.vector_store %arg14[%swap3A_914, %swap3A_915], %add3A_911 {strides = array<i32>} : memref<108x128xi32, #tpu.memory_space<vmem>>, vector<16xi32>,
        %mul3A_917 = arith.constant 128 : i32
        %mul3A_918 = arith.muli %add3A_70, %mul3A_917 : i32
        %add3A_919 = arith.constant 112 : i32
        %add3A_920 = arith.addi %mul3A_918, %add3A_919 : i32
        %get3A_921 = arith.index_cast %add3A_920 : i32 to index
        %get3A_922 = tpu.vector_load %arg12[%get3A_921] {strides = array<i32>} : memref<3456xi32, #tpu.memory_space<vmem>>, vector<16xi32>,
        %add3A_923 = arith.constant 20000 : i32
        %add3A_924 = vector.broadcast %add3A_923 : i32 to vector<16xi32>
        %add3A_925 = arith.addi %get3A_922, %add3A_924 : vector<16xi32>
        %gather3A_926 = tpu.vector_load_idx %arg9[%add3A_925] : memref<40000xf32, #tpu.memory_space<vmem>>[vector<16xi32>], vector<16xf32>,
        %add3A_927 = arith.constant 6912 : i32
        %add3A_928 = arith.addi %add3A_927, %add3A_920 : i32
        %get3A_929 = arith.index_cast %add3A_928 : i32 to index
        %get3A_930 = tpu.vector_load %arg10[%get3A_929] {strides = array<i32>} : memref<13824xf32, #tpu.memory_space<vmem>>, vector<16xf32>,
        %add3A_931 = arith.addf %get3A_930, %gather3A_926 : vector<16xf32>
        %mul3A_932 = arith.constant 2.000000e-01 : f32
        %mul3A_933 = vector.broadcast %mul3A_932 : f32 to vector<16xf32>
        %mul3A_934 = arith.mulf %mul3A_933, %add3A_931 : vector<16xf32>
        %max3A_935 = arith.maximumf %add3A_931, %mul3A_934 : vector<16xf32>
        %exp3A_936 = math.exp %max3A_935 : vector<16xf32>
        %add3A_937 = arith.constant 6912 : i32
        %add3A_938 = arith.addi %add3A_937, %add3A_920 : i32
        %swap3A_939 = arith.index_cast %add3A_938 : i32 to index
        %swap3A_940 = tpu.vector_load %arg11[%swap3A_939] {strides = array<i32>} : memref<13824xf32, #tpu.memory_space<vmem>>, vector<16xf32>,
        tpu.vector_store %arg11[%swap3A_939], %exp3A_936 {strides = array<i32>} : memref<13824xf32, #tpu.memory_space<vmem>>, vector<16xf32>,
        %get3A_941 = arith.index_cast %add3A_920 : i32 to index
        %get3A_942 = tpu.vector_load %arg13[%get3A_941] {strides = array<i32>} : memref<3456xi32, #tpu.memory_space<vmem>>, vector<16xi32>,
        %mul3A_943 = arith.constant 4 : i32
        %mul3A_944 = vector.broadcast %mul3A_943 : i32 to vector<16xi32>
        %mul3A_945 = arith.muli %get3A_942, %mul3A_944 : vector<16xi32>
        %add3A_946 = arith.constant 2 : i32
        %add3A_947 = vector.broadcast %add3A_946 : i32 to vector<16xi32>
        %add3A_948 = arith.addi %mul3A_945, %add3A_947 : vector<16xi32>
        %add3A_949 = arith.constant 54 : i32
        %add3A_950 = arith.addi %add3A_949, %add3A_70 : i32
        %swap3A_951 = arith.index_cast %add3A_950 : i32 to index
        %swap3A_952 = arith.constant 112 : index
        %swap3A_953 = tpu.vector_load %arg14[%swap3A_951, %swap3A_952] {strides = array<i32>} : memref<108x128xi32, #tpu.memory_space<vmem>>, vector<16xi32>,
        tpu.vector_store %arg14[%swap3A_951, %swap3A_952], %add3A_948 {strides = array<i32>} : memref<108x128xi32, #tpu.memory_space<vmem>>, vector<16xi32>,
        %mul3A_954 = arith.constant 128 : i32
        %mul3A_955 = arith.muli %add3A_70, %mul3A_954 : i32
        %add3A_956 = arith.constant 0 : i32
        %add3A_957 = arith.addi %mul3A_955, %add3A_956 : i32
        %get3A_958 = arith.index_cast %add3A_957 : i32 to index
        %get3A_959 = tpu.vector_load %arg12[%get3A_958] {strides = array<i32>} : memref<3456xi32, #tpu.memory_space<vmem>>, vector<16xi32>,
        %add3A_960 = arith.constant 30000 : i32
        %add3A_961 = vector.broadcast %add3A_960 : i32 to vector<16xi32>
        %add3A_962 = arith.addi %get3A_959, %add3A_961 : vector<16xi32>
        %gather3A_963 = tpu.vector_load_idx %arg9[%add3A_962] : memref<40000xf32, #tpu.memory_space<vmem>>[vector<16xi32>], vector<16xf32>,
        %add3A_964 = arith.constant 10368 : i32
        %add3A_965 = arith.addi %add3A_964, %add3A_957 : i32
        %get3A_966 = arith.index_cast %add3A_965 : i32 to index
        %get3A_967 = tpu.vector_load %arg10[%get3A_966] {strides = array<i32>} : memref<13824xf32, #tpu.memory_space<vmem>>, vector<16xf32>,
        %add3A_968 = arith.addf %get3A_967, %gather3A_963 : vector<16xf32>
        %mul3A_969 = arith.constant 2.000000e-01 : f32
        %mul3A_970 = vector.broadcast %mul3A_969 : f32 to vector<16xf32>
        %mul3A_971 = arith.mulf %mul3A_970, %add3A_968 : vector<16xf32>
        %max3A_972 = arith.maximumf %add3A_968, %mul3A_971 : vector<16xf32>
        %exp3A_973 = math.exp %max3A_972 : vector<16xf32>
        %add3A_974 = arith.constant 10368 : i32
        %add3A_975 = arith.addi %add3A_974, %add3A_957 : i32
        %swap3A_976 = arith.index_cast %add3A_975 : i32 to index
        %swap3A_977 = tpu.vector_load %arg11[%swap3A_976] {strides = array<i32>} : memref<13824xf32, #tpu.memory_space<vmem>>, vector<16xf32>,
        tpu.vector_store %arg11[%swap3A_976], %exp3A_973 {strides = array<i32>} : memref<13824xf32, #tpu.memory_space<vmem>>, vector<16xf32>,
        %get3A_978 = arith.index_cast %add3A_957 : i32 to index
        %get3A_979 = tpu.vector_load %arg13[%get3A_978] {strides = array<i32>} : memref<3456xi32, #tpu.memory_space<vmem>>, vector<16xi32>,
        %mul3A_980 = arith.constant 4 : i32
        %mul3A_981 = vector.broadcast %mul3A_980 : i32 to vector<16xi32>
        %mul3A_982 = arith.muli %get3A_979, %mul3A_981 : vector<16xi32>
        %add3A_983 = arith.constant 3 : i32
        %add3A_984 = vector.broadcast %add3A_983 : i32 to vector<16xi32>
        %add3A_985 = arith.addi %mul3A_982, %add3A_984 : vector<16xi32>
        %add3A_986 = arith.constant 81 : i32
        %add3A_987 = arith.addi %add3A_986, %add3A_70 : i32
        %swap3A_988 = arith.index_cast %add3A_987 : i32 to index
        %swap3A_989 = arith.constant 0 : index
        %swap3A_990 = tpu.vector_load %arg14[%swap3A_988, %swap3A_989] {strides = array<i32>} : memref<108x128xi32, #tpu.memory_space<vmem>>, vector<16xi32>,
        tpu.vector_store %arg14[%swap3A_988, %swap3A_989], %add3A_985 {strides = array<i32>} : memref<108x128xi32, #tpu.memory_space<vmem>>, vector<16xi32>,
        %mul3A_991 = arith.constant 128 : i32
        %mul3A_992 = arith.muli %add3A_70, %mul3A_991 : i32
        %add3A_993 = arith.constant 16 : i32
        %add3A_994 = arith.addi %mul3A_992, %add3A_993 : i32
        %get3A_995 = arith.index_cast %add3A_994 : i32 to index
        %get3A_996 = tpu.vector_load %arg12[%get3A_995] {strides = array<i32>} : memref<3456xi32, #tpu.memory_space<vmem>>, vector<16xi32>,
        %add3A_997 = arith.constant 30000 : i32
        %add3A_998 = vector.broadcast %add3A_997 : i32 to vector<16xi32>
        %add3A_999 = arith.addi %get3A_996, %add3A_998 : vector<16xi32>
        %gather3A_1000 = tpu.vector_load_idx %arg9[%add3A_999] : memref<40000xf32, #tpu.memory_space<vmem>>[vector<16xi32>], vector<16xf32>,
        %add3A_1001 = arith.constant 10368 : i32
        %add3A_1002 = arith.addi %add3A_1001, %add3A_994 : i32
        %get3A_1003 = arith.index_cast %add3A_1002 : i32 to index
        %get3A_1004 = tpu.vector_load %arg10[%get3A_1003] {strides = array<i32>} : memref<13824xf32, #tpu.memory_space<vmem>>, vector<16xf32>,
        %add3A_1005 = arith.addf %get3A_1004, %gather3A_1000 : vector<16xf32>
        %mul3A_1006 = arith.constant 2.000000e-01 : f32
        %mul3A_1007 = vector.broadcast %mul3A_1006 : f32 to vector<16xf32>
        %mul3A_1008 = arith.mulf %mul3A_1007, %add3A_1005 : vector<16xf32>
        %max3A_1009 = arith.maximumf %add3A_1005, %mul3A_1008 : vector<16xf32>
        %exp3A_1010 = math.exp %max3A_1009 : vector<16xf32>
        %add3A_1011 = arith.constant 10368 : i32
        %add3A_1012 = arith.addi %add3A_1011, %add3A_994 : i32
        %swap3A_1013 = arith.index_cast %add3A_1012 : i32 to index
        %swap3A_1014 = tpu.vector_load %arg11[%swap3A_1013] {strides = array<i32>} : memref<13824xf32, #tpu.memory_space<vmem>>, vector<16xf32>,
        tpu.vector_store %arg11[%swap3A_1013], %exp3A_1010 {strides = array<i32>} : memref<13824xf32, #tpu.memory_space<vmem>>, vector<16xf32>,
        %get3A_1015 = arith.index_cast %add3A_994 : i32 to index
        %get3A_1016 = tpu.vector_load %arg13[%get3A_1015] {strides = array<i32>} : memref<3456xi32, #tpu.memory_space<vmem>>, vector<16xi32>,
        %mul3A_1017 = arith.constant 4 : i32
        %mul3A_1018 = vector.broadcast %mul3A_1017 : i32 to vector<16xi32>
        %mul3A_1019 = arith.muli %get3A_1016, %mul3A_1018 : vector<16xi32>
        %add3A_1020 = arith.constant 3 : i32
        %add3A_1021 = vector.broadcast %add3A_1020 : i32 to vector<16xi32>
        %add3A_1022 = arith.addi %mul3A_1019, %add3A_1021 : vector<16xi32>
        %add3A_1023 = arith.constant 81 : i32
        %add3A_1024 = arith.addi %add3A_1023, %add3A_70 : i32
        %swap3A_1025 = arith.index_cast %add3A_1024 : i32 to index
        %swap3A_1026 = arith.constant 16 : index
        %swap3A_1027 = tpu.vector_load %arg14[%swap3A_1025, %swap3A_1026] {strides = array<i32>} : memref<108x128xi32, #tpu.memory_space<vmem>>, vector<16xi32>,
        tpu.vector_store %arg14[%swap3A_1025, %swap3A_1026], %add3A_1022 {strides = array<i32>} : memref<108x128xi32, #tpu.memory_space<vmem>>, vector<16xi32>,
        %mul3A_1028 = arith.constant 128 : i32
        %mul3A_1029 = arith.muli %add3A_70, %mul3A_1028 : i32
        %add3A_1030 = arith.constant 32 : i32
        %add3A_1031 = arith.addi %mul3A_1029, %add3A_1030 : i32
        %get3A_1032 = arith.index_cast %add3A_1031 : i32 to index
        %get3A_1033 = tpu.vector_load %arg12[%get3A_1032] {strides = array<i32>} : memref<3456xi32, #tpu.memory_space<vmem>>, vector<16xi32>,
        %add3A_1034 = arith.constant 30000 : i32
        %add3A_1035 = vector.broadcast %add3A_1034 : i32 to vector<16xi32>
        %add3A_1036 = arith.addi %get3A_1033, %add3A_1035 : vector<16xi32>
        %gather3A_1037 = tpu.vector_load_idx %arg9[%add3A_1036] : memref<40000xf32, #tpu.memory_space<vmem>>[vector<16xi32>], vector<16xf32>,
        %add3A_1038 = arith.constant 10368 : i32
        %add3A_1039 = arith.addi %add3A_1038, %add3A_1031 : i32
        %get3A_1040 = arith.index_cast %add3A_1039 : i32 to index
        %get3A_1041 = tpu.vector_load %arg10[%get3A_1040] {strides = array<i32>} : memref<13824xf32, #tpu.memory_space<vmem>>, vector<16xf32>,
        %add3A_1042 = arith.addf %get3A_1041, %gather3A_1037 : vector<16xf32>
        %mul3A_1043 = arith.constant 2.000000e-01 : f32
        %mul3A_1044 = vector.broadcast %mul3A_1043 : f32 to vector<16xf32>
        %mul3A_1045 = arith.mulf %mul3A_1044, %add3A_1042 : vector<16xf32>
        %max3A_1046 = arith.maximumf %add3A_1042, %mul3A_1045 : vector<16xf32>
        %exp3A_1047 = math.exp %max3A_1046 : vector<16xf32>
        %add3A_1048 = arith.constant 10368 : i32
        %add3A_1049 = arith.addi %add3A_1048, %add3A_1031 : i32
        %swap3A_1050 = arith.index_cast %add3A_1049 : i32 to index
        %swap3A_1051 = tpu.vector_load %arg11[%swap3A_1050] {strides = array<i32>} : memref<13824xf32, #tpu.memory_space<vmem>>, vector<16xf32>,
        tpu.vector_store %arg11[%swap3A_1050], %exp3A_1047 {strides = array<i32>} : memref<13824xf32, #tpu.memory_space<vmem>>, vector<16xf32>,
        %get3A_1052 = arith.index_cast %add3A_1031 : i32 to index
        %get3A_1053 = tpu.vector_load %arg13[%get3A_1052] {strides = array<i32>} : memref<3456xi32, #tpu.memory_space<vmem>>, vector<16xi32>,
        %mul3A_1054 = arith.constant 4 : i32
        %mul3A_1055 = vector.broadcast %mul3A_1054 : i32 to vector<16xi32>
        %mul3A_1056 = arith.muli %get3A_1053, %mul3A_1055 : vector<16xi32>
        %add3A_1057 = arith.constant 3 : i32
        %add3A_1058 = vector.broadcast %add3A_1057 : i32 to vector<16xi32>
        %add3A_1059 = arith.addi %mul3A_1056, %add3A_1058 : vector<16xi32>
        %add3A_1060 = arith.constant 81 : i32
        %add3A_1061 = arith.addi %add3A_1060, %add3A_70 : i32
        %swap3A_1062 = arith.index_cast %add3A_1061 : i32 to index
        %swap3A_1063 = arith.constant 32 : index
        %swap3A_1064 = tpu.vector_load %arg14[%swap3A_1062, %swap3A_1063] {strides = array<i32>} : memref<108x128xi32, #tpu.memory_space<vmem>>, vector<16xi32>,
        tpu.vector_store %arg14[%swap3A_1062, %swap3A_1063], %add3A_1059 {strides = array<i32>} : memref<108x128xi32, #tpu.memory_space<vmem>>, vector<16xi32>,
        %mul3A_1065 = arith.constant 128 : i32
        %mul3A_1066 = arith.muli %add3A_70, %mul3A_1065 : i32
        %add3A_1067 = arith.constant 48 : i32
        %add3A_1068 = arith.addi %mul3A_1066, %add3A_1067 : i32
        %get3A_1069 = arith.index_cast %add3A_1068 : i32 to index
        %get3A_1070 = tpu.vector_load %arg12[%get3A_1069] {strides = array<i32>} : memref<3456xi32, #tpu.memory_space<vmem>>, vector<16xi32>,
        %add3A_1071 = arith.constant 30000 : i32
        %add3A_1072 = vector.broadcast %add3A_1071 : i32 to vector<16xi32>
        %add3A_1073 = arith.addi %get3A_1070, %add3A_1072 : vector<16xi32>
        %gather3A_1074 = tpu.vector_load_idx %arg9[%add3A_1073] : memref<40000xf32, #tpu.memory_space<vmem>>[vector<16xi32>], vector<16xf32>,
        %add3A_1075 = arith.constant 10368 : i32
        %add3A_1076 = arith.addi %add3A_1075, %add3A_1068 : i32
        %get3A_1077 = arith.index_cast %add3A_1076 : i32 to index
        %get3A_1078 = tpu.vector_load %arg10[%get3A_1077] {strides = array<i32>} : memref<13824xf32, #tpu.memory_space<vmem>>, vector<16xf32>,
        %add3A_1079 = arith.addf %get3A_1078, %gather3A_1074 : vector<16xf32>
        %mul3A_1080 = arith.constant 2.000000e-01 : f32
        %mul3A_1081 = vector.broadcast %mul3A_1080 : f32 to vector<16xf32>
        %mul3A_1082 = arith.mulf %mul3A_1081, %add3A_1079 : vector<16xf32>
        %max3A_1083 = arith.maximumf %add3A_1079, %mul3A_1082 : vector<16xf32>
        %exp3A_1084 = math.exp %max3A_1083 : vector<16xf32>
        %add3A_1085 = arith.constant 10368 : i32
        %add3A_1086 = arith.addi %add3A_1085, %add3A_1068 : i32
        %swap3A_1087 = arith.index_cast %add3A_1086 : i32 to index
        %swap3A_1088 = tpu.vector_load %arg11[%swap3A_1087] {strides = array<i32>} : memref<13824xf32, #tpu.memory_space<vmem>>, vector<16xf32>,
        tpu.vector_store %arg11[%swap3A_1087], %exp3A_1084 {strides = array<i32>} : memref<13824xf32, #tpu.memory_space<vmem>>, vector<16xf32>,
        %get3A_1089 = arith.index_cast %add3A_1068 : i32 to index
        %get3A_1090 = tpu.vector_load %arg13[%get3A_1089] {strides = array<i32>} : memref<3456xi32, #tpu.memory_space<vmem>>, vector<16xi32>,
        %mul3A_1091 = arith.constant 4 : i32
        %mul3A_1092 = vector.broadcast %mul3A_1091 : i32 to vector<16xi32>
        %mul3A_1093 = arith.muli %get3A_1090, %mul3A_1092 : vector<16xi32>
        %add3A_1094 = arith.constant 3 : i32
        %add3A_1095 = vector.broadcast %add3A_1094 : i32 to vector<16xi32>
        %add3A_1096 = arith.addi %mul3A_1093, %add3A_1095 : vector<16xi32>
        %add3A_1097 = arith.constant 81 : i32
        %add3A_1098 = arith.addi %add3A_1097, %add3A_70 : i32
        %swap3A_1099 = arith.index_cast %add3A_1098 : i32 to index
        %swap3A_1100 = arith.constant 48 : index
        %swap3A_1101 = tpu.vector_load %arg14[%swap3A_1099, %swap3A_1100] {strides = array<i32>} : memref<108x128xi32, #tpu.memory_space<vmem>>, vector<16xi32>,
        tpu.vector_store %arg14[%swap3A_1099, %swap3A_1100], %add3A_1096 {strides = array<i32>} : memref<108x128xi32, #tpu.memory_space<vmem>>, vector<16xi32>,
        %mul3A_1102 = arith.constant 128 : i32
        %mul3A_1103 = arith.muli %add3A_70, %mul3A_1102 : i32
        %add3A_1104 = arith.constant 64 : i32
        %add3A_1105 = arith.addi %mul3A_1103, %add3A_1104 : i32
        %get3A_1106 = arith.index_cast %add3A_1105 : i32 to index
        %get3A_1107 = tpu.vector_load %arg12[%get3A_1106] {strides = array<i32>} : memref<3456xi32, #tpu.memory_space<vmem>>, vector<16xi32>,
        %add3A_1108 = arith.constant 30000 : i32
        %add3A_1109 = vector.broadcast %add3A_1108 : i32 to vector<16xi32>
        %add3A_1110 = arith.addi %get3A_1107, %add3A_1109 : vector<16xi32>
        %gather3A_1111 = tpu.vector_load_idx %arg9[%add3A_1110] : memref<40000xf32, #tpu.memory_space<vmem>>[vector<16xi32>], vector<16xf32>,
        %add3A_1112 = arith.constant 10368 : i32
        %add3A_1113 = arith.addi %add3A_1112, %add3A_1105 : i32
        %get3A_1114 = arith.index_cast %add3A_1113 : i32 to index
        %get3A_1115 = tpu.vector_load %arg10[%get3A_1114] {strides = array<i32>} : memref<13824xf32, #tpu.memory_space<vmem>>, vector<16xf32>,
        %add3A_1116 = arith.addf %get3A_1115, %gather3A_1111 : vector<16xf32>
        %mul3A_1117 = arith.constant 2.000000e-01 : f32
        %mul3A_1118 = vector.broadcast %mul3A_1117 : f32 to vector<16xf32>
        %mul3A_1119 = arith.mulf %mul3A_1118, %add3A_1116 : vector<16xf32>
        %max3A_1120 = arith.maximumf %add3A_1116, %mul3A_1119 : vector<16xf32>
        %exp3A_1121 = math.exp %max3A_1120 : vector<16xf32>
        %add3A_1122 = arith.constant 10368 : i32
        %add3A_1123 = arith.addi %add3A_1122, %add3A_1105 : i32
        %swap3A_1124 = arith.index_cast %add3A_1123 : i32 to index
        %swap3A_1125 = tpu.vector_load %arg11[%swap3A_1124] {strides = array<i32>} : memref<13824xf32, #tpu.memory_space<vmem>>, vector<16xf32>,
        tpu.vector_store %arg11[%swap3A_1124], %exp3A_1121 {strides = array<i32>} : memref<13824xf32, #tpu.memory_space<vmem>>, vector<16xf32>,
        %get3A_1126 = arith.index_cast %add3A_1105 : i32 to index
        %get3A_1127 = tpu.vector_load %arg13[%get3A_1126] {strides = array<i32>} : memref<3456xi32, #tpu.memory_space<vmem>>, vector<16xi32>,
        %mul3A_1128 = arith.constant 4 : i32
        %mul3A_1129 = vector.broadcast %mul3A_1128 : i32 to vector<16xi32>
        %mul3A_1130 = arith.muli %get3A_1127, %mul3A_1129 : vector<16xi32>
        %add3A_1131 = arith.constant 3 : i32
        %add3A_1132 = vector.broadcast %add3A_1131 : i32 to vector<16xi32>
        %add3A_1133 = arith.addi %mul3A_1130, %add3A_1132 : vector<16xi32>
        %add3A_1134 = arith.constant 81 : i32
        %add3A_1135 = arith.addi %add3A_1134, %add3A_70 : i32
        %swap3A_1136 = arith.index_cast %add3A_1135 : i32 to index
        %swap3A_1137 = arith.constant 64 : index
        %swap3A_1138 = tpu.vector_load %arg14[%swap3A_1136, %swap3A_1137] {strides = array<i32>} : memref<108x128xi32, #tpu.memory_space<vmem>>, vector<16xi32>,
        tpu.vector_store %arg14[%swap3A_1136, %swap3A_1137], %add3A_1133 {strides = array<i32>} : memref<108x128xi32, #tpu.memory_space<vmem>>, vector<16xi32>,
        %mul3A_1139 = arith.constant 128 : i32
        %mul3A_1140 = arith.muli %add3A_70, %mul3A_1139 : i32
        %add3A_1141 = arith.constant 80 : i32
        %add3A_1142 = arith.addi %mul3A_1140, %add3A_1141 : i32
        %get3A_1143 = arith.index_cast %add3A_1142 : i32 to index
        %get3A_1144 = tpu.vector_load %arg12[%get3A_1143] {strides = array<i32>} : memref<3456xi32, #tpu.memory_space<vmem>>, vector<16xi32>,
        %add3A_1145 = arith.constant 30000 : i32
        %add3A_1146 = vector.broadcast %add3A_1145 : i32 to vector<16xi32>
        %add3A_1147 = arith.addi %get3A_1144, %add3A_1146 : vector<16xi32>
        %gather3A_1148 = tpu.vector_load_idx %arg9[%add3A_1147] : memref<40000xf32, #tpu.memory_space<vmem>>[vector<16xi32>], vector<16xf32>,
        %add3A_1149 = arith.constant 10368 : i32
        %add3A_1150 = arith.addi %add3A_1149, %add3A_1142 : i32
        %get3A_1151 = arith.index_cast %add3A_1150 : i32 to index
        %get3A_1152 = tpu.vector_load %arg10[%get3A_1151] {strides = array<i32>} : memref<13824xf32, #tpu.memory_space<vmem>>, vector<16xf32>,
        %add3A_1153 = arith.addf %get3A_1152, %gather3A_1148 : vector<16xf32>
        %mul3A_1154 = arith.constant 2.000000e-01 : f32
        %mul3A_1155 = vector.broadcast %mul3A_1154 : f32 to vector<16xf32>
        %mul3A_1156 = arith.mulf %mul3A_1155, %add3A_1153 : vector<16xf32>
        %max3A_1157 = arith.maximumf %add3A_1153, %mul3A_1156 : vector<16xf32>
        %exp3A_1158 = math.exp %max3A_1157 : vector<16xf32>
        %add3A_1159 = arith.constant 10368 : i32
        %add3A_1160 = arith.addi %add3A_1159, %add3A_1142 : i32
        %swap3A_1161 = arith.index_cast %add3A_1160 : i32 to index
        %swap3A_1162 = tpu.vector_load %arg11[%swap3A_1161] {strides = array<i32>} : memref<13824xf32, #tpu.memory_space<vmem>>, vector<16xf32>,
        tpu.vector_store %arg11[%swap3A_1161], %exp3A_1158 {strides = array<i32>} : memref<13824xf32, #tpu.memory_space<vmem>>, vector<16xf32>,
        %get3A_1163 = arith.index_cast %add3A_1142 : i32 to index
        %get3A_1164 = tpu.vector_load %arg13[%get3A_1163] {strides = array<i32>} : memref<3456xi32, #tpu.memory_space<vmem>>, vector<16xi32>,
        %mul3A_1165 = arith.constant 4 : i32
        %mul3A_1166 = vector.broadcast %mul3A_1165 : i32 to vector<16xi32>
        %mul3A_1167 = arith.muli %get3A_1164, %mul3A_1166 : vector<16xi32>
        %add3A_1168 = arith.constant 3 : i32
        %add3A_1169 = vector.broadcast %add3A_1168 : i32 to vector<16xi32>
        %add3A_1170 = arith.addi %mul3A_1167, %add3A_1169 : vector<16xi32>
        %add3A_1171 = arith.constant 81 : i32
        %add3A_1172 = arith.addi %add3A_1171, %add3A_70 : i32
        %swap3A_1173 = arith.index_cast %add3A_1172 : i32 to index
        %swap3A_1174 = arith.constant 80 : index
        %swap3A_1175 = tpu.vector_load %arg14[%swap3A_1173, %swap3A_1174] {strides = array<i32>} : memref<108x128xi32, #tpu.memory_space<vmem>>, vector<16xi32>,
        tpu.vector_store %arg14[%swap3A_1173, %swap3A_1174], %add3A_1170 {strides = array<i32>} : memref<108x128xi32, #tpu.memory_space<vmem>>, vector<16xi32>,
        %mul3A_1176 = arith.constant 128 : i32
        %mul3A_1177 = arith.muli %add3A_70, %mul3A_1176 : i32
        %add3A_1178 = arith.constant 96 : i32
        %add3A_1179 = arith.addi %mul3A_1177, %add3A_1178 : i32
        %get3A_1180 = arith.index_cast %add3A_1179 : i32 to index
        %get3A_1181 = tpu.vector_load %arg12[%get3A_1180] {strides = array<i32>} : memref<3456xi32, #tpu.memory_space<vmem>>, vector<16xi32>,
        %add3A_1182 = arith.constant 30000 : i32
        %add3A_1183 = vector.broadcast %add3A_1182 : i32 to vector<16xi32>
        %add3A_1184 = arith.addi %get3A_1181, %add3A_1183 : vector<16xi32>
        %gather3A_1185 = tpu.vector_load_idx %arg9[%add3A_1184] : memref<40000xf32, #tpu.memory_space<vmem>>[vector<16xi32>], vector<16xf32>,
        %add3A_1186 = arith.constant 10368 : i32
        %add3A_1187 = arith.addi %add3A_1186, %add3A_1179 : i32
        %get3A_1188 = arith.index_cast %add3A_1187 : i32 to index
        %get3A_1189 = tpu.vector_load %arg10[%get3A_1188] {strides = array<i32>} : memref<13824xf32, #tpu.memory_space<vmem>>, vector<16xf32>,
        %add3A_1190 = arith.addf %get3A_1189, %gather3A_1185 : vector<16xf32>
        %mul3A_1191 = arith.constant 2.000000e-01 : f32
        %mul3A_1192 = vector.broadcast %mul3A_1191 : f32 to vector<16xf32>
        %mul3A_1193 = arith.mulf %mul3A_1192, %add3A_1190 : vector<16xf32>
        %max3A_1194 = arith.maximumf %add3A_1190, %mul3A_1193 : vector<16xf32>
        %exp3A_1195 = math.exp %max3A_1194 : vector<16xf32>
        %add3A_1196 = arith.constant 10368 : i32
        %add3A_1197 = arith.addi %add3A_1196, %add3A_1179 : i32
        %swap3A_1198 = arith.index_cast %add3A_1197 : i32 to index
        %swap3A_1199 = tpu.vector_load %arg11[%swap3A_1198] {strides = array<i32>} : memref<13824xf32, #tpu.memory_space<vmem>>, vector<16xf32>,
        tpu.vector_store %arg11[%swap3A_1198], %exp3A_1195 {strides = array<i32>} : memref<13824xf32, #tpu.memory_space<vmem>>, vector<16xf32>,
        %get3A_1200 = arith.index_cast %add3A_1179 : i32 to index
        %get3A_1201 = tpu.vector_load %arg13[%get3A_1200] {strides = array<i32>} : memref<3456xi32, #tpu.memory_space<vmem>>, vector<16xi32>,
        %mul3A_1202 = arith.constant 4 : i32
        %mul3A_1203 = vector.broadcast %mul3A_1202 : i32 to vector<16xi32>
        %mul3A_1204 = arith.muli %get3A_1201, %mul3A_1203 : vector<16xi32>
        %add3A_1205 = arith.constant 3 : i32
        %add3A_1206 = vector.broadcast %add3A_1205 : i32 to vector<16xi32>
        %add3A_1207 = arith.addi %mul3A_1204, %add3A_1206 : vector<16xi32>
        %add3A_1208 = arith.constant 81 : i32
        %add3A_1209 = arith.addi %add3A_1208, %add3A_70 : i32
        %swap3A_1210 = arith.index_cast %add3A_1209 : i32 to index
        %swap3A_1211 = arith.constant 96 : index
        %swap3A_1212 = tpu.vector_load %arg14[%swap3A_1210, %swap3A_1211] {strides = array<i32>} : memref<108x128xi32, #tpu.memory_space<vmem>>, vector<16xi32>,
        tpu.vector_store %arg14[%swap3A_1210, %swap3A_1211], %add3A_1207 {strides = array<i32>} : memref<108x128xi32, #tpu.memory_space<vmem>>, vector<16xi32>,
        %mul3A_1213 = arith.constant 128 : i32
        %mul3A_1214 = arith.muli %add3A_70, %mul3A_1213 : i32
        %add3A_1215 = arith.constant 112 : i32
        %add3A_1216 = arith.addi %mul3A_1214, %add3A_1215 : i32
        %get3A_1217 = arith.index_cast %add3A_1216 : i32 to index
        %get3A_1218 = tpu.vector_load %arg12[%get3A_1217] {strides = array<i32>} : memref<3456xi32, #tpu.memory_space<vmem>>, vector<16xi32>,
        %add3A_1219 = arith.constant 30000 : i32
        %add3A_1220 = vector.broadcast %add3A_1219 : i32 to vector<16xi32>
        %add3A_1221 = arith.addi %get3A_1218, %add3A_1220 : vector<16xi32>
        %gather3A_1222 = tpu.vector_load_idx %arg9[%add3A_1221] : memref<40000xf32, #tpu.memory_space<vmem>>[vector<16xi32>], vector<16xf32>,
        %add3A_1223 = arith.constant 10368 : i32
        %add3A_1224 = arith.addi %add3A_1223, %add3A_1216 : i32
        %get3A_1225 = arith.index_cast %add3A_1224 : i32 to index
        %get3A_1226 = tpu.vector_load %arg10[%get3A_1225] {strides = array<i32>} : memref<13824xf32, #tpu.memory_space<vmem>>, vector<16xf32>,
        %add3A_1227 = arith.addf %get3A_1226, %gather3A_1222 : vector<16xf32>
        %mul3A_1228 = arith.constant 2.000000e-01 : f32
        %mul3A_1229 = vector.broadcast %mul3A_1228 : f32 to vector<16xf32>
        %mul3A_1230 = arith.mulf %mul3A_1229, %add3A_1227 : vector<16xf32>
        %max3A_1231 = arith.maximumf %add3A_1227, %mul3A_1230 : vector<16xf32>
        %exp3A_1232 = math.exp %max3A_1231 : vector<16xf32>
        %add3A_1233 = arith.constant 10368 : i32
        %add3A_1234 = arith.addi %add3A_1233, %add3A_1216 : i32
        %swap3A_1235 = arith.index_cast %add3A_1234 : i32 to index
        %swap3A_1236 = tpu.vector_load %arg11[%swap3A_1235] {strides = array<i32>} : memref<13824xf32, #tpu.memory_space<vmem>>, vector<16xf32>,
        tpu.vector_store %arg11[%swap3A_1235], %exp3A_1232 {strides = array<i32>} : memref<13824xf32, #tpu.memory_space<vmem>>, vector<16xf32>,
        %get3A_1237 = arith.index_cast %add3A_1216 : i32 to index
        %get3A_1238 = tpu.vector_load %arg13[%get3A_1237] {strides = array<i32>} : memref<3456xi32, #tpu.memory_space<vmem>>, vector<16xi32>,
        %mul3A_1239 = arith.constant 4 : i32
        %mul3A_1240 = vector.broadcast %mul3A_1239 : i32 to vector<16xi32>
        %mul3A_1241 = arith.muli %get3A_1238, %mul3A_1240 : vector<16xi32>
        %add3A_1242 = arith.constant 3 : i32
        %add3A_1243 = vector.broadcast %add3A_1242 : i32 to vector<16xi32>
        %add3A_1244 = arith.addi %mul3A_1241, %add3A_1243 : vector<16xi32>
        %add3A_1245 = arith.constant 81 : i32
        %add3A_1246 = arith.addi %add3A_1245, %add3A_70 : i32
        %swap3A_1247 = arith.index_cast %add3A_1246 : i32 to index
        %swap3A_1248 = arith.constant 112 : index
        %swap3A_1249 = tpu.vector_load %arg14[%swap3A_1247, %swap3A_1248] {strides = array<i32>} : memref<108x128xi32, #tpu.memory_space<vmem>>, vector<16xi32>,
        tpu.vector_store %arg14[%swap3A_1247, %swap3A_1248], %add3A_1244 {strides = array<i32>} : memref<108x128xi32, #tpu.memory_space<vmem>>, vector<16xi32>,
      }
      %scan3A_49 = arith.constant 27 : i32
      %add3A_50 = arith.constant 0 : i32
      %add3A_51 = arith.addi %add3A_50, %add3A_36 : i32
      "tpu.region"() ({
        %run_scoped3A = tpu.sem_alloc : memref<!tpu.dma_semaphore, #tpu.memory_space<semaphore_mem>>
        %dma_start3A = arith.constant 0 : i32
        %dma_start3A_66 = tpu.memref_slice %arg11[%dma_start3A] : memref<13824xf32, #tpu.memory_space<vmem>> -> memref<3456xf32, #tpu.memory_space<vmem>>
        %dma_start3A_67 = tpu.memref_slice %arg7[%add3A_51] : memref<1327104xf32, #tpu.memory_space<hbm>> -> memref<3456xf32, #tpu.memory_space<hbm>>
        %dma_start3A_68 = tpu.memref_slice %arg7[%add3A_51] : memref<1327104xf32, #tpu.memory_space<hbm>> -> memref<3456xf32, #tpu.memory_space<hbm>>
        %dma_start3A_69 = arith.constant 0 : i32
        %dma_start3A_70 = tpu.memref_slice %arg11[%dma_start3A_69] : memref<13824xf32, #tpu.memory_space<vmem>> -> memref<3456xf32, #tpu.memory_space<vmem>>
        tpu.enqueue_dma source(%dma_start3A_70 : memref<3456xf32, #tpu.memory_space<vmem>>) target(%dma_start3A_68 : memref<3456xf32, #tpu.memory_space<hbm>>) target_semaphore(%run_scoped3A : memref<!tpu.dma_semaphore, #tpu.memory_space<semaphore_mem>>)
        %dma_wait3A_71 = arith.constant 0 : i32
        %dma_wait3A_72 = tpu.memref_slice %arg11[%dma_wait3A_71] : memref<13824xf32, #tpu.memory_space<vmem>> -> memref<3456xf32, #tpu.memory_space<vmem>>
        %dma_wait3A_73 = tpu.memref_slice %arg7[%add3A_51] : memref<1327104xf32, #tpu.memory_space<hbm>> -> memref<3456xf32, #tpu.memory_space<hbm>>
        %dma_wait3A_74 = tpu.memref_slice %arg7[%add3A_51] : memref<1327104xf32, #tpu.memory_space<hbm>> -> memref<3456xf32, #tpu.memory_space<hbm>>
        %dma_wait3A_75 = arith.constant 0 : i32
        %dma_wait3A_76 = tpu.memref_slice %arg11[%dma_wait3A_75] : memref<13824xf32, #tpu.memory_space<vmem>> -> memref<3456xf32, #tpu.memory_space<vmem>>
        tpu.wait_dma2 semaphore(%run_scoped3A : memref<!tpu.dma_semaphore, #tpu.memory_space<semaphore_mem>>) src(%dma_wait3A_76 : memref<3456xf32, #tpu.memory_space<vmem>>) dst(%dma_wait3A_74 : memref<3456xf32, #tpu.memory_space<hbm>>)
        tpu.yield
      }) : () -> ()
      %add3A_52 = arith.constant 331776 : i32
      %add3A_53 = arith.addi %add3A_52, %add3A_36 : i32
      "tpu.region"() ({
        %run_scoped3A = tpu.sem_alloc : memref<!tpu.dma_semaphore, #tpu.memory_space<semaphore_mem>>
        %dma_start3A = arith.constant 3456 : i32
        %dma_start3A_66 = tpu.memref_slice %arg11[%dma_start3A] : memref<13824xf32, #tpu.memory_space<vmem>> -> memref<3456xf32, #tpu.memory_space<vmem>>
        %dma_start3A_67 = tpu.memref_slice %arg7[%add3A_53] : memref<1327104xf32, #tpu.memory_space<hbm>> -> memref<3456xf32, #tpu.memory_space<hbm>>
        %dma_start3A_68 = tpu.memref_slice %arg7[%add3A_53] : memref<1327104xf32, #tpu.memory_space<hbm>> -> memref<3456xf32, #tpu.memory_space<hbm>>
        %dma_start3A_69 = arith.constant 3456 : i32
        %dma_start3A_70 = tpu.memref_slice %arg11[%dma_start3A_69] : memref<13824xf32, #tpu.memory_space<vmem>> -> memref<3456xf32, #tpu.memory_space<vmem>>
        tpu.enqueue_dma source(%dma_start3A_70 : memref<3456xf32, #tpu.memory_space<vmem>>) target(%dma_start3A_68 : memref<3456xf32, #tpu.memory_space<hbm>>) target_semaphore(%run_scoped3A : memref<!tpu.dma_semaphore, #tpu.memory_space<semaphore_mem>>)
        %dma_wait3A_71 = arith.constant 3456 : i32
        %dma_wait3A_72 = tpu.memref_slice %arg11[%dma_wait3A_71] : memref<13824xf32, #tpu.memory_space<vmem>> -> memref<3456xf32, #tpu.memory_space<vmem>>
        %dma_wait3A_73 = tpu.memref_slice %arg7[%add3A_53] : memref<1327104xf32, #tpu.memory_space<hbm>> -> memref<3456xf32, #tpu.memory_space<hbm>>
        %dma_wait3A_74 = tpu.memref_slice %arg7[%add3A_53] : memref<1327104xf32, #tpu.memory_space<hbm>> -> memref<3456xf32, #tpu.memory_space<hbm>>
        %dma_wait3A_75 = arith.constant 3456 : i32
        %dma_wait3A_76 = tpu.memref_slice %arg11[%dma_wait3A_75] : memref<13824xf32, #tpu.memory_space<vmem>> -> memref<3456xf32, #tpu.memory_space<vmem>>
        tpu.wait_dma2 semaphore(%run_scoped3A : memref<!tpu.dma_semaphore, #tpu.memory_space<semaphore_mem>>) src(%dma_wait3A_76 : memref<3456xf32, #tpu.memory_space<vmem>>) dst(%dma_wait3A_74 : memref<3456xf32, #tpu.memory_space<hbm>>)
        tpu.yield
      }) : () -> ()
      %add3A_54 = arith.constant 663552 : i32
      %add3A_55 = arith.addi %add3A_54, %add3A_36 : i32
      "tpu.region"() ({
        %run_scoped3A = tpu.sem_alloc : memref<!tpu.dma_semaphore, #tpu.memory_space<semaphore_mem>>
        %dma_start3A = arith.constant 6912 : i32
        %dma_start3A_66 = tpu.memref_slice %arg11[%dma_start3A] : memref<13824xf32, #tpu.memory_space<vmem>> -> memref<3456xf32, #tpu.memory_space<vmem>>
        %dma_start3A_67 = tpu.memref_slice %arg7[%add3A_55] : memref<1327104xf32, #tpu.memory_space<hbm>> -> memref<3456xf32, #tpu.memory_space<hbm>>
        %dma_start3A_68 = tpu.memref_slice %arg7[%add3A_55] : memref<1327104xf32, #tpu.memory_space<hbm>> -> memref<3456xf32, #tpu.memory_space<hbm>>
        %dma_start3A_69 = arith.constant 6912 : i32
        %dma_start3A_70 = tpu.memref_slice %arg11[%dma_start3A_69] : memref<13824xf32, #tpu.memory_space<vmem>> -> memref<3456xf32, #tpu.memory_space<vmem>>
        tpu.enqueue_dma source(%dma_start3A_70 : memref<3456xf32, #tpu.memory_space<vmem>>) target(%dma_start3A_68 : memref<3456xf32, #tpu.memory_space<hbm>>) target_semaphore(%run_scoped3A : memref<!tpu.dma_semaphore, #tpu.memory_space<semaphore_mem>>)
        %dma_wait3A_71 = arith.constant 6912 : i32
        %dma_wait3A_72 = tpu.memref_slice %arg11[%dma_wait3A_71] : memref<13824xf32, #tpu.memory_space<vmem>> -> memref<3456xf32, #tpu.memory_space<vmem>>
        %dma_wait3A_73 = tpu.memref_slice %arg7[%add3A_55] : memref<1327104xf32, #tpu.memory_space<hbm>> -> memref<3456xf32, #tpu.memory_space<hbm>>
        %dma_wait3A_74 = tpu.memref_slice %arg7[%add3A_55] : memref<1327104xf32, #tpu.memory_space<hbm>> -> memref<3456xf32, #tpu.memory_space<hbm>>
        %dma_wait3A_75 = arith.constant 6912 : i32
        %dma_wait3A_76 = tpu.memref_slice %arg11[%dma_wait3A_75] : memref<13824xf32, #tpu.memory_space<vmem>> -> memref<3456xf32, #tpu.memory_space<vmem>>
        tpu.wait_dma2 semaphore(%run_scoped3A : memref<!tpu.dma_semaphore, #tpu.memory_space<semaphore_mem>>) src(%dma_wait3A_76 : memref<3456xf32, #tpu.memory_space<vmem>>) dst(%dma_wait3A_74 : memref<3456xf32, #tpu.memory_space<hbm>>)
        tpu.yield
      }) : () -> ()
      %add3A_56 = arith.constant 995328 : i32
      %add3A_57 = arith.addi %add3A_56, %add3A_36 : i32
      "tpu.region"() ({
        %run_scoped3A = tpu.sem_alloc : memref<!tpu.dma_semaphore, #tpu.memory_space<semaphore_mem>>
        %dma_start3A = arith.constant 10368 : i32
        %dma_start3A_66 = tpu.memref_slice %arg11[%dma_start3A] : memref<13824xf32, #tpu.memory_space<vmem>> -> memref<3456xf32, #tpu.memory_space<vmem>>
        %dma_start3A_67 = tpu.memref_slice %arg7[%add3A_57] : memref<1327104xf32, #tpu.memory_space<hbm>> -> memref<3456xf32, #tpu.memory_space<hbm>>
        %dma_start3A_68 = tpu.memref_slice %arg7[%add3A_57] : memref<1327104xf32, #tpu.memory_space<hbm>> -> memref<3456xf32, #tpu.memory_space<hbm>>
        %dma_start3A_69 = arith.constant 10368 : i32
        %dma_start3A_70 = tpu.memref_slice %arg11[%dma_start3A_69] : memref<13824xf32, #tpu.memory_space<vmem>> -> memref<3456xf32, #tpu.memory_space<vmem>>
        tpu.enqueue_dma source(%dma_start3A_70 : memref<3456xf32, #tpu.memory_space<vmem>>) target(%dma_start3A_68 : memref<3456xf32, #tpu.memory_space<hbm>>) target_semaphore(%run_scoped3A : memref<!tpu.dma_semaphore, #tpu.memory_space<semaphore_mem>>)
        %dma_wait3A_71 = arith.constant 10368 : i32
        %dma_wait3A_72 = tpu.memref_slice %arg11[%dma_wait3A_71] : memref<13824xf32, #tpu.memory_space<vmem>> -> memref<3456xf32, #tpu.memory_space<vmem>>
        %dma_wait3A_73 = tpu.memref_slice %arg7[%add3A_57] : memref<1327104xf32, #tpu.memory_space<hbm>> -> memref<3456xf32, #tpu.memory_space<hbm>>
        %dma_wait3A_74 = tpu.memref_slice %arg7[%add3A_57] : memref<1327104xf32, #tpu.memory_space<hbm>> -> memref<3456xf32, #tpu.memory_space<hbm>>
        %dma_wait3A_75 = arith.constant 10368 : i32
        %dma_wait3A_76 = tpu.memref_slice %arg11[%dma_wait3A_75] : memref<13824xf32, #tpu.memory_space<vmem>> -> memref<3456xf32, #tpu.memory_space<vmem>>
        tpu.wait_dma2 semaphore(%run_scoped3A : memref<!tpu.dma_semaphore, #tpu.memory_space<semaphore_mem>>) src(%dma_wait3A_76 : memref<3456xf32, #tpu.memory_space<vmem>>) dst(%dma_wait3A_74 : memref<3456xf32, #tpu.memory_space<hbm>>)
        tpu.yield
      }) : () -> ()
      %scan3A_58 = arith.constant 0 : i32
      %scan3A_59 = arith.constant 27 : i32
      %scan3A_60 = arith.addi %scan3A_58, %scan3A_59 : i32
      %scan3A_61 = arith.constant 1 : i32
      scf.for %scan3A_66 = %scan3A_58 to %scan3A_60 step %scan3A_61  : i32 {
        %mul3A_67 = arith.constant 1 : i32
        %mul3A_68 = arith.muli %scan3A_66, %mul3A_67 : i32
        %add3A_69 = arith.constant 0 : i32
        %add3A_70 = arith.addi %add3A_69, %mul3A_68 : i32
        %mul3A_71 = arith.constant 128 : i32
        %mul3A_72 = arith.muli %add3A_70, %mul3A_71 : i32
        %add3A_73 = arith.constant 0 : i32
        %add3A_74 = arith.addi %add3A_73, %mul3A_72 : i32
        %add3A_75 = arith.constant 0 : i32
        %add3A_76 = arith.addi %add3A_75, %add3A_70 : i32
        %dma_start3A = tpu.memref_slice %arg11[%add3A_74] : memref<13824xf32, #tpu.memory_space<vmem>> -> memref<128xf32, #tpu.memory_space<vmem>>
        %dma_start3A_77 = arith.constant 0 : i32
        %dma_start3A_78 = tpu.memref_slice %arg14[%add3A_76, %dma_start3A_77] : memref<108x128xi32, #tpu.memory_space<vmem>> -> memref<1x128xi32, #tpu.memory_space<vmem>>
        %dma_start3A_79 = tpu.memref_squeeze %dma_start3A_78 : memref<1x128xi32, #tpu.memory_space<vmem>> -> memref<128xi32, #tpu.memory_space<vmem>>
        %dma_start3A_80 = arith.constant 0 : i32
        %dma_start3A_81 = tpu.memref_slice %arg15[%dma_start3A_80] : memref<40448xf32, #tpu.memory_space<vmem_shared>> -> memref<40448xf32, #tpu.memory_space<vmem_shared>>
        tpu.enqueue_indirect_dma source(%dma_start3A : memref<128xf32, #tpu.memory_space<vmem>>) target(%dma_start3A_81 : memref<40448xf32, #tpu.memory_space<vmem_shared>>) offsets(%dma_start3A_79 : memref<128xi32, #tpu.memory_space<vmem>>) semaphore(%arg16 : memref<!tpu.dma_semaphore, #tpu.memory_space<semaphore_mem>>) {add = true}
        %mul3A_82 = arith.constant 128 : i32
        %mul3A_83 = arith.muli %add3A_70, %mul3A_82 : i32
        %add3A_84 = arith.constant 3456 : i32
        %add3A_85 = arith.addi %add3A_84, %mul3A_83 : i32
        %add3A_86 = arith.constant 27 : i32
        %add3A_87 = arith.addi %add3A_86, %add3A_70 : i32
        %dma_start3A_88 = tpu.memref_slice %arg11[%add3A_85] : memref<13824xf32, #tpu.memory_space<vmem>> -> memref<128xf32, #tpu.memory_space<vmem>>
        %dma_start3A_89 = arith.constant 0 : i32
        %dma_start3A_90 = tpu.memref_slice %arg14[%add3A_87, %dma_start3A_89] : memref<108x128xi32, #tpu.memory_space<vmem>> -> memref<1x128xi32, #tpu.memory_space<vmem>>
        %dma_start3A_91 = tpu.memref_squeeze %dma_start3A_90 : memref<1x128xi32, #tpu.memory_space<vmem>> -> memref<128xi32, #tpu.memory_space<vmem>>
        %dma_start3A_92 = arith.constant 0 : i32
        %dma_start3A_93 = tpu.memref_slice %arg15[%dma_start3A_92] : memref<40448xf32, #tpu.memory_space<vmem_shared>> -> memref<40448xf32, #tpu.memory_space<vmem_shared>>
        tpu.enqueue_indirect_dma source(%dma_start3A_88 : memref<128xf32, #tpu.memory_space<vmem>>) target(%dma_start3A_93 : memref<40448xf32, #tpu.memory_space<vmem_shared>>) offsets(%dma_start3A_91 : memref<128xi32, #tpu.memory_space<vmem>>) semaphore(%arg16 : memref<!tpu.dma_semaphore, #tpu.memory_space<semaphore_mem>>) {add = true}
        %mul3A_94 = arith.constant 128 : i32
        %mul3A_95 = arith.muli %add3A_70, %mul3A_94 : i32
        %add3A_96 = arith.constant 6912 : i32
        %add3A_97 = arith.addi %add3A_96, %mul3A_95 : i32
        %add3A_98 = arith.constant 54 : i32
        %add3A_99 = arith.addi %add3A_98, %add3A_70 : i32
        %dma_start3A_100 = tpu.memref_slice %arg11[%add3A_97] : memref<13824xf32, #tpu.memory_space<vmem>> -> memref<128xf32, #tpu.memory_space<vmem>>
        %dma_start3A_101 = arith.constant 0 : i32
        %dma_start3A_102 = tpu.memref_slice %arg14[%add3A_99, %dma_start3A_101] : memref<108x128xi32, #tpu.memory_space<vmem>> -> memref<1x128xi32, #tpu.memory_space<vmem>>
        %dma_start3A_103 = tpu.memref_squeeze %dma_start3A_102 : memref<1x128xi32, #tpu.memory_space<vmem>> -> memref<128xi32, #tpu.memory_space<vmem>>
        %dma_start3A_104 = arith.constant 0 : i32
        %dma_start3A_105 = tpu.memref_slice %arg15[%dma_start3A_104] : memref<40448xf32, #tpu.memory_space<vmem_shared>> -> memref<40448xf32, #tpu.memory_space<vmem_shared>>
        tpu.enqueue_indirect_dma source(%dma_start3A_100 : memref<128xf32, #tpu.memory_space<vmem>>) target(%dma_start3A_105 : memref<40448xf32, #tpu.memory_space<vmem_shared>>) offsets(%dma_start3A_103 : memref<128xi32, #tpu.memory_space<vmem>>) semaphore(%arg16 : memref<!tpu.dma_semaphore, #tpu.memory_space<semaphore_mem>>) {add = true}
        %mul3A_106 = arith.constant 128 : i32
        %mul3A_107 = arith.muli %add3A_70, %mul3A_106 : i32
        %add3A_108 = arith.constant 10368 : i32
        %add3A_109 = arith.addi %add3A_108, %mul3A_107 : i32
        %add3A_110 = arith.constant 81 : i32
        %add3A_111 = arith.addi %add3A_110, %add3A_70 : i32
        %dma_start3A_112 = tpu.memref_slice %arg11[%add3A_109] : memref<13824xf32, #tpu.memory_space<vmem>> -> memref<128xf32, #tpu.memory_space<vmem>>
        %dma_start3A_113 = arith.constant 0 : i32
        %dma_start3A_114 = tpu.memref_slice %arg14[%add3A_111, %dma_start3A_113] : memref<108x128xi32, #tpu.memory_space<vmem>> -> memref<1x128xi32, #tpu.memory_space<vmem>>
        %dma_start3A_115 = tpu.memref_squeeze %dma_start3A_114 : memref<1x128xi32, #tpu.memory_space<vmem>> -> memref<128xi32, #tpu.memory_space<vmem>>
        %dma_start3A_116 = arith.constant 0 : i32
        %dma_start3A_117 = tpu.memref_slice %arg15[%dma_start3A_116] : memref<40448xf32, #tpu.memory_space<vmem_shared>> -> memref<40448xf32, #tpu.memory_space<vmem_shared>>
        tpu.enqueue_indirect_dma source(%dma_start3A_112 : memref<128xf32, #tpu.memory_space<vmem>>) target(%dma_start3A_117 : memref<40448xf32, #tpu.memory_space<vmem_shared>>) offsets(%dma_start3A_115 : memref<128xi32, #tpu.memory_space<vmem>>) semaphore(%arg16 : memref<!tpu.dma_semaphore, #tpu.memory_space<semaphore_mem>>) {add = true}
      }
      %scan3A_62 = arith.constant 27 : i32
      %dma_wait3A = arith.constant 0 : i32
      %dma_wait3A_63 = tpu.memref_slice %arg2[%dma_wait3A] : memref<1327104xf32, #tpu.memory_space<hbm>> -> memref<13824xf32, #tpu.memory_space<hbm>>
      %dma_wait3A_64 = arith.constant 0 : i32
      %dma_wait3A_65 = tpu.memref_slice %arg2[%dma_wait3A_64] : memref<1327104xf32, #tpu.memory_space<hbm>> -> memref<13824xf32, #tpu.memory_space<hbm>>
      tpu.wait_dma2 semaphore(%arg16 : memref<!tpu.dma_semaphore, #tpu.memory_space<semaphore_mem>>) src(%dma_wait3A_65 : memref<13824xf32, #tpu.memory_space<hbm>>) dst(%arg11 : memref<13824xf32, #tpu.memory_space<vmem>>)
    }
    %scan3A_12 = arith.constant 3 : i32
    %barrier3A_13 = arith.constant 0 : index
    tpu.barrier barrier_id(%barrier3A_13)
    %mul3A_14 = arith.constant 632 : i32
    %mul3A_15 = arith.muli %arg1, %mul3A_14 : i32
    %mul3A_16 = arith.constant 4 : i32
    %mul3A_17 = arith.muli %mul3A_15, %mul3A_16 : i32
    %mul3A_18 = arith.constant 16 : i32
    %mul3A_19 = arith.muli %arg0, %mul3A_18 : i32
    %add3A_20 = arith.addi %mul3A_19, %arg1 : i32
    %mul3A_21 = arith.constant 632 : i32
    %mul3A_22 = arith.muli %add3A_20, %mul3A_21 : i32
    %mul3A_23 = arith.constant 4 : i32
    %mul3A_24 = arith.muli %mul3A_22, %mul3A_23 : i32
    "tpu.region"() ({
      %run_scoped3A = tpu.sem_alloc : memref<!tpu.dma_semaphore, #tpu.memory_space<semaphore_mem>>
      %dma_start3A = tpu.memref_slice %arg8[%mul3A_24] : memref<80896xf32, #tpu.memory_space<hbm>> -> memref<2528xf32, #tpu.memory_space<hbm>>
      %dma_start3A_25 = tpu.memref_slice %arg15[%mul3A_17] : memref<40448xf32, #tpu.memory_space<vmem_shared>> -> memref<2528xf32, #tpu.memory_space<vmem_shared>>
      tpu.enqueue_dma source(%dma_start3A_25 : memref<2528xf32, #tpu.memory_space<vmem_shared>>) target(%dma_start3A : memref<2528xf32, #tpu.memory_space<hbm>>) target_semaphore(%run_scoped3A : memref<!tpu.dma_semaphore, #tpu.memory_space<semaphore_mem>>)
      %dma_wait3A = tpu.memref_slice %arg8[%mul3A_24] : memref<80896xf32, #tpu.memory_space<hbm>> -> memref<2528xf32, #tpu.memory_space<hbm>>
      %dma_wait3A_26 = tpu.memref_slice %arg15[%mul3A_17] : memref<40448xf32, #tpu.memory_space<vmem_shared>> -> memref<2528xf32, #tpu.memory_space<vmem_shared>>
      tpu.wait_dma2 semaphore(%run_scoped3A : memref<!tpu.dma_semaphore, #tpu.memory_space<semaphore_mem>>) src(%dma_wait3A_26 : memref<2528xf32, #tpu.memory_space<vmem_shared>>) dst(%dma_wait3A : memref<2528xf32, #tpu.memory_space<hbm>>)
      tpu.yield
    }) : () -> ()
    return
  }
}

#map = affine_map<(d0, d1) -> (0, 0)>
#map1 = affine_map<(d0, d1) -> (0, 0, 0)>
module attributes {stable_mosaic.version = 14 : i64} {
  func.func @_sc_scatter(%arg0: i32, %arg1: i32, %arg2: memref<221184x128xf32, #tpu.memory_space<hbm>>, %arg3: memref<2592x128xi32, #tpu.memory_space<hbm>>, %arg4: memref<10112x128xf32, #tpu.memory_space<hbm>>, %arg5: memref<2x10112x128xf32, #tpu.memory_space<hbm>>, %arg6: memref<128x128xf32, #tpu.memory_space<vmem>>, %arg7: memref<128x128xf32, #tpu.memory_space<vmem>>, %arg8: memref<54x128xi32, #tpu.memory_space<vmem>>, %arg9: memref<10112x128xf32, #tpu.memory_space<vmem_shared>>, %arg10: memref<!tpu.dma_semaphore, #tpu.memory_space<semaphore_mem>>, %arg11: memref<!tpu.dma_semaphore, #tpu.memory_space<semaphore_mem>>, %arg12: memref<!tpu.dma_semaphore, #tpu.memory_space<semaphore_mem>>, %arg13: memref<!tpu.dma_semaphore, #tpu.memory_space<semaphore_mem>>) attributes {dimension_semantics = [#tpu.dimension_semantics<core_parallel>, #tpu.dimension_semantics<subcore_parallel>], iteration_bounds = array<i64: 2, 16>, scalar_prefetch = 0 : i64, scratch_operands = 8 : i64, tpu.core_type = #tpu.core_type<sc_vector_subcore>, window_params = [{transform_indices = #map}, {transform_indices = #map}, {transform_indices = #map}, {transform_indices = #map1}]} {
    %mul3A = arith.constant 16 : i32
    %mul3A_0 = arith.muli %arg0, %mul3A : i32
    %add3A = arith.addi %mul3A_0, %arg1 : i32
    %mul3A_1 = arith.constant 632 : i32
    %mul3A_2 = arith.muli %arg1, %mul3A_1 : i32
    %mul3A_3 = arith.constant 632 : i32
    %mul3A_4 = arith.muli %arg1, %mul3A_3 : i32
    "tpu.region"() ({
      %run_scoped3A = tpu.sem_alloc : memref<!tpu.dma_semaphore, #tpu.memory_space<semaphore_mem>>
      %dma_start3A_42 = arith.constant 0 : i32
      %dma_start3A_43 = tpu.memref_slice %arg9[%mul3A_4, %dma_start3A_42] : memref<10112x128xf32, #tpu.memory_space<vmem_shared>> -> memref<632x128xf32, #tpu.memory_space<vmem_shared>>
      %dma_start3A_44 = arith.constant 0 : i32
      %dma_start3A_45 = tpu.memref_slice %arg4[%mul3A_2, %dma_start3A_44] : memref<10112x128xf32, #tpu.memory_space<hbm>> -> memref<632x128xf32, #tpu.memory_space<hbm>>
      tpu.enqueue_dma source(%dma_start3A_45 : memref<632x128xf32, #tpu.memory_space<hbm>>) target(%dma_start3A_43 : memref<632x128xf32, #tpu.memory_space<vmem_shared>>) target_semaphore(%run_scoped3A : memref<!tpu.dma_semaphore, #tpu.memory_space<semaphore_mem>>)
      %dma_wait3A_46 = arith.constant 0 : i32
      %dma_wait3A_47 = tpu.memref_slice %arg9[%mul3A_4, %dma_wait3A_46] : memref<10112x128xf32, #tpu.memory_space<vmem_shared>> -> memref<632x128xf32, #tpu.memory_space<vmem_shared>>
      %dma_wait3A_48 = arith.constant 0 : i32
      %dma_wait3A_49 = tpu.memref_slice %arg4[%mul3A_2, %dma_wait3A_48] : memref<10112x128xf32, #tpu.memory_space<hbm>> -> memref<632x128xf32, #tpu.memory_space<hbm>>
      tpu.wait_dma2 semaphore(%run_scoped3A : memref<!tpu.dma_semaphore, #tpu.memory_space<semaphore_mem>>) src(%dma_wait3A_49 : memref<632x128xf32, #tpu.memory_space<hbm>>) dst(%dma_wait3A_47 : memref<632x128xf32, #tpu.memory_space<vmem_shared>>)
      tpu.yield
    }) : () -> ()
    %mul3A_5 = arith.constant 54 : i32
    %mul3A_6 = arith.muli %add3A, %mul3A_5 : i32
    %add3A_7 = arith.constant 0 : i32
    %add3A_8 = arith.addi %add3A_7, %mul3A_6 : i32
    "tpu.region"() ({
      %run_scoped3A = tpu.sem_alloc : memref<!tpu.dma_semaphore, #tpu.memory_space<semaphore_mem>>
      %dma_start3A_42 = arith.constant 0 : i32
      %dma_start3A_43 = tpu.memref_slice %arg3[%add3A_8, %dma_start3A_42] : memref<2592x128xi32, #tpu.memory_space<hbm>> -> memref<54x128xi32, #tpu.memory_space<hbm>>
      %dma_start3A_44 = arith.constant 0 : i32
      %dma_start3A_45 = tpu.memref_slice %arg3[%add3A_8, %dma_start3A_44] : memref<2592x128xi32, #tpu.memory_space<hbm>> -> memref<54x128xi32, #tpu.memory_space<hbm>>
      tpu.enqueue_dma source(%dma_start3A_45 : memref<54x128xi32, #tpu.memory_space<hbm>>) target(%arg8 : memref<54x128xi32, #tpu.memory_space<vmem>>) target_semaphore(%run_scoped3A : memref<!tpu.dma_semaphore, #tpu.memory_space<semaphore_mem>>)
      %dma_wait3A_46 = arith.constant 0 : i32
      %dma_wait3A_47 = tpu.memref_slice %arg3[%add3A_8, %dma_wait3A_46] : memref<2592x128xi32, #tpu.memory_space<hbm>> -> memref<54x128xi32, #tpu.memory_space<hbm>>
      %dma_wait3A_48 = arith.constant 0 : i32
      %dma_wait3A_49 = tpu.memref_slice %arg3[%add3A_8, %dma_wait3A_48] : memref<2592x128xi32, #tpu.memory_space<hbm>> -> memref<54x128xi32, #tpu.memory_space<hbm>>
      tpu.wait_dma2 semaphore(%run_scoped3A : memref<!tpu.dma_semaphore, #tpu.memory_space<semaphore_mem>>) src(%dma_wait3A_49 : memref<54x128xi32, #tpu.memory_space<hbm>>) dst(%arg8 : memref<54x128xi32, #tpu.memory_space<vmem>>)
      tpu.yield
    }) : () -> ()
    %barrier3A = arith.constant 0 : index
    tpu.barrier barrier_id(%barrier3A)
    %mul3A_9 = arith.constant 54 : i32
    %mul3A_10 = arith.muli %add3A, %mul3A_9 : i32
    %mul3A_11 = arith.constant 128 : i32
    %mul3A_12 = arith.muli %mul3A_10, %mul3A_11 : i32
    %dma_start3A = arith.constant 0 : i32
    %dma_start3A_13 = tpu.memref_slice %arg2[%mul3A_12, %dma_start3A] : memref<221184x128xf32, #tpu.memory_space<hbm>> -> memref<128x128xf32, #tpu.memory_space<hbm>>
    %dma_start3A_14 = arith.constant 0 : i32
    %dma_start3A_15 = tpu.memref_slice %arg2[%mul3A_12, %dma_start3A_14] : memref<221184x128xf32, #tpu.memory_space<hbm>> -> memref<128x128xf32, #tpu.memory_space<hbm>>
    tpu.enqueue_dma source(%dma_start3A_15 : memref<128x128xf32, #tpu.memory_space<hbm>>) target(%arg6 : memref<128x128xf32, #tpu.memory_space<vmem>>) target_semaphore(%arg10 : memref<!tpu.dma_semaphore, #tpu.memory_space<semaphore_mem>>)
    %add3A_16 = arith.constant 128 : i32
    %add3A_17 = arith.addi %mul3A_12, %add3A_16 : i32
    %dma_start3A_18 = arith.constant 0 : i32
    %dma_start3A_19 = tpu.memref_slice %arg2[%add3A_17, %dma_start3A_18] : memref<221184x128xf32, #tpu.memory_space<hbm>> -> memref<128x128xf32, #tpu.memory_space<hbm>>
    %dma_start3A_20 = arith.constant 0 : i32
    %dma_start3A_21 = tpu.memref_slice %arg2[%add3A_17, %dma_start3A_20] : memref<221184x128xf32, #tpu.memory_space<hbm>> -> memref<128x128xf32, #tpu.memory_space<hbm>>
    tpu.enqueue_dma source(%dma_start3A_21 : memref<128x128xf32, #tpu.memory_space<hbm>>) target(%arg7 : memref<128x128xf32, #tpu.memory_space<vmem>>) target_semaphore(%arg11 : memref<!tpu.dma_semaphore, #tpu.memory_space<semaphore_mem>>)
    %scan3A = arith.constant 0 : i32
    %scan3A_22 = arith.constant 27 : i32
    %scan3A_23 = arith.addi %scan3A, %scan3A_22 : i32
    %scan3A_24 = arith.constant 1 : i32
    scf.for %scan3A_42 = %scan3A to %scan3A_23 step %scan3A_24  : i32 {
      %mul3A_43 = arith.constant 2 : i32
      %mul3A_44 = arith.muli %scan3A_42, %mul3A_43 : i32
      %add3A_45 = arith.constant 0 : i32
      %add3A_46 = arith.addi %add3A_45, %mul3A_44 : i32
      %add3A_47 = arith.constant 0 : i32
      %add3A_48 = arith.addi %add3A_46, %add3A_47 : i32
      %lt3A = arith.constant 54 : i32
      %lt3A_49 = arith.cmpi slt, %add3A_48, %lt3A : i32
      %convert_element_type3A = arith.extui %lt3A_49 : i1 to i32
      %cond3A = arith.constant 0 : i32
      %cond3A_50 = arith.cmpi ne, %convert_element_type3A, %cond3A : i32
      scf.if %cond3A_50 {
        %dma_wait3A_58 = arith.constant 0 : i32
        %dma_wait3A_59 = arith.constant 0 : i32
        %dma_wait3A_60 = tpu.memref_slice %arg2[%dma_wait3A_58, %dma_wait3A_59] : memref<221184x128xf32, #tpu.memory_space<hbm>> -> memref<128x128xf32, #tpu.memory_space<hbm>>
        %dma_wait3A_61 = arith.constant 0 : i32
        %dma_wait3A_62 = arith.constant 0 : i32
        %dma_wait3A_63 = tpu.memref_slice %arg2[%dma_wait3A_61, %dma_wait3A_62] : memref<221184x128xf32, #tpu.memory_space<hbm>> -> memref<128x128xf32, #tpu.memory_space<hbm>>
        tpu.wait_dma2 semaphore(%arg10 : memref<!tpu.dma_semaphore, #tpu.memory_space<semaphore_mem>>) src(%dma_wait3A_63 : memref<128x128xf32, #tpu.memory_space<hbm>>) dst(%arg6 : memref<128x128xf32, #tpu.memory_space<vmem>>)
        %dma_start3A_64 = arith.constant 0 : i32
        %dma_start3A_65 = tpu.memref_slice %arg8[%add3A_48, %dma_start3A_64] : memref<54x128xi32, #tpu.memory_space<vmem>> -> memref<1x128xi32, #tpu.memory_space<vmem>>
        %dma_start3A_66 = tpu.memref_squeeze %dma_start3A_65 : memref<1x128xi32, #tpu.memory_space<vmem>> -> memref<128xi32, #tpu.memory_space<vmem>>
        %dma_start3A_67 = arith.constant 0 : i32
        %dma_start3A_68 = arith.constant 0 : i32
        %dma_start3A_69 = tpu.memref_slice %arg9[%dma_start3A_67, %dma_start3A_68] : memref<10112x128xf32, #tpu.memory_space<vmem_shared>> -> memref<10112x128xf32, #tpu.memory_space<vmem_shared>>
        tpu.enqueue_indirect_dma source(%arg6 : memref<128x128xf32, #tpu.memory_space<vmem>>) target(%dma_start3A_69 : memref<10112x128xf32, #tpu.memory_space<vmem_shared>>) offsets(%dma_start3A_66 : memref<128xi32, #tpu.memory_space<vmem>>) semaphore(%arg12 : memref<!tpu.dma_semaphore, #tpu.memory_space<semaphore_mem>>) {add = true}
        %ge3A = arith.constant 1 : i32
        %ge3A_70 = arith.cmpi sge, %add3A_48, %ge3A : i32
        %add3A_71 = arith.constant 1 : i32
        %add3A_72 = arith.addi %add3A_48, %add3A_71 : i32
        %lt3A_73 = arith.constant 54 : i32
        %lt3A_74 = arith.cmpi slt, %add3A_72, %lt3A_73 : i32
        %and3A = arith.andi %ge3A_70, %lt3A_74 : i1
        %convert_element_type3A_75 = arith.extui %and3A : i1 to i32
        %cond3A_76 = arith.constant 0 : i32
        %cond3A_77 = arith.cmpi ne, %convert_element_type3A_75, %cond3A_76 : i32
        scf.if %cond3A_77 {
          %dma_wait3A_78 = arith.constant 0 : i32
          %dma_wait3A_79 = arith.constant 0 : i32
          %dma_wait3A_80 = tpu.memref_slice %arg2[%dma_wait3A_78, %dma_wait3A_79] : memref<221184x128xf32, #tpu.memory_space<hbm>> -> memref<128x128xf32, #tpu.memory_space<hbm>>
          %dma_wait3A_81 = arith.constant 0 : i32
          %dma_wait3A_82 = arith.constant 0 : i32
          %dma_wait3A_83 = tpu.memref_slice %arg2[%dma_wait3A_81, %dma_wait3A_82] : memref<221184x128xf32, #tpu.memory_space<hbm>> -> memref<128x128xf32, #tpu.memory_space<hbm>>
          tpu.wait_dma2 semaphore(%arg13 : memref<!tpu.dma_semaphore, #tpu.memory_space<semaphore_mem>>) src(%dma_wait3A_83 : memref<128x128xf32, #tpu.memory_space<hbm>>) dst(%arg7 : memref<128x128xf32, #tpu.memory_space<vmem>>)
          %add3A_84 = arith.constant 1 : i32
          %add3A_85 = arith.addi %add3A_48, %add3A_84 : i32
          %mul3A_86 = arith.constant 128 : i32
          %mul3A_87 = arith.muli %add3A_85, %mul3A_86 : i32
          %add3A_88 = arith.addi %mul3A_12, %mul3A_87 : i32
          %dma_start3A_89 = arith.constant 0 : i32
          %dma_start3A_90 = tpu.memref_slice %arg2[%add3A_88, %dma_start3A_89] : memref<221184x128xf32, #tpu.memory_space<hbm>> -> memref<128x128xf32, #tpu.memory_space<hbm>>
          %dma_start3A_91 = arith.constant 0 : i32
          %dma_start3A_92 = tpu.memref_slice %arg2[%add3A_88, %dma_start3A_91] : memref<221184x128xf32, #tpu.memory_space<hbm>> -> memref<128x128xf32, #tpu.memory_space<hbm>>
          tpu.enqueue_dma source(%dma_start3A_92 : memref<128x128xf32, #tpu.memory_space<hbm>>) target(%arg7 : memref<128x128xf32, #tpu.memory_space<vmem>>) target_semaphore(%arg11 : memref<!tpu.dma_semaphore, #tpu.memory_space<semaphore_mem>>)
        } else {
        }
      } else {
      }
      %add3A_51 = arith.constant 1 : i32
      %add3A_52 = arith.addi %add3A_46, %add3A_51 : i32
      %lt3A_53 = arith.constant 54 : i32
      %lt3A_54 = arith.cmpi slt, %add3A_52, %lt3A_53 : i32
      %convert_element_type3A_55 = arith.extui %lt3A_54 : i1 to i32
      %cond3A_56 = arith.constant 0 : i32
      %cond3A_57 = arith.cmpi ne, %convert_element_type3A_55, %cond3A_56 : i32
      scf.if %cond3A_57 {
        %dma_wait3A_58 = arith.constant 0 : i32
        %dma_wait3A_59 = arith.constant 0 : i32
        %dma_wait3A_60 = tpu.memref_slice %arg2[%dma_wait3A_58, %dma_wait3A_59] : memref<221184x128xf32, #tpu.memory_space<hbm>> -> memref<128x128xf32, #tpu.memory_space<hbm>>
        %dma_wait3A_61 = arith.constant 0 : i32
        %dma_wait3A_62 = arith.constant 0 : i32
        %dma_wait3A_63 = tpu.memref_slice %arg2[%dma_wait3A_61, %dma_wait3A_62] : memref<221184x128xf32, #tpu.memory_space<hbm>> -> memref<128x128xf32, #tpu.memory_space<hbm>>
        tpu.wait_dma2 semaphore(%arg11 : memref<!tpu.dma_semaphore, #tpu.memory_space<semaphore_mem>>) src(%dma_wait3A_63 : memref<128x128xf32, #tpu.memory_space<hbm>>) dst(%arg7 : memref<128x128xf32, #tpu.memory_space<vmem>>)
        %dma_start3A_64 = arith.constant 0 : i32
        %dma_start3A_65 = tpu.memref_slice %arg8[%add3A_52, %dma_start3A_64] : memref<54x128xi32, #tpu.memory_space<vmem>> -> memref<1x128xi32, #tpu.memory_space<vmem>>
        %dma_start3A_66 = tpu.memref_squeeze %dma_start3A_65 : memref<1x128xi32, #tpu.memory_space<vmem>> -> memref<128xi32, #tpu.memory_space<vmem>>
        %dma_start3A_67 = arith.constant 0 : i32
        %dma_start3A_68 = arith.constant 0 : i32
        %dma_start3A_69 = tpu.memref_slice %arg9[%dma_start3A_67, %dma_start3A_68] : memref<10112x128xf32, #tpu.memory_space<vmem_shared>> -> memref<10112x128xf32, #tpu.memory_space<vmem_shared>>
        tpu.enqueue_indirect_dma source(%arg7 : memref<128x128xf32, #tpu.memory_space<vmem>>) target(%dma_start3A_69 : memref<10112x128xf32, #tpu.memory_space<vmem_shared>>) offsets(%dma_start3A_66 : memref<128xi32, #tpu.memory_space<vmem>>) semaphore(%arg13 : memref<!tpu.dma_semaphore, #tpu.memory_space<semaphore_mem>>) {add = true}
        %ge3A = arith.constant 1 : i32
        %ge3A_70 = arith.cmpi sge, %add3A_52, %ge3A : i32
        %add3A_71 = arith.constant 1 : i32
        %add3A_72 = arith.addi %add3A_52, %add3A_71 : i32
        %lt3A_73 = arith.constant 54 : i32
        %lt3A_74 = arith.cmpi slt, %add3A_72, %lt3A_73 : i32
        %and3A = arith.andi %ge3A_70, %lt3A_74 : i1
        %convert_element_type3A_75 = arith.extui %and3A : i1 to i32
        %cond3A_76 = arith.constant 0 : i32
        %cond3A_77 = arith.cmpi ne, %convert_element_type3A_75, %cond3A_76 : i32
        scf.if %cond3A_77 {
          %dma_wait3A_78 = arith.constant 0 : i32
          %dma_wait3A_79 = arith.constant 0 : i32
          %dma_wait3A_80 = tpu.memref_slice %arg2[%dma_wait3A_78, %dma_wait3A_79] : memref<221184x128xf32, #tpu.memory_space<hbm>> -> memref<128x128xf32, #tpu.memory_space<hbm>>
          %dma_wait3A_81 = arith.constant 0 : i32
          %dma_wait3A_82 = arith.constant 0 : i32
          %dma_wait3A_83 = tpu.memref_slice %arg2[%dma_wait3A_81, %dma_wait3A_82] : memref<221184x128xf32, #tpu.memory_space<hbm>> -> memref<128x128xf32, #tpu.memory_space<hbm>>
          tpu.wait_dma2 semaphore(%arg12 : memref<!tpu.dma_semaphore, #tpu.memory_space<semaphore_mem>>) src(%dma_wait3A_83 : memref<128x128xf32, #tpu.memory_space<hbm>>) dst(%arg6 : memref<128x128xf32, #tpu.memory_space<vmem>>)
          %add3A_84 = arith.constant 1 : i32
          %add3A_85 = arith.addi %add3A_52, %add3A_84 : i32
          %mul3A_86 = arith.constant 128 : i32
          %mul3A_87 = arith.muli %add3A_85, %mul3A_86 : i32
          %add3A_88 = arith.addi %mul3A_12, %mul3A_87 : i32
          %dma_start3A_89 = arith.constant 0 : i32
          %dma_start3A_90 = tpu.memref_slice %arg2[%add3A_88, %dma_start3A_89] : memref<221184x128xf32, #tpu.memory_space<hbm>> -> memref<128x128xf32, #tpu.memory_space<hbm>>
          %dma_start3A_91 = arith.constant 0 : i32
          %dma_start3A_92 = tpu.memref_slice %arg2[%add3A_88, %dma_start3A_91] : memref<221184x128xf32, #tpu.memory_space<hbm>> -> memref<128x128xf32, #tpu.memory_space<hbm>>
          tpu.enqueue_dma source(%dma_start3A_92 : memref<128x128xf32, #tpu.memory_space<hbm>>) target(%arg6 : memref<128x128xf32, #tpu.memory_space<vmem>>) target_semaphore(%arg10 : memref<!tpu.dma_semaphore, #tpu.memory_space<semaphore_mem>>)
        } else {
        }
      } else {
      }
    }
    %scan3A_25 = arith.constant 27 : i32
    %dma_wait3A = arith.constant 0 : i32
    %dma_wait3A_26 = arith.constant 0 : i32
    %dma_wait3A_27 = tpu.memref_slice %arg2[%dma_wait3A, %dma_wait3A_26] : memref<221184x128xf32, #tpu.memory_space<hbm>> -> memref<128x128xf32, #tpu.memory_space<hbm>>
    %dma_wait3A_28 = arith.constant 0 : i32
    %dma_wait3A_29 = arith.constant 0 : i32
    %dma_wait3A_30 = tpu.memref_slice %arg2[%dma_wait3A_28, %dma_wait3A_29] : memref<221184x128xf32, #tpu.memory_space<hbm>> -> memref<128x128xf32, #tpu.memory_space<hbm>>
    tpu.wait_dma2 semaphore(%arg12 : memref<!tpu.dma_semaphore, #tpu.memory_space<semaphore_mem>>) src(%dma_wait3A_30 : memref<128x128xf32, #tpu.memory_space<hbm>>) dst(%arg6 : memref<128x128xf32, #tpu.memory_space<vmem>>)
    %dma_wait3A_31 = arith.constant 0 : i32
    %dma_wait3A_32 = arith.constant 0 : i32
    %dma_wait3A_33 = tpu.memref_slice %arg2[%dma_wait3A_31, %dma_wait3A_32] : memref<221184x128xf32, #tpu.memory_space<hbm>> -> memref<128x128xf32, #tpu.memory_space<hbm>>
    %dma_wait3A_34 = arith.constant 0 : i32
    %dma_wait3A_35 = arith.constant 0 : i32
    %dma_wait3A_36 = tpu.memref_slice %arg2[%dma_wait3A_34, %dma_wait3A_35] : memref<221184x128xf32, #tpu.memory_space<hbm>> -> memref<128x128xf32, #tpu.memory_space<hbm>>
    tpu.wait_dma2 semaphore(%arg13 : memref<!tpu.dma_semaphore, #tpu.memory_space<semaphore_mem>>) src(%dma_wait3A_36 : memref<128x128xf32, #tpu.memory_space<hbm>>) dst(%arg7 : memref<128x128xf32, #tpu.memory_space<vmem>>)
    %barrier3A_37 = arith.constant 0 : index
    tpu.barrier barrier_id(%barrier3A_37)
    %mul3A_38 = arith.constant 632 : i32
    %mul3A_39 = arith.muli %arg1, %mul3A_38 : i32
    %mul3A_40 = arith.constant 632 : i32
    %mul3A_41 = arith.muli %arg1, %mul3A_40 : i32
    "tpu.region"() ({
      %run_scoped3A = tpu.sem_alloc : memref<!tpu.dma_semaphore, #tpu.memory_space<semaphore_mem>>
      %dma_start3A_42 = arith.constant 0 : i32
      %dma_start3A_43 = tpu.memref_slice %arg5[%arg0, %mul3A_41, %dma_start3A_42] : memref<2x10112x128xf32, #tpu.memory_space<hbm>> -> memref<1x632x128xf32, #tpu.memory_space<hbm>>
      %dma_start3A_44 = tpu.memref_squeeze %dma_start3A_43 : memref<1x632x128xf32, #tpu.memory_space<hbm>> -> memref<632x128xf32, #tpu.memory_space<hbm>>
      %dma_start3A_45 = arith.constant 0 : i32
      %dma_start3A_46 = tpu.memref_slice %arg9[%mul3A_39, %dma_start3A_45] : memref<10112x128xf32, #tpu.memory_space<vmem_shared>> -> memref<632x128xf32, #tpu.memory_space<vmem_shared>>
      tpu.enqueue_dma source(%dma_start3A_46 : memref<632x128xf32, #tpu.memory_space<vmem_shared>>) target(%dma_start3A_44 : memref<632x128xf32, #tpu.memory_space<hbm>>) target_semaphore(%run_scoped3A : memref<!tpu.dma_semaphore, #tpu.memory_space<semaphore_mem>>)
      %dma_wait3A_47 = arith.constant 0 : i32
      %dma_wait3A_48 = tpu.memref_slice %arg5[%arg0, %mul3A_41, %dma_wait3A_47] : memref<2x10112x128xf32, #tpu.memory_space<hbm>> -> memref<1x632x128xf32, #tpu.memory_space<hbm>>
      %dma_wait3A_49 = tpu.memref_squeeze %dma_wait3A_48 : memref<1x632x128xf32, #tpu.memory_space<hbm>> -> memref<632x128xf32, #tpu.memory_space<hbm>>
      %dma_wait3A_50 = arith.constant 0 : i32
      %dma_wait3A_51 = tpu.memref_slice %arg9[%mul3A_39, %dma_wait3A_50] : memref<10112x128xf32, #tpu.memory_space<vmem_shared>> -> memref<632x128xf32, #tpu.memory_space<vmem_shared>>
      tpu.wait_dma2 semaphore(%run_scoped3A : memref<!tpu.dma_semaphore, #tpu.memory_space<semaphore_mem>>) src(%dma_wait3A_51 : memref<632x128xf32, #tpu.memory_space<vmem_shared>>) dst(%dma_wait3A_49 : memref<632x128xf32, #tpu.memory_space<hbm>>)
      tpu.yield
    }) : () -> ()
    return
  }
}

module attributes {stable_mosaic.version = 14 : i64} {
  func.func @_node_body(%arg0: i32, %arg1: memref<2048x128xf32, #tpu.memory_space<vmem>>, %arg2: memref<128x128xf32, #tpu.memory_space<vmem>>, %arg3: memref<1x128xf32, #tpu.memory_space<vmem>>, %arg4: memref<128x128xf32, #tpu.memory_space<vmem>>, %arg5: memref<4x2048xf32, #tpu.memory_space<vmem>>, %arg6: memref<2048x128xf32, #tpu.memory_space<vmem>>) attributes {dimension_semantics = [#tpu.dimension_semantics<arbitrary>], iteration_bounds = array<i64: 5>, scalar_prefetch = 0 : i64, scratch_operands = 0 : i64, tpu.core_type = #tpu.core_type<tc>, window_params = [{transform_indices = @transform_0, window_bounds = array<i64: 2048, 128>}, {pipeline_mode = #tpu.pipeline_mode<synchronous>, transform_indices = @transform_1, window_bounds = array<i64: 128, 128>}, {pipeline_mode = #tpu.pipeline_mode<synchronous>, transform_indices = @transform_2, window_bounds = array<i64: 1, 128>}, {pipeline_mode = #tpu.pipeline_mode<synchronous>, transform_indices = @transform_3, window_bounds = array<i64: 128, 128>}, {transform_indices = @transform_4, window_bounds = array<i64: 4, 2048>}, {transform_indices = @transform_5, window_bounds = array<i64: 2048, 128>}]} {
    %get3A = arith.constant 0 : index
    %get3A_0 = arith.constant 0 : index
    %get3A_1 = vector.load %arg1[%get3A, %get3A_0] : memref<2048x128xf32, #tpu.memory_space<vmem>>, vector<2048x128xf32>
    %get3A_2 = arith.constant 0 : index
    %get3A_3 = arith.constant 0 : index
    %get3A_4 = vector.load %arg2[%get3A_2, %get3A_3] : memref<128x128xf32, #tpu.memory_space<vmem>>, vector<128x128xf32>
    %dot_general3A = arith.constant dense<0.000000e+00> : vector<2048x128xf32>
    %dot_general3A_5 = tpu.matmul %get3A_1, %get3A_4, %dot_general3A {dimension_numbers = #tpu.dot_dimension_numbers<[1], [1], [0], [0], [0, 0, 1, 0], [], []>, transpose_lhs_hint = false} : vector<2048x128xf32>, vector<128x128xf32>, vector<2048x128xf32> -> vector<2048x128xf32>
    %get3A_6 = arith.constant 0 : index
    %get3A_7 = arith.constant 0 : index
    %get3A_8 = vector.load %arg3[%get3A_6, %get3A_7] : memref<1x128xf32, #tpu.memory_space<vmem>>, vector<1x128xf32>
    %get3A_9 = vector.shape_cast %get3A_8 : vector<1x128xf32> to vector<128xf32>
    %broadcast_in_dim3A = vector.shape_cast %get3A_9 : vector<128xf32> to vector<1x128xf32>
    %mul3A = vector.broadcast %broadcast_in_dim3A : vector<1x128xf32> to vector<2048x128xf32>
    %mul3A_10 = arith.mulf %dot_general3A_5, %mul3A : vector<2048x128xf32>
    %iota3A = tpu.iota {dimensions = array<i32: 0>} : vector<4x128xi32>
    %iota3A_11 = tpu.iota {dimensions = array<i32: 1>} : vector<4x128xi32>
    %jit3A = arith.constant 32 : i32
    %div3A = vector.broadcast %jit3A : i32 to vector<4x128xi32>
    %div3A_12 = arith.divsi %iota3A_11, %div3A : vector<4x128xi32>
    %sign3A = arith.constant 0 : i32
    %sign3A_13 = vector.broadcast %sign3A : i32 to vector<4x128xi32>
    %sign3A_14 = arith.cmpi sgt, %iota3A_11, %sign3A_13 : vector<4x128xi32>
    %sign3A_15 = arith.extui %sign3A_14 : vector<4x128xi1> to vector<4x128xi32>
    %sign3A_16 = arith.constant 0 : i32
    %sign3A_17 = vector.broadcast %sign3A_16 : i32 to vector<4x128xi32>
    %sign3A_18 = arith.cmpi slt, %iota3A_11, %sign3A_17 : vector<4x128xi32>
    %sign3A_19 = arith.extui %sign3A_18 : vector<4x128xi1> to vector<4x128xi32>
    %sign3A_20 = arith.subi %sign3A_15, %sign3A_19 : vector<4x128xi32>
    %sign3A_21 = arith.constant 0 : i32
    %sign3A_22 = arith.cmpi sgt, %jit3A, %sign3A_21 : i32
    %sign3A_23 = arith.extui %sign3A_22 : i1 to i32
    %sign3A_24 = arith.constant 0 : i32
    %sign3A_25 = arith.cmpi slt, %jit3A, %sign3A_24 : i32
    %sign3A_26 = arith.extui %sign3A_25 : i1 to i32
    %sign3A_27 = arith.subi %sign3A_23, %sign3A_26 : i32
    %ne3A = vector.broadcast %sign3A_27 : i32 to vector<4x128xi32>
    %ne3A_28 = arith.cmpi ne, %sign3A_20, %ne3A : vector<4x128xi32>
    %rem3A = vector.broadcast %jit3A : i32 to vector<4x128xi32>
    %rem3A_29 = arith.remsi %iota3A_11, %rem3A : vector<4x128xi32>
    %ne3A_30 = arith.constant 0 : i32
    %ne3A_31 = vector.broadcast %ne3A_30 : i32 to vector<4x128xi32>
    %ne3A_32 = arith.cmpi ne, %rem3A_29, %ne3A_31 : vector<4x128xi32>
    %and3A = arith.andi %ne3A_28, %ne3A_32 : vector<4x128xi1>
    %sub3A = arith.constant 1 : i32
    %sub3A_33 = vector.broadcast %sub3A : i32 to vector<4x128xi32>
    %sub3A_34 = arith.subi %div3A_12, %sub3A_33 : vector<4x128xi32>
    %select_n3A = arith.select %and3A, %sub3A_34, %div3A_12 : vector<4x128xi1>, vector<4x128xi32>
    %eq3A = arith.cmpi eq, %select_n3A, %iota3A : vector<4x128xi32>
    %convert_element_type3A = arith.extui %eq3A : vector<4x128xi1> to vector<4x128xi32>
    %convert_element_type3A_35 = arith.sitofp %convert_element_type3A : vector<4x128xi32> to vector<4x128xf32>
    %dot_general3A_36 = arith.constant dense<0.000000e+00> : vector<4x2048xf32>
    %dot_general3A_37 = tpu.matmul %convert_element_type3A_35, %mul3A_10, %dot_general3A_36 {dimension_numbers = #tpu.dot_dimension_numbers<[1], [1], [0], [0], [0, 0, 1, 0], [], []>, transpose_lhs_hint = false} : vector<4x128xf32>, vector<2048x128xf32>, vector<4x2048xf32> -> vector<4x2048xf32>
    %swap3A = arith.constant 0 : index
    %swap3A_38 = arith.constant 0 : index
    %swap3A_39 = vector.load %arg5[%swap3A, %swap3A_38] : memref<4x2048xf32, #tpu.memory_space<vmem>>, vector<4x2048xf32>
    tpu.vector_store %arg5[%swap3A, %swap3A_38], %dot_general3A_37 {strides = array<i32>} : memref<4x2048xf32, #tpu.memory_space<vmem>>, vector<4x2048xf32>,
    %get3A_40 = arith.constant 0 : index
    %get3A_41 = arith.constant 0 : index
    %get3A_42 = vector.load %arg4[%get3A_40, %get3A_41] : memref<128x128xf32, #tpu.memory_space<vmem>>, vector<128x128xf32>
    %dot_general3A_43 = arith.constant dense<0.000000e+00> : vector<2048x128xf32>
    %dot_general3A_44 = tpu.matmul %get3A_1, %get3A_42, %dot_general3A_43 {dimension_numbers = #tpu.dot_dimension_numbers<[1], [1], [0], [0], [0, 0, 1, 0], [], []>, transpose_lhs_hint = false} : vector<2048x128xf32>, vector<128x128xf32>, vector<2048x128xf32> -> vector<2048x128xf32>
    %swap3A_45 = arith.constant 0 : index
    %swap3A_46 = arith.constant 0 : index
    %swap3A_47 = vector.load %arg6[%swap3A_45, %swap3A_46] : memref<2048x128xf32, #tpu.memory_space<vmem>>, vector<2048x128xf32>
    tpu.vector_store %arg6[%swap3A_45, %swap3A_46], %dot_general3A_44 {strides = array<i32>} : memref<2048x128xf32, #tpu.memory_space<vmem>>, vector<2048x128xf32>,
    return
  }
  func.func @transform_0(%arg0: i32) -> (i32, i32) {
    %c0_i32 = arith.constant 0 : i32
    %c0_i32_0 = arith.constant 0 : i32
    return %arg0, %c0_i32 : i32, i32
  }
  func.func @transform_1(%arg0: i32) -> (i32, i32) {
    %c0_i32 = arith.constant 0 : i32
    %c0_i32_0 = arith.constant 0 : i32
    %c0_i32_1 = arith.constant 0 : i32
    return %c0_i32, %c0_i32_0 : i32, i32
  }
  func.func @transform_2(%arg0: i32) -> (i32, i32) {
    %c0_i32 = arith.constant 0 : i32
    %c0_i32_0 = arith.constant 0 : i32
    %c0_i32_1 = arith.constant 0 : i32
    return %c0_i32, %c0_i32_0 : i32, i32
  }
  func.func @transform_3(%arg0: i32) -> (i32, i32) {
    %c0_i32 = arith.constant 0 : i32
    %c0_i32_0 = arith.constant 0 : i32
    %c0_i32_1 = arith.constant 0 : i32
    return %c0_i32, %c0_i32_0 : i32, i32
  }
  func.func @transform_4(%arg0: i32) -> (i32, i32) {
    %c0_i32 = arith.constant 0 : i32
    %c0_i32_0 = arith.constant 0 : i32
    return %c0_i32, %arg0 : i32, i32
  }
  func.func @transform_5(%arg0: i32) -> (i32, i32) {
    %c0_i32 = arith.constant 0 : i32
    %c0_i32_0 = arith.constant 0 : i32
    return %arg0, %c0_i32 : i32, i32
  }
}

module attributes {stable_mosaic.version = 14 : i64} {
  func.func @_alpha_l_body(%arg0: i32, %arg1: memref<4096x128xf32, #tpu.memory_space<vmem>>, %arg2: memref<128x128xf32, #tpu.memory_space<vmem>>, %arg3: memref<1x128xf32, #tpu.memory_space<vmem>>, %arg4: memref<4x4096xf32, #tpu.memory_space<vmem>>) attributes {dimension_semantics = [#tpu.dimension_semantics<arbitrary>], iteration_bounds = array<i64: 81>, scalar_prefetch = 0 : i64, scratch_operands = 0 : i64, tpu.core_type = #tpu.core_type<tc>, window_params = [{transform_indices = @transform_0, window_bounds = array<i64: 4096, 128>}, {pipeline_mode = #tpu.pipeline_mode<synchronous>, transform_indices = @transform_1, window_bounds = array<i64: 128, 128>}, {pipeline_mode = #tpu.pipeline_mode<synchronous>, transform_indices = @transform_2, window_bounds = array<i64: 1, 128>}, {transform_indices = @transform_3, window_bounds = array<i64: 4, 4096>}]} {
    %get3A = arith.constant 0 : index
    %get3A_0 = arith.constant 0 : index
    %get3A_1 = vector.load %arg2[%get3A, %get3A_0] : memref<128x128xf32, #tpu.memory_space<vmem>>, vector<128x128xf32>
    %get3A_2 = arith.constant 0 : index
    %get3A_3 = arith.constant 0 : index
    %get3A_4 = vector.load %arg3[%get3A_2, %get3A_3] : memref<1x128xf32, #tpu.memory_space<vmem>>, vector<1x128xf32>
    %get3A_5 = vector.shape_cast %get3A_4 : vector<1x128xf32> to vector<128xf32>
    %broadcast_in_dim3A = vector.shape_cast %get3A_5 : vector<128xf32> to vector<128x1xf32>
    %mul3A = vector.broadcast %broadcast_in_dim3A : vector<128x1xf32> to vector<128x128xf32>
    %mul3A_6 = arith.mulf %get3A_1, %mul3A : vector<128x128xf32>
    %iota3A = tpu.iota {dimensions = array<i32: 0>} : vector<4x128xi32>
    %iota3A_7 = tpu.iota {dimensions = array<i32: 1>} : vector<4x128xi32>
    %jit3A = arith.constant 32 : i32
    %div3A = vector.broadcast %jit3A : i32 to vector<4x128xi32>
    %div3A_8 = arith.divsi %iota3A_7, %div3A : vector<4x128xi32>
    %sign3A = arith.constant 0 : i32
    %sign3A_9 = vector.broadcast %sign3A : i32 to vector<4x128xi32>
    %sign3A_10 = arith.cmpi sgt, %iota3A_7, %sign3A_9 : vector<4x128xi32>
    %sign3A_11 = arith.extui %sign3A_10 : vector<4x128xi1> to vector<4x128xi32>
    %sign3A_12 = arith.constant 0 : i32
    %sign3A_13 = vector.broadcast %sign3A_12 : i32 to vector<4x128xi32>
    %sign3A_14 = arith.cmpi slt, %iota3A_7, %sign3A_13 : vector<4x128xi32>
    %sign3A_15 = arith.extui %sign3A_14 : vector<4x128xi1> to vector<4x128xi32>
    %sign3A_16 = arith.subi %sign3A_11, %sign3A_15 : vector<4x128xi32>
    %sign3A_17 = arith.constant 0 : i32
    %sign3A_18 = arith.cmpi sgt, %jit3A, %sign3A_17 : i32
    %sign3A_19 = arith.extui %sign3A_18 : i1 to i32
    %sign3A_20 = arith.constant 0 : i32
    %sign3A_21 = arith.cmpi slt, %jit3A, %sign3A_20 : i32
    %sign3A_22 = arith.extui %sign3A_21 : i1 to i32
    %sign3A_23 = arith.subi %sign3A_19, %sign3A_22 : i32
    %ne3A = vector.broadcast %sign3A_23 : i32 to vector<4x128xi32>
    %ne3A_24 = arith.cmpi ne, %sign3A_16, %ne3A : vector<4x128xi32>
    %rem3A = vector.broadcast %jit3A : i32 to vector<4x128xi32>
    %rem3A_25 = arith.remsi %iota3A_7, %rem3A : vector<4x128xi32>
    %ne3A_26 = arith.constant 0 : i32
    %ne3A_27 = vector.broadcast %ne3A_26 : i32 to vector<4x128xi32>
    %ne3A_28 = arith.cmpi ne, %rem3A_25, %ne3A_27 : vector<4x128xi32>
    %and3A = arith.andi %ne3A_24, %ne3A_28 : vector<4x128xi1>
    %sub3A = arith.constant 1 : i32
    %sub3A_29 = vector.broadcast %sub3A : i32 to vector<4x128xi32>
    %sub3A_30 = arith.subi %div3A_8, %sub3A_29 : vector<4x128xi32>
    %select_n3A = arith.select %and3A, %sub3A_30, %div3A_8 : vector<4x128xi1>, vector<4x128xi32>
    %eq3A = arith.cmpi eq, %select_n3A, %iota3A : vector<4x128xi32>
    %convert_element_type3A = arith.extui %eq3A : vector<4x128xi1> to vector<4x128xi32>
    %convert_element_type3A_31 = arith.sitofp %convert_element_type3A : vector<4x128xi32> to vector<4x128xf32>
    %dot_general3A = arith.constant dense<0.000000e+00> : vector<4x128xf32>
    %dot_general3A_32 = tpu.matmul %convert_element_type3A_31, %mul3A_6, %dot_general3A {dimension_numbers = #tpu.dot_dimension_numbers<[1], [0], [0], [1], [0, 0, 1, 1], [], []>, transpose_lhs_hint = false} : vector<4x128xf32>, vector<128x128xf32>, vector<4x128xf32> -> vector<4x128xf32>
    %get3A_33 = arith.constant 0 : index
    %get3A_34 = arith.constant 0 : index
    %get3A_35 = vector.load %arg1[%get3A_33, %get3A_34] : memref<4096x128xf32, #tpu.memory_space<vmem>>, vector<4096x128xf32>
    %dot_general3A_36 = arith.constant dense<0.000000e+00> : vector<4x4096xf32>
    %dot_general3A_37 = tpu.matmul %dot_general3A_32, %get3A_35, %dot_general3A_36 {dimension_numbers = #tpu.dot_dimension_numbers<[1], [1], [0], [0], [0, 0, 1, 0], [], []>, transpose_lhs_hint = false} : vector<4x128xf32>, vector<4096x128xf32>, vector<4x4096xf32> -> vector<4x4096xf32>
    %swap3A = arith.constant 0 : index
    %swap3A_38 = arith.constant 0 : index
    %swap3A_39 = vector.load %arg4[%swap3A, %swap3A_38] : memref<4x4096xf32, #tpu.memory_space<vmem>>, vector<4x4096xf32>
    tpu.vector_store %arg4[%swap3A, %swap3A_38], %dot_general3A_37 {strides = array<i32>} : memref<4x4096xf32, #tpu.memory_space<vmem>>, vector<4x4096xf32>,
    return
  }
  func.func @transform_0(%arg0: i32) -> (i32, i32) {
    %c0_i32 = arith.constant 0 : i32
    %c0_i32_0 = arith.constant 0 : i32
    return %arg0, %c0_i32 : i32, i32
  }
  func.func @transform_1(%arg0: i32) -> (i32, i32) {
    %c0_i32 = arith.constant 0 : i32
    %c0_i32_0 = arith.constant 0 : i32
    %c0_i32_1 = arith.constant 0 : i32
    return %c0_i32, %c0_i32_0 : i32, i32
  }
  func.func @transform_2(%arg0: i32) -> (i32, i32) {
    %c0_i32 = arith.constant 0 : i32
    %c0_i32_0 = arith.constant 0 : i32
    %c0_i32_1 = arith.constant 0 : i32
    return %c0_i32, %c0_i32_0 : i32, i32
  }
  func.func @transform_3(%arg0: i32) -> (i32, i32) {
    %c0_i32 = arith.constant 0 : i32
    %c0_i32_0 = arith.constant 0 : i32
    return %c0_i32, %arg0 : i32, i32
  }
}

module attributes {stable_mosaic.version = 14 : i64} {
  func.func @_y_body(%arg0: i32, %arg1: memref<4096x128xf32, #tpu.memory_space<vmem>>, %arg2: memref<4x4096xf32, #tpu.memory_space<vmem>>, %arg3: memref<128x128xf32, #tpu.memory_space<vmem>>, %arg4: memref<4096x128xf32, #tpu.memory_space<vmem>>) attributes {dimension_semantics = [#tpu.dimension_semantics<arbitrary>], iteration_bounds = array<i64: 54>, scalar_prefetch = 0 : i64, scratch_operands = 0 : i64, tpu.core_type = #tpu.core_type<tc>, window_params = [{transform_indices = @transform_0, window_bounds = array<i64: 4096, 128>}, {transform_indices = @transform_1, window_bounds = array<i64: 4, 4096>}, {pipeline_mode = #tpu.pipeline_mode<synchronous>, transform_indices = @transform_2, window_bounds = array<i64: 128, 128>}, {transform_indices = @transform_3, window_bounds = array<i64: 4096, 128>}]} {
    %get3A = arith.constant 0 : index
    %get3A_0 = arith.constant 0 : index
    %get3A_1 = vector.load %arg1[%get3A, %get3A_0] : memref<4096x128xf32, #tpu.memory_space<vmem>>, vector<4096x128xf32>
    %get3A_2 = arith.constant 0 : index
    %get3A_3 = arith.constant 0 : index
    %get3A_4 = vector.load %arg3[%get3A_2, %get3A_3] : memref<128x128xf32, #tpu.memory_space<vmem>>, vector<128x128xf32>
    %dot_general3A = arith.constant dense<0.000000e+00> : vector<4096x128xf32>
    %dot_general3A_5 = tpu.matmul %get3A_1, %get3A_4, %dot_general3A {dimension_numbers = #tpu.dot_dimension_numbers<[1], [1], [0], [0], [0, 0, 1, 0], [], []>, transpose_lhs_hint = false} : vector<4096x128xf32>, vector<128x128xf32>, vector<4096x128xf32> -> vector<4096x128xf32>
    %get3A_6 = arith.constant 0 : index
    %get3A_7 = arith.constant 0 : index
    %get3A_8 = vector.load %arg2[%get3A_6, %get3A_7] : memref<4x4096xf32, #tpu.memory_space<vmem>>, vector<4x4096xf32>
    %iota3A = tpu.iota {dimensions = array<i32: 0>} : vector<4x128xi32>
    %iota3A_9 = tpu.iota {dimensions = array<i32: 1>} : vector<4x128xi32>
    %jit3A = arith.constant 32 : i32
    %div3A = vector.broadcast %jit3A : i32 to vector<4x128xi32>
    %div3A_10 = arith.divsi %iota3A_9, %div3A : vector<4x128xi32>
    %sign3A = arith.constant 0 : i32
    %sign3A_11 = vector.broadcast %sign3A : i32 to vector<4x128xi32>
    %sign3A_12 = arith.cmpi sgt, %iota3A_9, %sign3A_11 : vector<4x128xi32>
    %sign3A_13 = arith.extui %sign3A_12 : vector<4x128xi1> to vector<4x128xi32>
    %sign3A_14 = arith.constant 0 : i32
    %sign3A_15 = vector.broadcast %sign3A_14 : i32 to vector<4x128xi32>
    %sign3A_16 = arith.cmpi slt, %iota3A_9, %sign3A_15 : vector<4x128xi32>
    %sign3A_17 = arith.extui %sign3A_16 : vector<4x128xi1> to vector<4x128xi32>
    %sign3A_18 = arith.subi %sign3A_13, %sign3A_17 : vector<4x128xi32>
    %sign3A_19 = arith.constant 0 : i32
    %sign3A_20 = arith.cmpi sgt, %jit3A, %sign3A_19 : i32
    %sign3A_21 = arith.extui %sign3A_20 : i1 to i32
    %sign3A_22 = arith.constant 0 : i32
    %sign3A_23 = arith.cmpi slt, %jit3A, %sign3A_22 : i32
    %sign3A_24 = arith.extui %sign3A_23 : i1 to i32
    %sign3A_25 = arith.subi %sign3A_21, %sign3A_24 : i32
    %ne3A = vector.broadcast %sign3A_25 : i32 to vector<4x128xi32>
    %ne3A_26 = arith.cmpi ne, %sign3A_18, %ne3A : vector<4x128xi32>
    %rem3A = vector.broadcast %jit3A : i32 to vector<4x128xi32>
    %rem3A_27 = arith.remsi %iota3A_9, %rem3A : vector<4x128xi32>
    %ne3A_28 = arith.constant 0 : i32
    %ne3A_29 = vector.broadcast %ne3A_28 : i32 to vector<4x128xi32>
    %ne3A_30 = arith.cmpi ne, %rem3A_27, %ne3A_29 : vector<4x128xi32>
    %and3A = arith.andi %ne3A_26, %ne3A_30 : vector<4x128xi1>
    %sub3A = arith.constant 1 : i32
    %sub3A_31 = vector.broadcast %sub3A : i32 to vector<4x128xi32>
    %sub3A_32 = arith.subi %div3A_10, %sub3A_31 : vector<4x128xi32>
    %select_n3A = arith.select %and3A, %sub3A_32, %div3A_10 : vector<4x128xi1>, vector<4x128xi32>
    %eq3A = arith.cmpi eq, %select_n3A, %iota3A : vector<4x128xi32>
    %convert_element_type3A = arith.extui %eq3A : vector<4x128xi1> to vector<4x128xi32>
    %convert_element_type3A_33 = arith.sitofp %convert_element_type3A : vector<4x128xi32> to vector<4x128xf32>
    %dot_general3A_34 = arith.constant dense<0.000000e+00> : vector<4096x128xf32>
    %dot_general3A_35 = tpu.matmul %get3A_8, %convert_element_type3A_33, %dot_general3A_34 {dimension_numbers = #tpu.dot_dimension_numbers<[0], [0], [1], [1], [0, 1, 1, 1], [], []>, transpose_lhs_hint = false} : vector<4x4096xf32>, vector<4x128xf32>, vector<4096x128xf32> -> vector<4096x128xf32>
    %mul3A = arith.mulf %dot_general3A_5, %dot_general3A_35 : vector<4096x128xf32>
    %swap3A = arith.constant 0 : index
    %swap3A_36 = arith.constant 0 : index
    %swap3A_37 = vector.load %arg4[%swap3A, %swap3A_36] : memref<4096x128xf32, #tpu.memory_space<vmem>>, vector<4096x128xf32>
    tpu.vector_store %arg4[%swap3A, %swap3A_36], %mul3A {strides = array<i32>} : memref<4096x128xf32, #tpu.memory_space<vmem>>, vector<4096x128xf32>,
    return
  }
  func.func @transform_0(%arg0: i32) -> (i32, i32) {
    %c0_i32 = arith.constant 0 : i32
    %c0_i32_0 = arith.constant 0 : i32
    return %arg0, %c0_i32 : i32, i32
  }
  func.func @transform_1(%arg0: i32) -> (i32, i32) {
    %c0_i32 = arith.constant 0 : i32
    %c0_i32_0 = arith.constant 0 : i32
    return %c0_i32, %arg0 : i32, i32
  }
  func.func @transform_2(%arg0: i32) -> (i32, i32) {
    %c0_i32 = arith.constant 0 : i32
    %c0_i32_0 = arith.constant 0 : i32
    %c0_i32_1 = arith.constant 0 : i32
    return %c0_i32, %c0_i32_0 : i32, i32
  }
  func.func @transform_3(%arg0: i32) -> (i32, i32) {
    %c0_i32 = arith.constant 0 : i32
    %c0_i32_0 = arith.constant 0 : i32
    return %arg0, %c0_i32 : i32, i32
  }
}

module attributes {stable_mosaic.version = 14 : i64} {
  func.func @_y_body(%arg0: i32, %arg1: memref<4096x128xf32, #tpu.memory_space<vmem>>, %arg2: memref<4x4096xf32, #tpu.memory_space<vmem>>, %arg3: memref<128x128xf32, #tpu.memory_space<vmem>>, %arg4: memref<4096x128xf32, #tpu.memory_space<vmem>>) attributes {dimension_semantics = [#tpu.dimension_semantics<arbitrary>], iteration_bounds = array<i64: 27>, scalar_prefetch = 0 : i64, scratch_operands = 0 : i64, tpu.core_type = #tpu.core_type<tc>, window_params = [{transform_indices = @transform_0, window_bounds = array<i64: 4096, 128>}, {transform_indices = @transform_1, window_bounds = array<i64: 4, 4096>}, {pipeline_mode = #tpu.pipeline_mode<synchronous>, transform_indices = @transform_2, window_bounds = array<i64: 128, 128>}, {transform_indices = @transform_3, window_bounds = array<i64: 4096, 128>}]} {
    %get3A = arith.constant 0 : index
    %get3A_0 = arith.constant 0 : index
    %get3A_1 = vector.load %arg1[%get3A, %get3A_0] : memref<4096x128xf32, #tpu.memory_space<vmem>>, vector<4096x128xf32>
    %get3A_2 = arith.constant 0 : index
    %get3A_3 = arith.constant 0 : index
    %get3A_4 = vector.load %arg3[%get3A_2, %get3A_3] : memref<128x128xf32, #tpu.memory_space<vmem>>, vector<128x128xf32>
    %dot_general3A = arith.constant dense<0.000000e+00> : vector<4096x128xf32>
    %dot_general3A_5 = tpu.matmul %get3A_1, %get3A_4, %dot_general3A {dimension_numbers = #tpu.dot_dimension_numbers<[1], [1], [0], [0], [0, 0, 1, 0], [], []>, transpose_lhs_hint = false} : vector<4096x128xf32>, vector<128x128xf32>, vector<4096x128xf32> -> vector<4096x128xf32>
    %get3A_6 = arith.constant 0 : index
    %get3A_7 = arith.constant 0 : index
    %get3A_8 = vector.load %arg2[%get3A_6, %get3A_7] : memref<4x4096xf32, #tpu.memory_space<vmem>>, vector<4x4096xf32>
    %iota3A = tpu.iota {dimensions = array<i32: 0>} : vector<4x128xi32>
    %iota3A_9 = tpu.iota {dimensions = array<i32: 1>} : vector<4x128xi32>
    %jit3A = arith.constant 32 : i32
    %div3A = vector.broadcast %jit3A : i32 to vector<4x128xi32>
    %div3A_10 = arith.divsi %iota3A_9, %div3A : vector<4x128xi32>
    %sign3A = arith.constant 0 : i32
    %sign3A_11 = vector.broadcast %sign3A : i32 to vector<4x128xi32>
    %sign3A_12 = arith.cmpi sgt, %iota3A_9, %sign3A_11 : vector<4x128xi32>
    %sign3A_13 = arith.extui %sign3A_12 : vector<4x128xi1> to vector<4x128xi32>
    %sign3A_14 = arith.constant 0 : i32
    %sign3A_15 = vector.broadcast %sign3A_14 : i32 to vector<4x128xi32>
    %sign3A_16 = arith.cmpi slt, %iota3A_9, %sign3A_15 : vector<4x128xi32>
    %sign3A_17 = arith.extui %sign3A_16 : vector<4x128xi1> to vector<4x128xi32>
    %sign3A_18 = arith.subi %sign3A_13, %sign3A_17 : vector<4x128xi32>
    %sign3A_19 = arith.constant 0 : i32
    %sign3A_20 = arith.cmpi sgt, %jit3A, %sign3A_19 : i32
    %sign3A_21 = arith.extui %sign3A_20 : i1 to i32
    %sign3A_22 = arith.constant 0 : i32
    %sign3A_23 = arith.cmpi slt, %jit3A, %sign3A_22 : i32
    %sign3A_24 = arith.extui %sign3A_23 : i1 to i32
    %sign3A_25 = arith.subi %sign3A_21, %sign3A_24 : i32
    %ne3A = vector.broadcast %sign3A_25 : i32 to vector<4x128xi32>
    %ne3A_26 = arith.cmpi ne, %sign3A_18, %ne3A : vector<4x128xi32>
    %rem3A = vector.broadcast %jit3A : i32 to vector<4x128xi32>
    %rem3A_27 = arith.remsi %iota3A_9, %rem3A : vector<4x128xi32>
    %ne3A_28 = arith.constant 0 : i32
    %ne3A_29 = vector.broadcast %ne3A_28 : i32 to vector<4x128xi32>
    %ne3A_30 = arith.cmpi ne, %rem3A_27, %ne3A_29 : vector<4x128xi32>
    %and3A = arith.andi %ne3A_26, %ne3A_30 : vector<4x128xi1>
    %sub3A = arith.constant 1 : i32
    %sub3A_31 = vector.broadcast %sub3A : i32 to vector<4x128xi32>
    %sub3A_32 = arith.subi %div3A_10, %sub3A_31 : vector<4x128xi32>
    %select_n3A = arith.select %and3A, %sub3A_32, %div3A_10 : vector<4x128xi1>, vector<4x128xi32>
    %eq3A = arith.cmpi eq, %select_n3A, %iota3A : vector<4x128xi32>
    %convert_element_type3A = arith.extui %eq3A : vector<4x128xi1> to vector<4x128xi32>
    %convert_element_type3A_33 = arith.sitofp %convert_element_type3A : vector<4x128xi32> to vector<4x128xf32>
    %dot_general3A_34 = arith.constant dense<0.000000e+00> : vector<4096x128xf32>
    %dot_general3A_35 = tpu.matmul %get3A_8, %convert_element_type3A_33, %dot_general3A_34 {dimension_numbers = #tpu.dot_dimension_numbers<[0], [0], [1], [1], [0, 1, 1, 1], [], []>, transpose_lhs_hint = false} : vector<4x4096xf32>, vector<4x128xf32>, vector<4096x128xf32> -> vector<4096x128xf32>
    %mul3A = arith.mulf %dot_general3A_5, %dot_general3A_35 : vector<4096x128xf32>
    %swap3A = arith.constant 0 : index
    %swap3A_36 = arith.constant 0 : index
    %swap3A_37 = vector.load %arg4[%swap3A, %swap3A_36] : memref<4096x128xf32, #tpu.memory_space<vmem>>, vector<4096x128xf32>
    tpu.vector_store %arg4[%swap3A, %swap3A_36], %mul3A {strides = array<i32>} : memref<4096x128xf32, #tpu.memory_space<vmem>>, vector<4096x128xf32>,
    return
  }
  func.func @transform_0(%arg0: i32) -> (i32, i32) {
    %add3A = arith.constant 54 : i32
    %add3A_0 = arith.addi %arg0, %add3A : i32
    %c0_i32 = arith.constant 0 : i32
    %c0_i32_1 = arith.constant 0 : i32
    return %add3A_0, %c0_i32 : i32, i32
  }
  func.func @transform_1(%arg0: i32) -> (i32, i32) {
    %add3A = arith.constant 54 : i32
    %add3A_0 = arith.addi %arg0, %add3A : i32
    %c0_i32 = arith.constant 0 : i32
    %c0_i32_1 = arith.constant 0 : i32
    return %c0_i32, %add3A_0 : i32, i32
  }
  func.func @transform_2(%arg0: i32) -> (i32, i32) {
    %c0_i32 = arith.constant 0 : i32
    %c0_i32_0 = arith.constant 0 : i32
    %c0_i32_1 = arith.constant 0 : i32
    return %c0_i32, %c0_i32_0 : i32, i32
  }
  func.func @transform_3(%arg0: i32) -> (i32, i32) {
    %c0_i32 = arith.constant 0 : i32
    %c0_i32_0 = arith.constant 0 : i32
    return %arg0, %c0_i32 : i32, i32
  }
}

module attributes {stable_mosaic.version = 14 : i64} {
  func.func @_final_body(%arg0: i32, %arg1: memref<2x1000x128xf32, #tpu.memory_space<vmem>>, %arg2: memref<2x1000x128xf32, #tpu.memory_space<vmem>>, %arg3: memref<2x1000x4xf32, #tpu.memory_space<vmem>>, %arg4: memref<1000x128xf32, #tpu.memory_space<vmem>>, %arg5: memref<1000x128xf32, #tpu.memory_space<vmem>>) attributes {dimension_semantics = [#tpu.dimension_semantics<arbitrary>], iteration_bounds = array<i64: 10>, scalar_prefetch = 0 : i64, scratch_operands = 0 : i64, tpu.core_type = #tpu.core_type<tc>, window_params = [{transform_indices = @transform_0, window_bounds = array<i64: 2, 1000, 128>}, {transform_indices = @transform_1, window_bounds = array<i64: 2, 1000, 128>}, {transform_indices = @transform_2, window_bounds = array<i64: 2, 1000, 4>}, {transform_indices = @transform_3, window_bounds = array<i64: 1000, 128>}, {transform_indices = @transform_4, window_bounds = array<i64: 1000, 128>}]} {
    %get3A = arith.constant 0 : index
    %get3A_0 = arith.constant 0 : index
    %get3A_1 = arith.constant 0 : index
    %get3A_2 = vector.load %arg1[%get3A, %get3A_0, %get3A_1] : memref<2x1000x128xf32, #tpu.memory_space<vmem>>, vector<1x1000x128xf32>
    %get3A_3 = vector.shape_cast %get3A_2 : vector<1x1000x128xf32> to vector<1000x128xf32>
    %get3A_4 = arith.constant 1 : index
    %get3A_5 = arith.constant 0 : index
    %get3A_6 = arith.constant 0 : index
    %get3A_7 = vector.load %arg1[%get3A_4, %get3A_5, %get3A_6] : memref<2x1000x128xf32, #tpu.memory_space<vmem>>, vector<1x1000x128xf32>
    %get3A_8 = vector.shape_cast %get3A_7 : vector<1x1000x128xf32> to vector<1000x128xf32>
    %add3A = arith.addf %get3A_3, %get3A_8 : vector<1000x128xf32>
    %get3A_9 = arith.constant 0 : index
    %get3A_10 = arith.constant 0 : index
    %get3A_11 = arith.constant 0 : index
    %get3A_12 = vector.load %arg2[%get3A_9, %get3A_10, %get3A_11] : memref<2x1000x128xf32, #tpu.memory_space<vmem>>, vector<1x1000x128xf32>
    %get3A_13 = vector.shape_cast %get3A_12 : vector<1x1000x128xf32> to vector<1000x128xf32>
    %add3A_14 = arith.addf %add3A, %get3A_13 : vector<1000x128xf32>
    %get3A_15 = arith.constant 1 : index
    %get3A_16 = arith.constant 0 : index
    %get3A_17 = arith.constant 0 : index
    %get3A_18 = vector.load %arg2[%get3A_15, %get3A_16, %get3A_17] : memref<2x1000x128xf32, #tpu.memory_space<vmem>>, vector<1x1000x128xf32>
    %get3A_19 = vector.shape_cast %get3A_18 : vector<1x1000x128xf32> to vector<1000x128xf32>
    %add3A_20 = arith.addf %add3A_14, %get3A_19 : vector<1000x128xf32>
    %get3A_21 = arith.constant 0 : index
    %get3A_22 = arith.constant 0 : index
    %get3A_23 = arith.constant 0 : index
    %get3A_24 = vector.load %arg3[%get3A_21, %get3A_22, %get3A_23] : memref<2x1000x4xf32, #tpu.memory_space<vmem>>, vector<1x1000x4xf32>
    %get3A_25 = vector.shape_cast %get3A_24 : vector<1x1000x4xf32> to vector<1000x4xf32>
    %get3A_26 = arith.constant 1 : index
    %get3A_27 = arith.constant 0 : index
    %get3A_28 = arith.constant 0 : index
    %get3A_29 = vector.load %arg3[%get3A_26, %get3A_27, %get3A_28] : memref<2x1000x4xf32, #tpu.memory_space<vmem>>, vector<1x1000x4xf32>
    %get3A_30 = vector.shape_cast %get3A_29 : vector<1x1000x4xf32> to vector<1000x4xf32>
    %add3A_31 = arith.addf %get3A_25, %get3A_30 : vector<1000x4xf32>
    %iota3A = tpu.iota {dimensions = array<i32: 0>} : vector<4x128xi32>
    %iota3A_32 = tpu.iota {dimensions = array<i32: 1>} : vector<4x128xi32>
    %jit3A = arith.constant 32 : i32
    %div3A = vector.broadcast %jit3A : i32 to vector<4x128xi32>
    %div3A_33 = arith.divsi %iota3A_32, %div3A : vector<4x128xi32>
    %sign3A = arith.constant 0 : i32
    %sign3A_34 = vector.broadcast %sign3A : i32 to vector<4x128xi32>
    %sign3A_35 = arith.cmpi sgt, %iota3A_32, %sign3A_34 : vector<4x128xi32>
    %sign3A_36 = arith.extui %sign3A_35 : vector<4x128xi1> to vector<4x128xi32>
    %sign3A_37 = arith.constant 0 : i32
    %sign3A_38 = vector.broadcast %sign3A_37 : i32 to vector<4x128xi32>
    %sign3A_39 = arith.cmpi slt, %iota3A_32, %sign3A_38 : vector<4x128xi32>
    %sign3A_40 = arith.extui %sign3A_39 : vector<4x128xi1> to vector<4x128xi32>
    %sign3A_41 = arith.subi %sign3A_36, %sign3A_40 : vector<4x128xi32>
    %sign3A_42 = arith.constant 0 : i32
    %sign3A_43 = arith.cmpi sgt, %jit3A, %sign3A_42 : i32
    %sign3A_44 = arith.extui %sign3A_43 : i1 to i32
    %sign3A_45 = arith.constant 0 : i32
    %sign3A_46 = arith.cmpi slt, %jit3A, %sign3A_45 : i32
    %sign3A_47 = arith.extui %sign3A_46 : i1 to i32
    %sign3A_48 = arith.subi %sign3A_44, %sign3A_47 : i32
    %ne3A = vector.broadcast %sign3A_48 : i32 to vector<4x128xi32>
    %ne3A_49 = arith.cmpi ne, %sign3A_41, %ne3A : vector<4x128xi32>
    %rem3A = vector.broadcast %jit3A : i32 to vector<4x128xi32>
    %rem3A_50 = arith.remsi %iota3A_32, %rem3A : vector<4x128xi32>
    %ne3A_51 = arith.constant 0 : i32
    %ne3A_52 = vector.broadcast %ne3A_51 : i32 to vector<4x128xi32>
    %ne3A_53 = arith.cmpi ne, %rem3A_50, %ne3A_52 : vector<4x128xi32>
    %and3A = arith.andi %ne3A_49, %ne3A_53 : vector<4x128xi1>
    %sub3A = arith.constant 1 : i32
    %sub3A_54 = vector.broadcast %sub3A : i32 to vector<4x128xi32>
    %sub3A_55 = arith.subi %div3A_33, %sub3A_54 : vector<4x128xi32>
    %select_n3A = arith.select %and3A, %sub3A_55, %div3A_33 : vector<4x128xi1>, vector<4x128xi32>
    %eq3A = arith.cmpi eq, %select_n3A, %iota3A : vector<4x128xi32>
    %convert_element_type3A = arith.extui %eq3A : vector<4x128xi1> to vector<4x128xi32>
    %convert_element_type3A_56 = arith.sitofp %convert_element_type3A : vector<4x128xi32> to vector<4x128xf32>
    %dot_general3A = arith.constant dense<0.000000e+00> : vector<1000x128xf32>
    %dot_general3A_57 = tpu.matmul %add3A_31, %convert_element_type3A_56, %dot_general3A {dimension_numbers = #tpu.dot_dimension_numbers<[1], [0], [0], [1], [0, 0, 1, 1], [], []>, transpose_lhs_hint = false} : vector<1000x4xf32>, vector<4x128xf32>, vector<1000x128xf32> -> vector<1000x128xf32>
    %add3A_58 = arith.constant 1.000000e-16 : f32
    %add3A_59 = vector.broadcast %add3A_58 : f32 to vector<1000x128xf32>
    %add3A_60 = arith.addf %dot_general3A_57, %add3A_59 : vector<1000x128xf32>
    %div3A_61 = arith.divf %add3A_20, %add3A_60 : vector<1000x128xf32>
    %gt3A = arith.constant 0.000000e+00 : f32
    %gt3A_62 = vector.broadcast %gt3A : f32 to vector<1000x128xf32>
    %gt3A_63 = arith.cmpf ogt, %div3A_61, %gt3A_62 : vector<1000x128xf32>
    %min3A = arith.constant 0.000000e+00 : f32
    %min3A_64 = vector.broadcast %min3A : f32 to vector<1000x128xf32>
    %min3A_65 = arith.minimumf %div3A_61, %min3A_64 : vector<1000x128xf32>
    %exp3A = math.exp %min3A_65 : vector<1000x128xf32>
    %sub3A_66 = arith.constant 1.000000e+00 : f32
    %sub3A_67 = vector.broadcast %sub3A_66 : f32 to vector<1000x128xf32>
    %sub3A_68 = arith.subf %exp3A, %sub3A_67 : vector<1000x128xf32>
    %select_n3A_69 = arith.select %gt3A_63, %div3A_61, %sub3A_68 : vector<1000x128xi1>, vector<1000x128xf32>
    %get3A_70 = arith.constant 0 : index
    %get3A_71 = arith.constant 0 : index
    %get3A_72 = vector.load %arg4[%get3A_70, %get3A_71] : memref<1000x128xf32, #tpu.memory_space<vmem>>, vector<1000x128xf32>
    %add3A_73 = arith.addf %select_n3A_69, %get3A_72 : vector<1000x128xf32>
    %swap3A = arith.constant 0 : index
    %swap3A_74 = arith.constant 0 : index
    %swap3A_75 = vector.load %arg5[%swap3A, %swap3A_74] : memref<1000x128xf32, #tpu.memory_space<vmem>>, vector<1000x128xf32>
    tpu.vector_store %arg5[%swap3A, %swap3A_74], %add3A_73 {strides = array<i32>} : memref<1000x128xf32, #tpu.memory_space<vmem>>, vector<1000x128xf32>,
    return
  }
  func.func @transform_0(%arg0: i32) -> (i32, i32, i32) {
    %c0_i32 = arith.constant 0 : i32
    %c0_i32_0 = arith.constant 0 : i32
    %c0_i32_1 = arith.constant 0 : i32
    return %c0_i32, %arg0, %c0_i32_0 : i32, i32, i32
  }
  func.func @transform_1(%arg0: i32) -> (i32, i32, i32) {
    %c0_i32 = arith.constant 0 : i32
    %c0_i32_0 = arith.constant 0 : i32
    %c0_i32_1 = arith.constant 0 : i32
    return %c0_i32, %arg0, %c0_i32_0 : i32, i32, i32
  }
  func.func @transform_2(%arg0: i32) -> (i32, i32, i32) {
    %c0_i32 = arith.constant 0 : i32
    %c0_i32_0 = arith.constant 0 : i32
    %c0_i32_1 = arith.constant 0 : i32
    return %c0_i32, %arg0, %c0_i32_0 : i32, i32, i32
  }
  func.func @transform_3(%arg0: i32) -> (i32, i32) {
    %c0_i32 = arith.constant 0 : i32
    %c0_i32_0 = arith.constant 0 : i32
    return %arg0, %c0_i32 : i32, i32
  }
  func.func @transform_4(%arg0: i32) -> (i32, i32) {
    %c0_i32 = arith.constant 0 : i32
    %c0_i32_0 = arith.constant 0 : i32
    return %arg0, %c0_i32 : i32, i32
  }
}

</mosaic_0001>

<sc_bundles>
// kernel: kernel.10.cloned.1.call-start
scs
__scs_entry_jumppad:
0x0: {  	(pc) =	sbr.rel $0x88, $3  }
0x1: {  	(tag) =	ssettag $0x0;
	lr =	simm.s32 $0x1  }
0x2: {  	[smem:$0x3F9B] =	sst lr;
	_ =	strace $0xD0000000  }
0x3: {  	_ = 	snop  }
0x4: {  	_ = 	snop  }
0x5: {  	_ = 	snop  }
0x6: {  	_ = 	snop  }
0x7: {  	_ = 	snop  }
__scs_overlays_trampoline_lowered:
0x8: {  	[smem:$0x3FAA] =	sst s0  }
0x9: {  	[smem:$0x3FAB] =	sst s1  }
0xa: {  	[smem:$0x3FAC] =	sst s2  }
0xb: {  	[smem:$0x3FAD] =	sst s3  }
0xc: {  	[smem:$0x3FAE] =	sst s4  }
0xd: {  	[smem:$0x3FAF] =	sst s5  }
0xe: {  	[smem:$0x3FB0] =	sst s6  }
0xf: {  	[smem:$0x3FB1] =	sst s7  }
0x10: {  	[smem:$0x3FB2] =	sst s8  }
0x11: {  	[smem:$0x3FB3] =	sst s9;
	s0 =	simm.s32 @!p0 $0x0  }
0x12: {  	s1 =	sld [smem:$0x3F99];
	s0 =	simm.s32 @p0 $0x1  }
0x13: {  	[smem:$0x3FB4] =	sst s0;
	s0 =	simm.s32 @!p1 $0x0  }
0x14: {  	s2 =	sld [smem:$0x3F98];
	s0 =	simm.s32 @p1 $0x1  }
0x15: {  	[smem:$0x3FB5] =	sst s0;
	s0 =	simm.s32 @!p2 $0x0  }
0x16: {  	s3 =	sld [smem:$0x3FDB];
	s0 =	simm.s32 @p2 $0x1  }
0x17: {  	s4 =	simm.s32 $0x1BF5;
	[smem:$0x3FB7] =	sst s0  }
0x18: {  	s0 =	sld [smem:$0x3F9A];
	_ =	swait.ge [sflag:s4], $0x0  }
0x19: {  	s7 =	sld [smem:$0x3F9B]  }
0x1a: {  	s8 =	sadd.s32 $0xFFFFE003, lr  }
0x1b: {  	s9 =	sadd.s32 $0xFFFFFEF7, lr;
	s5 =	simm.s32 $0xFFFFFFFF;
	p2 =	slt.u32 s8, $0xFFFFF086  }
0x1c: {  	p1 =	slt.u32 s9, $0xF7A;
	s5 =	simm.s32 @!p2 $0x0  }
0x1d: {  	s5 =	simm.s32 @p1 $0x1;
	p0 =	seq.s32 s7, s2  }
0x1e: {  	s7 =	smul.u32 @!p0 $0xF7A, s2;
	p2 =	seq.s32 @!p0 s5, $0x0  }
0x1f: {  	s9 =	smul.u32 $0xF7A, s1;
	s8 =	simm.s32 @!p0 $0x1BF5;
	p2 =	por !p2, p0  }
0x20: {  	[sflag:s8] =	ssyncset.s32 @!p0 $0xFFFFF086;
	s6 =	sadd.s32 @!p0 s3, s7;
	s7 =	simm.s32 @!p0 $0x108  }
0x21: {  	s3 =	sadd.s32 s3, s9;
	s6 =	sadd.s32 @!p0 $0x88, s6;
	s7 =	simm.s32 @p2 $0x1082  }
0x22: {  	[simem:s7], [sflag:s8] =	dma.local @!p0 [hbm:s6], $0xF7A  }
0x23: {  	s9 =	sor.u32 $0xD0000000, s2;
	s6 =	simm.s32 $0x108;
	_ =	swait.ge @!p0 [sflag:s8], $0x0  }
0x24: {  	s3 =	sadd.s32 $0x88, s3;
	s6 =	simm.s32 @!p1 $0x1082;
	[sflag:s4] =	ssyncset.s32 $0xFFFFF086  }
0x25: {  	[simem:s6], [sflag:s4] =	dma.local [hbm:s3], $0xF7A  }
0x26: {  	[smem:$0x3F9B] =	sst s1;
	(tag) =	ssettag s2;
	_ =	strace s9  }
0x27: {  	s1 =	sld [smem:$0x3FAB]  }
0x28: {  	s2 =	sld [smem:$0x3FAC]  }
0x29: {  	s4 =	sld [smem:$0x3FAE]  }
0x2a: {  	p0 =	seq.s32 s5, $0x0;
	s5 =	sld [smem:$0x3FAF]  }
0x2b: {  	s6 =	sld [smem:$0x3FB0]  }
0x2c: {  	s7 =	sld [smem:$0x3FB1]  }
0x2d: {  	s3 =	simm.s32 $0x108;
	s8 =	sld [smem:$0x3FB2]  }
0x2e: {  	s3 =	simm.s32 @!p0 $0x1082;
	s9 =	sld [smem:$0x3FB3]  }
0x2f: {  	lr =	sadd.s32 s0, s3;
	s0 =	sld [smem:$0x3FAA]  }
0x30: {  	s3 =	sld [smem:$0x3FAD]  }
0x31: {  	[smem:$0x3FB6] =	sst s10  }
0x32: {  	s10 =	sld [smem:$0x3FB4];
	_ =	sdelay $0x3  }
0x33: {  	p0 =	seq.s32 s10, $0x1;
	s10 =	sld [smem:$0x3FB6];
	_ =	sdelay $0x3  }
0x34: {  	[smem:$0x3FB6] =	sst s10  }
0x35: {  	s10 =	sld [smem:$0x3FB5];
	_ =	sdelay $0x3  }
0x36: {  	p1 =	seq.s32 s10, $0x1;
	s10 =	sld [smem:$0x3FB6];
	_ =	sdelay $0x3  }
0x37: {  	[smem:$0x3FB6] =	sst s10  }
0x38: {  	s10 =	sld [smem:$0x3FB7]  }
0x39: {  	_ = 	snop;
	(pc) =	sbr.ind lr, $3  }
0x3a: {  	_ = 	snop  }
0x3b: {  	_ = 	snop  }
0x3c: {  	p2 =	seq.s32 s10, $0x1;
	s10 =	sld [smem:$0x3FB6]  }
0x3d: {  	_ =	shalt  }
0x3e: {  	_ =	shalt  }
0x3f: {  	_ =	shalt  }
0x40: {  	_ =	shalt  }
0x41: {  	_ =	shalt  }
0x42: {  	_ =	shalt  }
0x43: {  	_ =	shalt  }
0x44: {  	_ =	shalt  }
0x45: {  	_ =	shalt  }
0x46: {  	_ =	shalt  }
0x47: {  	_ =	shalt  }
0x48: {  	_ =	shalt  }
0x49: {  	_ =	shalt  }
0x4a: {  	_ =	shalt  }
0x4b: {  	_ =	shalt  }
0x4c: {  	_ =	shalt  }
0x4d: {  	_ =	shalt  }
0x4e: {  	_ =	shalt  }
0x4f: {  	_ =	shalt  }
0x50: {  	_ =	shalt  }
0x51: {  	_ =	shalt  }
0x52: {  	_ =	shalt  }
0x53: {  	_ =	shalt  }
0x54: {  	_ =	shalt  }
0x55: {  	_ =	shalt  }
0x56: {  	_ =	shalt  }
0x57: {  	_ =	shalt  }
0x58: {  	_ =	shalt  }
0x59: {  	_ =	shalt  }
0x5a: {  	_ =	shalt  }
0x5b: {  	_ =	shalt  }
0x5c: {  	_ =	shalt  }
0x5d: {  	_ =	shalt  }
0x5e: {  	_ =	shalt  }
0x5f: {  	_ =	shalt  }
0x60: {  	_ =	shalt  }
0x61: {  	_ =	shalt  }
0x62: {  	_ =	shalt  }
0x63: {  	_ =	shalt  }
0x64: {  	_ =	shalt  }
0x65: {  	_ =	shalt  }
0x66: {  	_ =	shalt  }
0x67: {  	_ =	shalt  }
0x68: {  	_ =	shalt  }
0x69: {  	_ =	shalt  }
0x6a: {  	_ =	shalt  }
0x6b: {  	_ =	shalt  }
0x6c: {  	_ =	shalt  }
0x6d: {  	_ =	shalt  }
0x6e: {  	_ =	shalt  }
0x6f: {  	_ =	shalt  }
0x70: {  	_ =	shalt  }
0x71: {  	_ =	shalt  }
0x72: {  	_ =	shalt  }
0x73: {  	_ =	shalt  }
0x74: {  	_ =	shalt  }
0x75: {  	_ =	shalt  }
0x76: {  	_ =	shalt  }
0x77: {  	_ =	shalt  }
0x78: {  	_ =	shalt  }
0x79: {  	_ =	shalt  }
0x7a: {  	_ =	shalt  }
0x7b: {  	_ =	shalt  }
0x7c: {  	_ =	shalt  }
0x7d: {  	_ =	shalt  }
0x7e: {  	_ =	shalt  }
0x7f: {  	_ =	shalt  }
0x80: {  	_ =	shalt  }
0x81: {  	_ =	shalt  }
0x82: {  	_ =	shalt  }
0x83: {  	_ =	shalt  }
0x84: {  	_ =	shalt  }
0x85: {  	_ =	shalt  }
0x86: {  	_ =	shalt  }
0x87: {  	_ =	shalt  }
.Lfunc_end0:
.L_simem_size_0:
called_computation_lowered:
.L_overlay_start_0:
0x88: {  	s2 =	sld [smem:$0x3FD9]  }
0x89: {  	s3 =	sld [smem:$0x3FFE];
	_ =	sdelay $0x1  }
0x8a: {  	s1 =	srdreg.scid  }
0x8b: {  	s0 =	sand.u32 $0x1, s1  }
0x8c: {  	s16 =	sshll.u32 s0, $0xA;
	s2 =	sadd.s32 s3, s2  }
0x8d: {  	s2 =	sadd.s32 s2, s16  }
0x8e: {  	[smem:$0x3FC2] =	sst s2  }
0x8f: {  	_ = 	snop  }
0x90: {  	(tm) =	ssettm $0x1  }
0x91: {  	s17 =	sld [smem:$0x3FFB];
	_ =	sdelay $0x3  }
0x92: {  	_ =	strace s17  }
0x93: {  	s2 =	sld [smem:$0x3FFC];
	_ =	sdelay $0x3  }
0x94: {  	_ =	strace s2  }
0x95: {  	s2 =	sld [smem:$0x3FFD];
	_ =	sdelay $0x3  }
0x96: {  	_ =	strace s2  }
0x97: {  	_ =	strace $0x8FFFFFFF  }
0x98: {  	s18 =	sld [smem:$0x3FDB];
	_ =	sdelay $0x1  }
0x99: {  	s19 =	simm.s32 $_scs_section_size  }
0x9a: {  	s4 =	simm.s32 $_size__tile_overlayer_lowered;
	s5 =	simm.s32 $_tile_overlayer_lowered  }
0x9b: {  	s22 =	simm.s32 $0x1BFF;
	s21 =	sshll.u32 s5, $0x1;
	s2 =	sadd.s32 s19, s18  }
0x9c: {  	s6 =	simm.s32 $0x0;
	s20 =	sshll.u32 s4, $0x1;
	s4 =	sadd.s32 s21, s2  }
0x9d: {  	[timem:s6], [sflag:s22] =	dma.local [hbm:s4], s20  }
0x9e: {  	_ =	swait.ge [sflag:s22], s20  }
0x9f: {  	s3 =	ssub.s32 $0x0, s20;
	[sflag:s22] =	ssyncset.done $0x0  }
0xa0: {  	[sflag:s22] =	ssyncadd.s32 s3;
	_ =	sdelay $0x1  }
0xa1: {  	s23 =	simm.s32 $0x1B8B  }
0xa2: {  	_ =	swait.ge [sflag:s23], $0x1  }
0xa3: {  	[sflag:s23] =	ssyncset.done $0x0  }
0xa4: {  	s25 =	simm.s32 $0x1B8E;
	s24 =	sld [smem:$0x3FFE];
	[sflag:s23] =	ssyncadd.s32 $0xFFFFFFFF  }
0xa5: {  	s26 =	simm.s32 $execute0_lowered;
	[smem:$0x3FD2] =	sst s25  }
0xa6: {  	s4 =	sshll.u32 s26, $0x1;
	_ =	strace $0x80000046;
	[dreg:$0x1] =	wrdreg $0xFFFFFFFF  }
0xa7: {  	s28 =	simm.s32 $_size_execute0_lowered;
	s2 =	sadd.s32 s2, s4;
	[dreg:$0x0] =	wrdreg $0x0  }
0xa8: {  	s4 =	sshll.u32 s28, $0x1;
	[dreg:$0x2] =	wrdreg s2  }
0xa9: {  	[dreg:$0x3] =	wrdreg s4  }
0xaa: {  	[dreg:$0x4] =	wrdreg $0xC0  }
0xab: {  	_ =	task [dreg:s6], $0x5FFFF  }
0xac: {  	[dreg:$0x1] =	wrdreg $0xFFFFFFFF  }
0xad: {  	[dreg:$0x0] =	wrdreg $0x60  }
0xae: {  	[dreg:$0x2] =	wrdreg s24  }
0xaf: {  	[dreg:$0x3] =	wrdreg $0x159400  }
0xb0: {  	[dreg:$0x4] =	wrdreg $0x9  }
0xb1: {  	_ =	task.clear_ibuf [dreg:s6], $0x5FFFF;
	_ =	strace $0x90000046  }
0xb2: {  	s29 =	simm.s32 $0x9;
	_ =	strace $0x80000048  }
0xb3: {  	_ =	swait.ge [sflag:s29], $0x1  }
0xb4: {  	[sflag:s29] =	ssyncadd.s32 $0xFFFFFFFF  }
0xb5: {  	_ =	strace $0x90000048  }
0xb6: {  	_ =	sfence  }
0xb7: {  	s30 =	sld [smem:$0x0];
	_ =	sdelay $0x2  }
0xb8: {  	s31 =	sshll.u32 s1, $0xD;
	s1 =	sshrl.u32 s1, $0x2  }
0xb9: {  	s3 =	sand.u32 $0x4000, s31;
	s1 =	sadd.s32 s1, s30  }
0xba: {  	s0 =	sor.u32 s3, s0;
	s1 =	sshll.u32 s1, $0x11  }
0xbb: {  	s0 =	sor.u32 s1, s0  }
0xbc: {  	s0 =	sadd.s32 $0x8F2B, s0  }
0xbd: {  	[sflag:s0] =	ssyncadd.remote.s32 $0x1  }
0xbe: {  	_ =	sfence.sel $0xFFFF  }
0xbf: {  	[dreg:$0x0] =	wrdreg $0xFFFFFFFF;
	(pc) =	sbr.abs _section_cstart, $3  }
0xc0: {  	[dreg:$0x1] =	wrdreg $0xFFFFFFFF  }
0xc1: {  	_ =	task.clear_ibuf [dreg:s6], $0x2FFFF;
	_ =	strace $0x9FFFFFFF  }
0xc2: {  	(tm) =	ssettm $0x7FFFFFFF  }
0xc3: {  	_ =	shalt  }
tec
execute0_lowered:
.L_overlay_start_1:
0x0: {  	(tag) =	ssettag $0x1  }
0x1: {  	s0 =	rddreg [dreg:$0x0]  }
0x2: {  	s1 =	rddreg [dreg:$0x1];
	s2 =	simm.s32 $0x0  }
0x3: {  	s3 =	srdreg.scid;
	s13 =	stileid.u32;
	s15 =	simm.s32 $0x2  }
0x4: {  	s16 =	simm.s32 $0x9C40;
	s17 =	simm.s32 $0xA9C0;
	s18 =	simm.s32 $0xB740  }
0x5: {  	s19 =	simm.s32 $0xC4C0;
	s20 =	simm.s32 $0x10840;
	s21 =	simm.s32 $0x115C0  }
0x6: {  	s22 =	simm.s32 $0xD240;
	s23 =	simm.s32 $0xDFC0;
	s24 =	simm.s32 $0xED40  }
0x7: {  	s25 =	simm.s32 $0xFAC0;
	s28 =	simm.s32 $0x1;
	s29 =	simm.s32 $0x0  }
0x8: {  	[smem:$0x7FF] =	sst s2;
	s4 =	sadd.s32 $0x3400, s0;
	s3 =	sand.u32 $0x1, s3  }
0x9: {  	s5 =	sadd.s32 $0x2000, s0;
	s26 =	smul.u32 $0x9E0, s13;
	s6 =	sadd.s32 $0x35E00, s0  }
0xa: {  	s7 =	sadd.s32 $0x2BC00, s0;
	s31 =	sshll.u32 s13, $0x6;
	_ =	strace $0x80000047  }
0xb: {  	[dreg:$0x3] =	wrdreg s5;
	s8 =	sshll.u32 s3, $0x4;
	s3 =	ssub.s32 $0x2, s3  }
0xc: {  	s9 =	sor.u32 s13, s8;
	s30 =	sshrl.u32 s26, $0x3;
	s8 =	sadd.s32 $0x41400, s0  }
0xd: {  	s12 =	sshrl.u32 s3, $0x1;
	s5 =	sadd.s32 s26, s1;
	s10 =	smul.u32 $0x13C, s9  }
0xe: {  	s26 =	simm.s32 $0x80;
	s11 =	sadd.s32 s30, s0;
	s3 =	ssub.s32 s3, s12  }
0xf: {  	s14 =	sshrl.u32 s5, $0x3;
	s11 =	sadd.s32 $0x40000, s11;
	s0 =	sadd.s32 s10, s0  }
0x10: {  	s13 =	smax.u32 s3, $0x1;
	[dreg:$0x4] =	wrdreg s11;
	s0 =	sadd.s32 $0x69C00, s0  }
0x11: {  	s10 =	sor.u32 $0x1C02, s31;
	s11 =	smul.u32 $0x2880, s9;
	[dreg:$0x5] =	wrdreg s0  }
.LBB2_1:
0x12: {  	s0 =	rddreg [dreg:$0x4]  }
0x13: {  	[spmem:s14], [sflag:s10] =	dma.local [hbm:s0], $0x13C  }
0x14: {  	_ =	swait.ge [sflag:s15], $0x13C  }
0x15: {  	[sflag:s15] =	ssyncset.done $0x0  }
0x16: {  	s31 =	rddreg [dreg:$0x3];
	[sflag:s15] =	ssyncadd.s32 $0xFFFFFEC4  }
0x17: {  	[tilespmem:s2], [sflag:$0x2] =	stream.linear.gather [hbm4b:s31+s2], $0x9C40, $0x38;
	[tilespmem:$0x16320] =	vst v63  }
0x18: {  	_ =	swait.ge [sflag:s15], $0x9C40  }
0x19: {  	[sflag:s15] =	ssyncset.done $0x0  }
0x1a: {  	[sflag:s15] =	ssyncadd.s32 $0xFFFF63C0  }
0x1b: {  	s30 =	simm.s32 $0x0;
	[bflag:$0x0] =	sbarrier.arrive $0xFFFF  }
.LBB2_2:
0x1c: {  	s0 =	smul.u32 $0xD80, s30;
	_ =	sdelay $0x1  }
0x1d: {  	s0 =	sadd.s32 s11, s0  }
0x1e: {  	s31 =	sshrl.u32 s0, $0x3  }
0x1f: {  	s9 =	simm.s32 $0x0;
	s0 =	sadd.s32 s4, s31  }
0x20: {  	[tilespmem:s16], [sflag:$0x2] =	stream.linear.gather [hbm4b:s0+s9], $0xD80, $0x38;
	[tilespmem:$0x16320] =	vst v63  }
0x21: {  	_ =	swait.ge [sflag:s15], $0xD80  }
0x22: {  	s0 =	sadd.s32 $0xA200, s31;
	[sflag:s15] =	ssyncset.done $0x0  }
0x23: {  	s3 =	sadd.s32 s4, s0;
	[sflag:s15] =	ssyncadd.s32 $0xFFFFF280  }
0x24: {  	[tilespmem:s17], [sflag:$0x2] =	stream.linear.gather [hbm4b:s3+s9], $0xD80, $0x38;
	[tilespmem:$0x16320] =	vst v63  }
0x25: {  	_ =	swait.ge [sflag:s15], $0xD80  }
0x26: {  	s3 =	sadd.s32 $0x14400, s31;
	[sflag:s15] =	ssyncset.done $0x0  }
0x27: {  	s5 =	sadd.s32 s4, s3;
	[sflag:s15] =	ssyncadd.s32 $0xFFFFF280  }
0x28: {  	[tilespmem:s18], [sflag:$0x2] =	stream.linear.gather [hbm4b:s5+s9], $0xD80, $0x38;
	[tilespmem:$0x16320] =	vst v63  }
0x29: {  	_ =	swait.ge [sflag:s15], $0xD80  }
0x2a: {  	s5 =	sadd.s32 $0x1E600, s31;
	[sflag:s15] =	ssyncset.done $0x0  }
0x2b: {  	s12 =	sadd.s32 s4, s5;
	[sflag:s15] =	ssyncadd.s32 $0xFFFFF280  }
0x2c: {  	[tilespmem:s19], [sflag:$0x2] =	stream.linear.gather [hbm4b:s12+s9], $0xD80, $0x38;
	[tilespmem:$0x16320] =	vst v63  }
0x2d: {  	_ =	swait.ge [sflag:s15], $0xD80  }
0x2e: {  	[sflag:s15] =	ssyncset.done $0x0  }
0x2f: {  	s12 =	sadd.s32 s6, s31;
	[sflag:s15] =	ssyncadd.s32 $0xFFFFF280  }
0x30: {  	[tilespmem:s20], [sflag:$0x2] =	stream.linear.gather [hbm4b:s12+s9], $0xD80, $0x38;
	[tilespmem:$0x16320] =	vst v63  }
0x31: {  	_ =	swait.ge [sflag:s15], $0xD80  }
0x32: {  	[sflag:s15] =	ssyncset.done $0x0  }
0x33: {  	s12 =	sadd.s32 s7, s31;
	[sflag:s15] =	ssyncadd.s32 $0xFFFFF280  }
0x34: {  	[tilespmem:s21], [sflag:$0x2] =	stream.linear.gather [hbm4b:s12+s9], $0xD80, $0x38;
	[tilespmem:$0x16320] =	vst v63  }
0x35: {  	_ =	swait.ge [sflag:s15], $0xD80  }
0x36: {  	[sflag:s15] =	ssyncset.done $0x0  }
0x37: {  	[sflag:s15] =	ssyncadd.s32 $0xFFFFF280  }
.LBB2_3:
0x38: {  	s12 =	sshra.s32 s9, $0x2  }
0x39: {  	v0 =	vld [tilespmem:s12+$0x10840];
	_ =	sdelay $0x6  }
0x3a: {  	v1 =	vld [tilespmem:s12+$0x9C40]  }
0x3b: {  	v0 =	vld.idx.msk [tilespmem:v0+s2+$0x0], $0xffff;
	_ =	sdelay $0x4  }
0x3c: {  	v0 =	vadd.f32 v1, v0;
	_ =	sdelay $0x1  }
0x3d: {  	v1 =	vmul.f32 $2.000000030e-01, v0;
	_ =	sdelay $0x1  }
0x3e: {  	v0 =	vmax.f32 v0, v1  }
0x3f: {  	v0 =	vmul.f32 $1.442695020e+00, v0;
	_ =	sdelay $0x1  }
0x40: {  	(erf) = vpow2.f32 v0;
	_ =	sdelay $0x1  }
0x41: {  	v59 =	vld [tilespmem:s12+$0x10850]  }
0x42: {  	v60 =	vld [tilespmem:s12+$0x115C0];
	_ =	sdelay $0x4  }
0x43: {  	v1 =	vshll.u32 v60, $0x2  }
0x44: {  	[tilespmem:s12+$0x12340] =	vst v1;
	v2 =	vpop (erf)  }
0x45: {  	v61 =	vld [tilespmem:s12+$0x9C50];
	[tilespmem:s12+$0xD240] =	vst v2  }
0x46: {  	v0 =	vld.idx.msk [tilespmem:v59+s2+$0x0], $0xffff;
	_ =	sdelay $0x4  }
0x47: {  	v0 =	vadd.f32 v61, v0;
	_ =	sdelay $0x1  }
0x48: {  	v1 =	vmul.f32 $2.000000030e-01, v0;
	_ =	sdelay $0x1  }
0x49: {  	v0 =	vmax.f32 v0, v1  }
0x4a: {  	v0 =	vmul.f32 $1.442695020e+00, v0;
	_ =	sdelay $0x1  }
0x4b: {  	(erf) = vpow2.f32 v0;
	_ =	sdelay $0x1  }
0x4c: {  	v62 =	vld [tilespmem:s12+$0x10860]  }
0x4d: {  	v63 =	vld [tilespmem:s12+$0x115D0];
	_ =	sdelay $0x4  }
0x4e: {  	v1 =	vshll.u32 v63, $0x2  }
0x4f: {  	[tilespmem:s12+$0x12350] =	vst v1;
	v4 =	vpop (erf)  }
0x50: {  	v5 =	vld [tilespmem:s12+$0x9C60];
	[tilespmem:s12+$0xD250] =	vst v4  }
0x51: {  	v0 =	vld.idx.msk [tilespmem:v62+s2+$0x0], $0xffff;
	_ =	sdelay $0x4  }
0x52: {  	v0 =	vadd.f32 v5, v0;
	_ =	sdelay $0x1  }
0x53: {  	v1 =	vmul.f32 $2.000000030e-01, v0;
	_ =	sdelay $0x1  }
0x54: {  	v0 =	vmax.f32 v0, v1  }
0x55: {  	v0 =	vmul.f32 $1.442695020e+00, v0;
	_ =	sdelay $0x1  }
0x56: {  	(erf) = vpow2.f32 v0;
	_ =	sdelay $0x1  }
0x57: {  	v6 =	vld [tilespmem:s12+$0x10870]  }
0x58: {  	v7 =	vld [tilespmem:s12+$0x115E0];
	_ =	sdelay $0x4  }
0x59: {  	v1 =	vshll.u32 v7, $0x2  }
0x5a: {  	[tilespmem:s12+$0x12360] =	vst v1;
	v8 =	vpop (erf)  }
0x5b: {  	v9 =	vld [tilespmem:s12+$0x9C70];
	[tilespmem:s12+$0xD260] =	vst v8  }
0x5c: {  	v0 =	vld.idx.msk [tilespmem:v6+s2+$0x0], $0xffff;
	_ =	sdelay $0x4  }
0x5d: {  	v0 =	vadd.f32 v9, v0;
	_ =	sdelay $0x1  }
0x5e: {  	v1 =	vmul.f32 $2.000000030e-01, v0;
	_ =	sdelay $0x1  }
0x5f: {  	v0 =	vmax.f32 v0, v1  }
0x60: {  	v0 =	vmul.f32 $1.442695020e+00, v0;
	_ =	sdelay $0x1  }
0x61: {  	(erf) = vpow2.f32 v0;
	_ =	sdelay $0x1  }
0x62: {  	v10 =	vld [tilespmem:s12+$0x10880]  }
0x63: {  	v11 =	vld [tilespmem:s12+$0x115F0];
	_ =	sdelay $0x4  }
0x64: {  	v1 =	vshll.u32 v11, $0x2  }
0x65: {  	[tilespmem:s12+$0x12370] =	vst v1;
	v12 =	vpop (erf)  }
0x66: {  	v13 =	vld [tilespmem:s12+$0x9C80];
	[tilespmem:s12+$0xD270] =	vst v12  }
0x67: {  	v0 =	vld.idx.msk [tilespmem:v10+s2+$0x0], $0xffff;
	_ =	sdelay $0x4  }
0x68: {  	v0 =	vadd.f32 v13, v0;
	_ =	sdelay $0x1  }
0x69: {  	v1 =	vmul.f32 $2.000000030e-01, v0;
	_ =	sdelay $0x1  }
0x6a: {  	v0 =	vmax.f32 v0, v1  }
0x6b: {  	v0 =	vmul.f32 $1.442695020e+00, v0;
	_ =	sdelay $0x1  }
0x6c: {  	(erf) = vpow2.f32 v0;
	_ =	sdelay $0x1  }
0x6d: {  	v14 =	vld [tilespmem:s12+$0x10890]  }
0x6e: {  	v15 =	vld [tilespmem:s12+$0x11600];
	_ =	sdelay $0x4  }
0x6f: {  	v1 =	vshll.u32 v15, $0x2  }
0x70: {  	[tilespmem:s12+$0x12380] =	vst v1;
	v16 =	vpop (erf)  }
0x71: {  	v17 =	vld [tilespmem:s12+$0x9C90];
	[tilespmem:s12+$0xD280] =	vst v16  }
0x72: {  	v0 =	vld.idx.msk [tilespmem:v14+s2+$0x0], $0xffff;
	_ =	sdelay $0x4  }
0x73: {  	v0 =	vadd.f32 v17, v0;
	_ =	sdelay $0x1  }
0x74: {  	v1 =	vmul.f32 $2.000000030e-01, v0;
	_ =	sdelay $0x1  }
0x75: {  	v0 =	vmax.f32 v0, v1  }
0x76: {  	v0 =	vmul.f32 $1.442695020e+00, v0;
	_ =	sdelay $0x1  }
0x77: {  	(erf) = vpow2.f32 v0;
	_ =	sdelay $0x1  }
0x78: {  	v18 =	vld [tilespmem:s12+$0x108A0]  }
0x79: {  	v19 =	vld [tilespmem:s12+$0x11610];
	_ =	sdelay $0x4  }
0x7a: {  	v1 =	vshll.u32 v19, $0x2  }
0x7b: {  	[tilespmem:s12+$0x12390] =	vst v1;
	v20 =	vpop (erf)  }
0x7c: {  	v21 =	vld [tilespmem:s12+$0x9CA0];
	[tilespmem:s12+$0xD290] =	vst v20  }
0x7d: {  	v0 =	vld.idx.msk [tilespmem:v18+s2+$0x0], $0xffff;
	_ =	sdelay $0x4  }
0x7e: {  	v0 =	vadd.f32 v21, v0;
	_ =	sdelay $0x1  }
0x7f: {  	v1 =	vmul.f32 $2.000000030e-01, v0;
	_ =	sdelay $0x1  }
0x80: {  	v0 =	vmax.f32 v0, v1  }
0x81: {  	v0 =	vmul.f32 $1.442695020e+00, v0;
	_ =	sdelay $0x1  }
0x82: {  	(erf) = vpow2.f32 v0;
	_ =	sdelay $0x1  }
0x83: {  	v22 =	vld [tilespmem:s12+$0x108B0]  }
0x84: {  	v23 =	vld [tilespmem:s12+$0x11620];
	_ =	sdelay $0x4  }
0x85: {  	v1 =	vshll.u32 v23, $0x2  }
0x86: {  	[tilespmem:s12+$0x123A0] =	vst v1;
	v24 =	vpop (erf)  }
0x87: {  	v25 =	vld [tilespmem:s12+$0x9CB0];
	[tilespmem:s12+$0xD2A0] =	vst v24  }
0x88: {  	v0 =	vld.idx.msk [tilespmem:v22+s2+$0x0], $0xffff;
	_ =	sdelay $0x4  }
0x89: {  	v0 =	vadd.f32 v25, v0;
	_ =	sdelay $0x1  }
0x8a: {  	v1 =	vmul.f32 $2.000000030e-01, v0;
	_ =	sdelay $0x1  }
0x8b: {  	v0 =	vmax.f32 v0, v1  }
0x8c: {  	v0 =	vmul.f32 $1.442695020e+00, v0;
	_ =	sdelay $0x1  }
0x8d: {  	(erf) = vpow2.f32 v0  }
0x8e: {  	v26 =	vld [tilespmem:s12+$0x10840];
	_ =	sdelay $0x1  }
0x8f: {  	v27 =	vld [tilespmem:s12+$0x11630];
	_ =	sdelay $0x2  }
0x90: {  	v0 =	vadd.s32 $0x2710, v26;
	_ =	sdelay $0x1  }
0x91: {  	v1 =	vshll.u32 v27, $0x2  }
0x92: {  	[tilespmem:s12+$0x123B0] =	vst v1;
	v28 =	vpop (erf)  }
0x93: {  	v29 =	vld [tilespmem:s12+$0xA9C0];
	[tilespmem:s12+$0xD2B0] =	vst v28  }
0x94: {  	v0 =	vld.idx.msk [tilespmem:v0+s2+$0x0], $0xffff;
	_ =	sdelay $0x4  }
0x95: {  	v0 =	vadd.f32 v29, v0;
	_ =	sdelay $0x1  }
0x96: {  	v1 =	vmul.f32 $2.000000030e-01, v0;
	_ =	sdelay $0x1  }
0x97: {  	v0 =	vmax.f32 v0, v1  }
0x98: {  	v0 =	vmul.f32 $1.442695020e+00, v0;
	_ =	sdelay $0x1  }
0x99: {  	(erf) = vpow2.f32 v0  }
0x9a: {  	v30 =	vld [tilespmem:s12+$0x10850]  }
0x9b: {  	v31 =	vld [tilespmem:s12+$0x115C0];
	_ =	sdelay $0x3  }
0x9c: {  	v0 =	vadd.s32 $0x2710, v30  }
0x9d: {  	v1 =	vshll.u32 v31, $0x2  }
0x9e: {  	v1 =	vor.u32 $0x1, v1  }
0x9f: {  	[tilespmem:s12+$0x130C0] =	vst v1;
	v32 =	vpop (erf)  }
0xa0: {  	v33 =	vld [tilespmem:s12+$0xA9D0];
	[tilespmem:s12+$0xDFC0] =	vst v32  }
0xa1: {  	v0 =	vld.idx.msk [tilespmem:v0+s2+$0x0], $0xffff;
	_ =	sdelay $0x4  }
0xa2: {  	v0 =	vadd.f32 v33, v0;
	_ =	sdelay $0x1  }
0xa3: {  	v1 =	vmul.f32 $2.000000030e-01, v0;
	_ =	sdelay $0x1  }
0xa4: {  	v0 =	vmax.f32 v0, v1  }
0xa5: {  	v0 =	vmul.f32 $1.442695020e+00, v0;
	_ =	sdelay $0x1  }
0xa6: {  	(erf) = vpow2.f32 v0  }
0xa7: {  	v34 =	vld [tilespmem:s12+$0x10860]  }
0xa8: {  	v35 =	vld [tilespmem:s12+$0x115D0];
	_ =	sdelay $0x3  }
0xa9: {  	v0 =	vadd.s32 $0x2710, v34  }
0xaa: {  	v1 =	vshll.u32 v35, $0x2  }
0xab: {  	v1 =	vor.u32 $0x1, v1  }
0xac: {  	[tilespmem:s12+$0x130D0] =	vst v1;
	v36 =	vpop (erf)  }
0xad: {  	v37 =	vld [tilespmem:s12+$0xA9E0];
	[tilespmem:s12+$0xDFD0] =	vst v36  }
0xae: {  	v0 =	vld.idx.msk [tilespmem:v0+s2+$0x0], $0xffff;
	_ =	sdelay $0x4  }
0xaf: {  	v0 =	vadd.f32 v37, v0;
	_ =	sdelay $0x1  }
0xb0: {  	v1 =	vmul.f32 $2.000000030e-01, v0;
	_ =	sdelay $0x1  }
0xb1: {  	v0 =	vmax.f32 v0, v1  }
0xb2: {  	v0 =	vmul.f32 $1.442695020e+00, v0;
	_ =	sdelay $0x1  }
0xb3: {  	(erf) = vpow2.f32 v0  }
0xb4: {  	v38 =	vld [tilespmem:s12+$0x10870]  }
0xb5: {  	v39 =	vld [tilespmem:s12+$0x115E0];
	_ =	sdelay $0x3  }
0xb6: {  	v0 =	vadd.s32 $0x2710, v38  }
0xb7: {  	v1 =	vshll.u32 v39, $0x2  }
0xb8: {  	v1 =	vor.u32 $0x1, v1  }
0xb9: {  	[tilespmem:s12+$0x130E0] =	vst v1;
	v40 =	vpop (erf)  }
0xba: {  	v41 =	vld [tilespmem:s12+$0xA9F0];
	[tilespmem:s12+$0xDFE0] =	vst v40  }
0xbb: {  	v0 =	vld.idx.msk [tilespmem:v0+s2+$0x0], $0xffff;
	_ =	sdelay $0x4  }
0xbc: {  	v0 =	vadd.f32 v41, v0;
	_ =	sdelay $0x1  }
0xbd: {  	v1 =	vmul.f32 $2.000000030e-01, v0;
	_ =	sdelay $0x1  }
0xbe: {  	v0 =	vmax.f32 v0, v1  }
0xbf: {  	v0 =	vmul.f32 $1.442695020e+00, v0;
	_ =	sdelay $0x1  }
0xc0: {  	(erf) = vpow2.f32 v0  }
0xc1: {  	v42 =	vld [tilespmem:s12+$0x10880]  }
0xc2: {  	v43 =	vld [tilespmem:s12+$0x115F0];
	_ =	sdelay $0x3  }
0xc3: {  	v0 =	vadd.s32 $0x2710, v42  }
0xc4: {  	v1 =	vshll.u32 v43, $0x2  }
0xc5: {  	v1 =	vor.u32 $0x1, v1  }
0xc6: {  	[tilespmem:s12+$0x130F0] =	vst v1;
	v44 =	vpop (erf)  }
0xc7: {  	v45 =	vld [tilespmem:s12+$0xAA00];
	[tilespmem:s12+$0xDFF0] =	vst v44  }
0xc8: {  	v0 =	vld.idx.msk [tilespmem:v0+s2+$0x0], $0xffff;
	_ =	sdelay $0x4  }
0xc9: {  	v0 =	vadd.f32 v45, v0;
	_ =	sdelay $0x1  }
0xca: {  	v1 =	vmul.f32 $2.000000030e-01, v0;
	_ =	sdelay $0x1  }
0xcb: {  	v0 =	vmax.f32 v0, v1  }
0xcc: {  	v0 =	vmul.f32 $1.442695020e+00, v0;
	_ =	sdelay $0x1  }
0xcd: {  	(erf) = vpow2.f32 v0  }
0xce: {  	v46 =	vld [tilespmem:s12+$0x10890]  }
0xcf: {  	v47 =	vld [tilespmem:s12+$0x11600];
	_ =	sdelay $0x3  }
0xd0: {  	v0 =	vadd.s32 $0x2710, v46  }
0xd1: {  	v1 =	vshll.u32 v47, $0x2  }
0xd2: {  	v1 =	vor.u32 $0x1, v1  }
0xd3: {  	[tilespmem:s12+$0x13100] =	vst v1;
	v48 =	vpop (erf)  }
0xd4: {  	v49 =	vld [tilespmem:s12+$0xAA10];
	[tilespmem:s12+$0xE000] =	vst v48  }
0xd5: {  	v0 =	vld.idx.msk [tilespmem:v0+s2+$0x0], $0xffff;
	_ =	sdelay $0x4  }
0xd6: {  	v0 =	vadd.f32 v49, v0;
	_ =	sdelay $0x1  }
0xd7: {  	v1 =	vmul.f32 $2.000000030e-01, v0;
	_ =	sdelay $0x1  }
0xd8: {  	v0 =	vmax.f32 v0, v1  }
0xd9: {  	v0 =	vmul.f32 $1.442695020e+00, v0;
	_ =	sdelay $0x1  }
0xda: {  	(erf) = vpow2.f32 v0  }
0xdb: {  	v50 =	vld [tilespmem:s12+$0x108A0]  }
0xdc: {  	v51 =	vld [tilespmem:s12+$0x11610];
	_ =	sdelay $0x3  }
0xdd: {  	v0 =	vadd.s32 $0x2710, v50  }
0xde: {  	v1 =	vshll.u32 v51, $0x2  }
0xdf: {  	v1 =	vor.u32 $0x1, v1  }
0xe0: {  	[tilespmem:s12+$0x13110] =	vst v1;
	v52 =	vpop (erf)  }
0xe1: {  	v53 =	vld [tilespmem:s12+$0xAA20];
	[tilespmem:s12+$0xE010] =	vst v52  }
0xe2: {  	v0 =	vld.idx.msk [tilespmem:v0+s2+$0x0], $0xffff;
	_ =	sdelay $0x4  }
0xe3: {  	v0 =	vadd.f32 v53, v0;
	_ =	sdelay $0x1  }
0xe4: {  	v1 =	vmul.f32 $2.000000030e-01, v0;
	_ =	sdelay $0x1  }
0xe5: {  	v0 =	vmax.f32 v0, v1  }
0xe6: {  	v0 =	vmul.f32 $1.442695020e+00, v0;
	_ =	sdelay $0x1  }
0xe7: {  	(erf) = vpow2.f32 v0  }
0xe8: {  	v54 =	vld [tilespmem:s12+$0x108B0]  }
0xe9: {  	v55 =	vld [tilespmem:s12+$0x11620];
	_ =	sdelay $0x3  }
0xea: {  	v0 =	vadd.s32 $0x2710, v54  }
0xeb: {  	v1 =	vshll.u32 v55, $0x2  }
0xec: {  	v1 =	vor.u32 $0x1, v1  }
0xed: {  	[tilespmem:s12+$0x13120] =	vst v1;
	v56 =	vpop (erf)  }
0xee: {  	v57 =	vld [tilespmem:s12+$0xAA30];
	[tilespmem:s12+$0xE020] =	vst v56  }
0xef: {  	v0 =	vld.idx.msk [tilespmem:v0+s2+$0x0], $0xffff;
	_ =	sdelay $0x4  }
0xf0: {  	v0 =	vadd.f32 v57, v0;
	_ =	sdelay $0x1  }
0xf1: {  	v1 =	vmul.f32 $2.000000030e-01, v0;
	_ =	sdelay $0x1  }
0xf2: {  	v0 =	vmax.f32 v0, v1  }
0xf3: {  	v0 =	vmul.f32 $1.442695020e+00, v0;
	_ =	sdelay $0x1  }
0xf4: {  	(erf) = vpow2.f32 v0  }
0xf5: {  	v58 =	vld [tilespmem:s12+$0x10840]  }
0xf6: {  	v59 =	vld [tilespmem:s12+$0x11630];
	_ =	sdelay $0x3  }
0xf7: {  	v0 =	vadd.s32 $0x4E20, v58  }
0xf8: {  	v1 =	vshll.u32 v59, $0x2  }
0xf9: {  	v1 =	vor.u32 $0x1, v1  }
0xfa: {  	[tilespmem:s12+$0x13130] =	vst v1;
	v60 =	vpop (erf)  }
0xfb: {  	v61 =	vld [tilespmem:s12+$0xB740];
	[tilespmem:s12+$0xE030] =	vst v60  }
0xfc: {  	v0 =	vld.idx.msk [tilespmem:v0+s2+$0x0], $0xffff;
	_ =	sdelay $0x4  }
0xfd: {  	v0 =	vadd.f32 v61, v0;
	_ =	sdelay $0x1  }
0xfe: {  	v1 =	vmul.f32 $2.000000030e-01, v0;
	_ =	sdelay $0x1  }
0xff: {  	v0 =	vmax.f32 v0, v1  }
0x100: {  	v0 =	vmul.f32 $1.442695020e+00, v0;
	_ =	sdelay $0x1  }
0x101: {  	(erf) = vpow2.f32 v0  }
0x102: {  	v62 =	vld [tilespmem:s12+$0x10850]  }
0x103: {  	v63 =	vld [tilespmem:s12+$0x115C0];
	_ =	sdelay $0x3  }
0x104: {  	v0 =	vadd.s32 $0x4E20, v62  }
0x105: {  	v1 =	vshll.u32 v63, $0x2  }
0x106: {  	v1 =	vor.u32 $0x2, v1  }
0x107: {  	[tilespmem:s12+$0x13E40] =	vst v1;
	v4 =	vpop (erf)  }
0x108: {  	v5 =	vld [tilespmem:s12+$0xB750];
	[tilespmem:s12+$0xED40] =	vst v4  }
0x109: {  	v0 =	vld.idx.msk [tilespmem:v0+s2+$0x0], $0xffff;
	_ =	sdelay $0x4  }
0x10a: {  	v0 =	vadd.f32 v5, v0;
	_ =	sdelay $0x1  }
0x10b: {  	v1 =	vmul.f32 $2.000000030e-01, v0;
	_ =	sdelay $0x1  }
0x10c: {  	v0 =	vmax.f32 v0, v1  }
0x10d: {  	v0 =	vmul.f32 $1.442695020e+00, v0;
	_ =	sdelay $0x1  }
0x10e: {  	(erf) = vpow2.f32 v0  }
0x10f: {  	v6 =	vld [tilespmem:s12+$0x10860]  }
0x110: {  	v7 =	vld [tilespmem:s12+$0x115D0];
	_ =	sdelay $0x3  }
0x111: {  	v0 =	vadd.s32 $0x4E20, v6  }
0x112: {  	v1 =	vshll.u32 v7, $0x2  }
0x113: {  	v1 =	vor.u32 $0x2, v1  }
0x114: {  	[tilespmem:s12+$0x13E50] =	vst v1;
	v8 =	vpop (erf)  }
0x115: {  	v9 =	vld [tilespmem:s12+$0xB760];
	[tilespmem:s12+$0xED50] =	vst v8  }
0x116: {  	v0 =	vld.idx.msk [tilespmem:v0+s2+$0x0], $0xffff;
	_ =	sdelay $0x4  }
0x117: {  	v0 =	vadd.f32 v9, v0;
	_ =	sdelay $0x1  }
0x118: {  	v1 =	vmul.f32 $2.000000030e-01, v0;
	_ =	sdelay $0x1  }
0x119: {  	v0 =	vmax.f32 v0, v1  }
0x11a: {  	v0 =	vmul.f32 $1.442695020e+00, v0;
	_ =	sdelay $0x1  }
0x11b: {  	(erf) = vpow2.f32 v0  }
0x11c: {  	v10 =	vld [tilespmem:s12+$0x10870]  }
0x11d: {  	v11 =	vld [tilespmem:s12+$0x115E0];
	_ =	sdelay $0x3  }
0x11e: {  	v0 =	vadd.s32 $0x4E20, v10  }
0x11f: {  	v1 =	vshll.u32 v11, $0x2  }
0x120: {  	v1 =	vor.u32 $0x2, v1  }
0x121: {  	[tilespmem:s12+$0x13E60] =	vst v1;
	v12 =	vpop (erf)  }
0x122: {  	v13 =	vld [tilespmem:s12+$0xB770];
	[tilespmem:s12+$0xED60] =	vst v12  }
0x123: {  	v0 =	vld.idx.msk [tilespmem:v0+s2+$0x0], $0xffff;
	_ =	sdelay $0x4  }
0x124: {  	v0 =	vadd.f32 v13, v0;
	_ =	sdelay $0x1  }
0x125: {  	v1 =	vmul.f32 $2.000000030e-01, v0;
	_ =	sdelay $0x1  }
0x126: {  	v0 =	vmax.f32 v0, v1  }
0x127: {  	v0 =	vmul.f32 $1.442695020e+00, v0;
	_ =	sdelay $0x1  }
0x128: {  	(erf) = vpow2.f32 v0  }
0x129: {  	v14 =	vld [tilespmem:s12+$0x10880]  }
0x12a: {  	v15 =	vld [tilespmem:s12+$0x115F0];
	_ =	sdelay $0x3  }
0x12b: {  	v0 =	vadd.s32 $0x4E20, v14  }
0x12c: {  	v1 =	vshll.u32 v15, $0x2  }
0x12d: {  	v1 =	vor.u32 $0x2, v1  }
0x12e: {  	[tilespmem:s12+$0x13E70] =	vst v1;
	v16 =	vpop (erf)  }
0x12f: {  	v17 =	vld [tilespmem:s12+$0xB780];
	[tilespmem:s12+$0xED70] =	vst v16  }
0x130: {  	v0 =	vld.idx.msk [tilespmem:v0+s2+$0x0], $0xffff;
	_ =	sdelay $0x4  }
0x131: {  	v0 =	vadd.f32 v17, v0;
	_ =	sdelay $0x1  }
0x132: {  	v1 =	vmul.f32 $2.000000030e-01, v0;
	_ =	sdelay $0x1  }
0x133: {  	v0 =	vmax.f32 v0, v1  }
0x134: {  	v0 =	vmul.f32 $1.442695020e+00, v0;
	_ =	sdelay $0x1  }
0x135: {  	(erf) = vpow2.f32 v0  }
0x136: {  	v18 =	vld [tilespmem:s12+$0x10890]  }
0x137: {  	v19 =	vld [tilespmem:s12+$0x11600];
	_ =	sdelay $0x3  }
0x138: {  	v0 =	vadd.s32 $0x4E20, v18  }
0x139: {  	v1 =	vshll.u32 v19, $0x2  }
0x13a: {  	v1 =	vor.u32 $0x2, v1  }
0x13b: {  	[tilespmem:s12+$0x13E80] =	vst v1;
	v20 =	vpop (erf)  }
0x13c: {  	v21 =	vld [tilespmem:s12+$0xB790];
	[tilespmem:s12+$0xED80] =	vst v20  }
0x13d: {  	v0 =	vld.idx.msk [tilespmem:v0+s2+$0x0], $0xffff;
	_ =	sdelay $0x4  }
0x13e: {  	v0 =	vadd.f32 v21, v0;
	_ =	sdelay $0x1  }
0x13f: {  	v1 =	vmul.f32 $2.000000030e-01, v0;
	_ =	sdelay $0x1  }
0x140: {  	v0 =	vmax.f32 v0, v1  }
0x141: {  	v0 =	vmul.f32 $1.442695020e+00, v0;
	_ =	sdelay $0x1  }
0x142: {  	(erf) = vpow2.f32 v0  }
0x143: {  	v22 =	vld [tilespmem:s12+$0x108A0]  }
0x144: {  	v23 =	vld [tilespmem:s12+$0x11610];
	_ =	sdelay $0x3  }
0x145: {  	v0 =	vadd.s32 $0x4E20, v22  }
0x146: {  	v1 =	vshll.u32 v23, $0x2  }
0x147: {  	v1 =	vor.u32 $0x2, v1  }
0x148: {  	[tilespmem:s12+$0x13E90] =	vst v1;
	v24 =	vpop (erf)  }
0x149: {  	v25 =	vld [tilespmem:s12+$0xB7A0];
	[tilespmem:s12+$0xED90] =	vst v24  }
0x14a: {  	v0 =	vld.idx.msk [tilespmem:v0+s2+$0x0], $0xffff;
	_ =	sdelay $0x4  }
0x14b: {  	v0 =	vadd.f32 v25, v0;
	_ =	sdelay $0x1  }
0x14c: {  	v1 =	vmul.f32 $2.000000030e-01, v0;
	_ =	sdelay $0x1  }
0x14d: {  	v0 =	vmax.f32 v0, v1  }
0x14e: {  	v0 =	vmul.f32 $1.442695020e+00, v0;
	_ =	sdelay $0x1  }
0x14f: {  	(erf) = vpow2.f32 v0  }
0x150: {  	v26 =	vld [tilespmem:s12+$0x108B0]  }
0x151: {  	v27 =	vld [tilespmem:s12+$0x11620];
	_ =	sdelay $0x3  }
0x152: {  	v0 =	vadd.s32 $0x4E20, v26  }
0x153: {  	v1 =	vshll.u32 v27, $0x2  }
0x154: {  	v1 =	vor.u32 $0x2, v1  }
0x155: {  	[tilespmem:s12+$0x13EA0] =	vst v1;
	v28 =	vpop (erf)  }
0x156: {  	v29 =	vld [tilespmem:s12+$0xB7B0];
	[tilespmem:s12+$0xEDA0] =	vst v28  }
0x157: {  	v0 =	vld.idx.msk [tilespmem:v0+s2+$0x0], $0xffff;
	_ =	sdelay $0x4  }
0x158: {  	v0 =	vadd.f32 v29, v0;
	_ =	sdelay $0x1  }
0x159: {  	v1 =	vmul.f32 $2.000000030e-01, v0;
	_ =	sdelay $0x1  }
0x15a: {  	v0 =	vmax.f32 v0, v1  }
0x15b: {  	v0 =	vmul.f32 $1.442695020e+00, v0;
	_ =	sdelay $0x1  }
0x15c: {  	(erf) = vpow2.f32 v0  }
0x15d: {  	v30 =	vld [tilespmem:s12+$0x10840]  }
0x15e: {  	v31 =	vld [tilespmem:s12+$0x11630];
	_ =	sdelay $0x3  }
0x15f: {  	v0 =	vadd.s32 $0x7530, v30  }
0x160: {  	v1 =	vshll.u32 v31, $0x2  }
0x161: {  	v1 =	vor.u32 $0x2, v1  }
0x162: {  	[tilespmem:s12+$0x13EB0] =	vst v1;
	v32 =	vpop (erf)  }
0x163: {  	v33 =	vld [tilespmem:s12+$0xC4C0];
	[tilespmem:s12+$0xEDB0] =	vst v32  }
0x164: {  	v0 =	vld.idx.msk [tilespmem:v0+s2+$0x0], $0xffff;
	_ =	sdelay $0x4  }
0x165: {  	v0 =	vadd.f32 v33, v0;
	_ =	sdelay $0x1  }
0x166: {  	v1 =	vmul.f32 $2.000000030e-01, v0;
	_ =	sdelay $0x1  }
0x167: {  	v0 =	vmax.f32 v0, v1  }
0x168: {  	v0 =	vmul.f32 $1.442695020e+00, v0;
	_ =	sdelay $0x1  }
0x169: {  	(erf) = vpow2.f32 v0  }
0x16a: {  	v34 =	vld [tilespmem:s12+$0x10850]  }
0x16b: {  	v35 =	vld [tilespmem:s12+$0x115C0];
	_ =	sdelay $0x3  }
0x16c: {  	v0 =	vadd.s32 $0x7530, v34  }
0x16d: {  	v1 =	vshll.u32 v35, $0x2  }
0x16e: {  	v1 =	vor.u32 $0x3, v1  }
0x16f: {  	[tilespmem:s12+$0x14BC0] =	vst v1;
	v36 =	vpop (erf)  }
0x170: {  	v37 =	vld [tilespmem:s12+$0xC4D0];
	[tilespmem:s12+$0xFAC0] =	vst v36  }
0x171: {  	v0 =	vld.idx.msk [tilespmem:v0+s2+$0x0], $0xffff;
	_ =	sdelay $0x4  }
0x172: {  	v0 =	vadd.f32 v37, v0;
	_ =	sdelay $0x1  }
0x173: {  	v1 =	vmul.f32 $2.000000030e-01, v0;
	_ =	sdelay $0x1  }
0x174: {  	v0 =	vmax.f32 v0, v1  }
0x175: {  	v0 =	vmul.f32 $1.442695020e+00, v0;
	_ =	sdelay $0x1  }
0x176: {  	(erf) = vpow2.f32 v0  }
0x177: {  	v38 =	vld [tilespmem:s12+$0x10860]  }
0x178: {  	v39 =	vld [tilespmem:s12+$0x115D0];
	_ =	sdelay $0x3  }
0x179: {  	v0 =	vadd.s32 $0x7530, v38  }
0x17a: {  	v1 =	vshll.u32 v39, $0x2  }
0x17b: {  	v1 =	vor.u32 $0x3, v1  }
0x17c: {  	[tilespmem:s12+$0x14BD0] =	vst v1;
	v40 =	vpop (erf)  }
0x17d: {  	v41 =	vld [tilespmem:s12+$0xC4E0];
	[tilespmem:s12+$0xFAD0] =	vst v40  }
0x17e: {  	v0 =	vld.idx.msk [tilespmem:v0+s2+$0x0], $0xffff;
	_ =	sdelay $0x4  }
0x17f: {  	v0 =	vadd.f32 v41, v0;
	_ =	sdelay $0x1  }
0x180: {  	v1 =	vmul.f32 $2.000000030e-01, v0;
	_ =	sdelay $0x1  }
0x181: {  	v0 =	vmax.f32 v0, v1  }
0x182: {  	v0 =	vmul.f32 $1.442695020e+00, v0;
	_ =	sdelay $0x1  }
0x183: {  	(erf) = vpow2.f32 v0  }
0x184: {  	v42 =	vld [tilespmem:s12+$0x10870]  }
0x185: {  	v43 =	vld [tilespmem:s12+$0x115E0];
	_ =	sdelay $0x3  }
0x186: {  	v0 =	vadd.s32 $0x7530, v42  }
0x187: {  	v1 =	vshll.u32 v43, $0x2  }
0x188: {  	v1 =	vor.u32 $0x3, v1  }
0x189: {  	[tilespmem:s12+$0x14BE0] =	vst v1;
	v44 =	vpop (erf)  }
0x18a: {  	v45 =	vld [tilespmem:s12+$0xC4F0];
	[tilespmem:s12+$0xFAE0] =	vst v44  }
0x18b: {  	v0 =	vld.idx.msk [tilespmem:v0+s2+$0x0], $0xffff;
	_ =	sdelay $0x4  }
0x18c: {  	v0 =	vadd.f32 v45, v0;
	_ =	sdelay $0x1  }
0x18d: {  	v1 =	vmul.f32 $2.000000030e-01, v0;
	_ =	sdelay $0x1  }
0x18e: {  	v0 =	vmax.f32 v0, v1  }
0x18f: {  	v0 =	vmul.f32 $1.442695020e+00, v0;
	_ =	sdelay $0x1  }
0x190: {  	(erf) = vpow2.f32 v0  }
0x191: {  	v46 =	vld [tilespmem:s12+$0x10880]  }
0x192: {  	v47 =	vld [tilespmem:s12+$0x115F0];
	_ =	sdelay $0x3  }
0x193: {  	v0 =	vadd.s32 $0x7530, v46  }
0x194: {  	v1 =	vshll.u32 v47, $0x2  }
0x195: {  	v1 =	vor.u32 $0x3, v1  }
0x196: {  	[tilespmem:s12+$0x14BF0] =	vst v1;
	v48 =	vpop (erf)  }
0x197: {  	v49 =	vld [tilespmem:s12+$0xC500];
	[tilespmem:s12+$0xFAF0] =	vst v48  }
0x198: {  	v0 =	vld.idx.msk [tilespmem:v0+s2+$0x0], $0xffff;
	_ =	sdelay $0x4  }
0x199: {  	v0 =	vadd.f32 v49, v0;
	_ =	sdelay $0x1  }
0x19a: {  	v1 =	vmul.f32 $2.000000030e-01, v0;
	_ =	sdelay $0x1  }
0x19b: {  	v0 =	vmax.f32 v0, v1  }
0x19c: {  	v0 =	vmul.f32 $1.442695020e+00, v0;
	_ =	sdelay $0x1  }
0x19d: {  	(erf) = vpow2.f32 v0  }
0x19e: {  	v50 =	vld [tilespmem:s12+$0x10890]  }
0x19f: {  	v51 =	vld [tilespmem:s12+$0x11600];
	_ =	sdelay $0x3  }
0x1a0: {  	v0 =	vadd.s32 $0x7530, v50  }
0x1a1: {  	v1 =	vshll.u32 v51, $0x2  }
0x1a2: {  	v1 =	vor.u32 $0x3, v1  }
0x1a3: {  	[tilespmem:s12+$0x14C00] =	vst v1;
	v52 =	vpop (erf)  }
0x1a4: {  	v53 =	vld [tilespmem:s12+$0xC510];
	[tilespmem:s12+$0xFB00] =	vst v52  }
0x1a5: {  	v0 =	vld.idx.msk [tilespmem:v0+s2+$0x0], $0xffff;
	_ =	sdelay $0x4  }
0x1a6: {  	v0 =	vadd.f32 v53, v0;
	_ =	sdelay $0x1  }
0x1a7: {  	v1 =	vmul.f32 $2.000000030e-01, v0;
	_ =	sdelay $0x1  }
0x1a8: {  	v0 =	vmax.f32 v0, v1  }
0x1a9: {  	v0 =	vmul.f32 $1.442695020e+00, v0;
	_ =	sdelay $0x1  }
0x1aa: {  	(erf) = vpow2.f32 v0  }
0x1ab: {  	v54 =	vld [tilespmem:s12+$0x108A0]  }
0x1ac: {  	v55 =	vld [tilespmem:s12+$0x11610];
	_ =	sdelay $0x3  }
0x1ad: {  	v0 =	vadd.s32 $0x7530, v54  }
0x1ae: {  	v1 =	vshll.u32 v55, $0x2  }
0x1af: {  	v1 =	vor.u32 $0x3, v1  }
0x1b0: {  	[tilespmem:s12+$0x14C10] =	vst v1;
	v56 =	vpop (erf)  }
0x1b1: {  	v57 =	vld [tilespmem:s12+$0xC520];
	[tilespmem:s12+$0xFB10] =	vst v56  }
0x1b2: {  	v0 =	vld.idx.msk [tilespmem:v0+s2+$0x0], $0xffff;
	_ =	sdelay $0x4  }
0x1b3: {  	v0 =	vadd.f32 v57, v0;
	_ =	sdelay $0x1  }
0x1b4: {  	v1 =	vmul.f32 $2.000000030e-01, v0;
	_ =	sdelay $0x1  }
0x1b5: {  	v0 =	vmax.f32 v0, v1  }
0x1b6: {  	v0 =	vmul.f32 $1.442695020e+00, v0;
	_ =	sdelay $0x1  }
0x1b7: {  	(erf) = vpow2.f32 v0  }
0x1b8: {  	v58 =	vld [tilespmem:s12+$0x108B0]  }
0x1b9: {  	v59 =	vld [tilespmem:s12+$0x11620];
	_ =	sdelay $0x3  }
0x1ba: {  	v0 =	vadd.s32 $0x7530, v58  }
0x1bb: {  	v1 =	vshll.u32 v59, $0x2  }
0x1bc: {  	v1 =	vor.u32 $0x3, v1  }
0x1bd: {  	[tilespmem:s12+$0x14C20] =	vst v1;
	v60 =	vpop (erf)  }
0x1be: {  	v61 =	vld [tilespmem:s12+$0xC530];
	[tilespmem:s12+$0xFB20] =	vst v60  }
0x1bf: {  	v0 =	vld.idx.msk [tilespmem:v0+s2+$0x0], $0xffff;
	_ =	sdelay $0x4  }
0x1c0: {  	v0 =	vadd.f32 v61, v0;
	_ =	sdelay $0x1  }
0x1c1: {  	v1 =	vmul.f32 $2.000000030e-01, v0;
	_ =	sdelay $0x1  }
0x1c2: {  	v0 =	vmax.f32 v0, v1  }
0x1c3: {  	v0 =	vmul.f32 $1.442695020e+00, v0;
	_ =	sdelay $0x1  }
0x1c4: {  	(erf) = vpow2.f32 v0;
	_ =	sdelay $0x1  }
0x1c5: {  	v62 =	vld [tilespmem:s12+$0x11630];
	_ =	sdelay $0x2  }
0x1c6: {  	p0 =	sne.s32 s9, $0x3400  }
.Ltmp0:
0x1c7: {  	_ = 	snop;
	(pc) =	sbr.rel @p0 .LBB2_3-.Ltmp0, $4  }
0x1c8: {  	v0 =	vshll.u32 v62, $0x2  }
0x1c9: {  	v0 =	vor.u32 $0x3, v0  }
0x1ca: {  	[tilespmem:s12+$0x14C30] =	vst v0;
	v63 =	vpop (erf)  }
0x1cb: {  	s9 =	sadd.s32 $0x200, s9;
	[tilespmem:s12+$0xFB30] =	vst v63  }
0x1cc: {  	s9 =	sadd.s32 s8, s31;
	s12 =	simm.s32 $0x0  }
0x1cd: {  	[hbm4b:s9+s12] =	stream.linear.scatter [tilespmem:s22], [sflag:$0x2], $0xD80, $0x38;
	[tilespmem:$0x16320] =	vst v63  }
0x1ce: {  	_ =	swait.ge [sflag:s15], $0xD80  }
0x1cf: {  	[sflag:s15] =	ssyncset.done $0x0  }
0x1d0: {  	s0 =	sadd.s32 s8, s0;
	[sflag:s15] =	ssyncadd.s32 $0xFFFFF280  }
0x1d1: {  	[hbm4b:s0+s12] =	stream.linear.scatter [tilespmem:s23], [sflag:$0x2], $0xD80, $0x38;
	[tilespmem:$0x16320] =	vst v63  }
0x1d2: {  	_ =	swait.ge [sflag:s15], $0xD80  }
0x1d3: {  	[sflag:s15] =	ssyncset.done $0x0  }
0x1d4: {  	s3 =	sadd.s32 s8, s3;
	[sflag:s15] =	ssyncadd.s32 $0xFFFFF280  }
0x1d5: {  	[hbm4b:s3+s12] =	stream.linear.scatter [tilespmem:s24], [sflag:$0x2], $0xD80, $0x38;
	[tilespmem:$0x16320] =	vst v63  }
0x1d6: {  	_ =	swait.ge [sflag:s15], $0xD80  }
0x1d7: {  	[sflag:s15] =	ssyncset.done $0x0  }
0x1d8: {  	s9 =	sadd.s32 s8, s5;
	[sflag:s15] =	ssyncadd.s32 $0xFFFFF280  }
0x1d9: {  	[hbm4b:s9+s12] =	stream.linear.scatter [tilespmem:s25], [sflag:$0x2], $0xD80, $0x38;
	[tilespmem:$0x16320] =	vst v63  }
0x1da: {  	_ =	swait.ge [sflag:s15], $0xD80  }
0x1db: {  	s31 =	simm.s32 $0x12340;
	s5 =	simm.s32 $0xDFC0;
	[sflag:s15] =	ssyncset.done $0x0  }
0x1dc: {  	s0 =	simm.s32 $0x80;
	s12 =	simm.s32 $0xD240;
	[sflag:s15] =	ssyncadd.s32 $0xFFFFF280  }
0x1dd: {  	[spmem:s1] =	stream.indirect.scatter.add.f32 [tilespmem:s12], [sflag:$0x1], $0x1, s31, s26, $0xb8;
	[tilespmem:$0x16320] =	vst v63  }
0x1de: {  	s3 =	simm.s32 $0x400;
	s9 =	simm.s32 $0x130C0;
	s12 =	simm.s32 $0xED40  }
0x1df: {  	[spmem:s1] =	stream.indirect.scatter.add.f32 [tilespmem:s5], [sflag:$0x1], $0x1, s9, s26, $0xb8;
	[tilespmem:$0x16320] =	vst v63  }
0x1e0: {  	s31 =	simm.s32 $0x13E40;
	s5 =	simm.s32 $0xFAC0;
	s9 =	simm.s32 $0x14BC0  }
0x1e1: {  	[spmem:s1] =	stream.indirect.scatter.add.f32 [tilespmem:s12], [sflag:$0x1], $0x1, s31, s26, $0xb8;
	[tilespmem:$0x16320] =	vst v63  }
.LBB2_5:
0x1e2: {  	[spmem:s1] =	stream.indirect.scatter.add.f32 [tilespmem:s5], [sflag:$0x1], $0x1, s9, s26, $0xb8;
	[tilespmem:$0x16320] =	vst v63  }
0x1e3: {  	s9 =	smov.u32 s0;
	s0 =	smov.u32 s3;
	p0 =	sne.s32 s3, $0x3400  }
0x1e4: {  	s0 =	sshra.s32 s3, $0x2;
	s5 =	sadd.s32 $0xD240, s9;
	s12 =	sadd.s32 $0x12340, s9  }
0x1e5: {  	[spmem:s1] =	stream.indirect.scatter.add.f32 [tilespmem:s5], [sflag:$0x1], $0x1, s12, s26, $0xb8;
	[tilespmem:$0x16320] =	vst v63  }
.Ltmp1:
0x1e6: {  	s5 =	sadd.s32 $0xDFC0, s9;
	s12 =	sadd.s32 $0x130C0, s9;
	(pc) =	sbr.rel @p0 .LBB2_5-.Ltmp1, $4  }
0x1e7: {  	[spmem:s1] =	stream.indirect.scatter.add.f32 [tilespmem:s5], [sflag:$0x1], $0x1, s12, s26, $0xb8;
	[tilespmem:$0x16320] =	vst v63  }
0x1e8: {  	s31 =	sadd.s32 $0x13E40, s9;
	s12 =	sadd.s32 $0x200, s3;
	s5 =	sadd.s32 $0xED40, s9  }
0x1e9: {  	[spmem:s1] =	stream.indirect.scatter.add.f32 [tilespmem:s5], [sflag:$0x1], $0x1, s31, s26, $0xb8;
	[tilespmem:$0x16320] =	vst v63  }
0x1ea: {  	s3 =	smov.u32 s12;
	s5 =	sadd.s32 $0xFAC0, s9;
	s9 =	sadd.s32 $0x14BC0, s9  }
0x1eb: {  	[spmem:s1] =	stream.indirect.scatter.add.f32 [tilespmem:s5], [sflag:$0x1], $0x1, s9, s26, $0xb8;
	[tilespmem:$0x16320] =	vst v63  }
0x1ec: {  	s3 =	sadd.s32 $0xD240, s0;
	s9 =	sadd.s32 $0x12340, s0  }
0x1ed: {  	[spmem:s1] =	stream.indirect.scatter.add.f32 [tilespmem:s3], [sflag:$0x1], $0x1, s9, s26, $0xb8;
	[tilespmem:$0x16320] =	vst v63  }
0x1ee: {  	s12 =	sadd.s32 $0xDFC0, s0;
	s31 =	sadd.s32 $0x130C0, s0;
	s30 =	sadd.s32 $0x1, s30  }
0x1ef: {  	[spmem:s1] =	stream.indirect.scatter.add.f32 [tilespmem:s12], [sflag:$0x1], $0x1, s31, s26, $0xb8;
	[tilespmem:$0x16320] =	vst v63  }
0x1f0: {  	s5 =	sadd.s32 $0xED40, s0;
	p0 =	sne.s32 s30, $0x3;
	s9 =	sadd.s32 $0x13E40, s0  }
0x1f1: {  	[spmem:s1] =	stream.indirect.scatter.add.f32 [tilespmem:s5], [sflag:$0x1], $0x1, s9, s26, $0xb8;
	[tilespmem:$0x16320] =	vst v63  }
.Ltmp2:
0x1f2: {  	s12 =	sadd.s32 $0xFAC0, s0;
	s31 =	sadd.s32 $0x14BC0, s0;
	(pc) =	sbr.rel @p0 .LBB2_2-.Ltmp2, $4  }
0x1f3: {  	[spmem:s1] =	stream.indirect.scatter.add.f32 [tilespmem:s12], [sflag:$0x1], $0x1, s31, s26, $0xb8;
	[tilespmem:$0x16320] =	vst v63  }
0x1f4: {  	_ =	swait.ge [sflag:s28], $0x3600  }
0x1f5: {  	[sflag:s28] =	ssyncset.done $0x0  }
0x1f6: {  	[sflag:s28] =	ssyncadd.s32 $0xFFFFCA00  }
0x1f7: {  	s29 =	sadd.s32 $0x1, s29  }
0x1f8: {  	[bflag:$0x0] =	sbarrier.arrive $0xFFFF;
	p0 =	sne.s32 s29, s13  }
.Ltmp3:
0x1f9: {  	s0 =	rddreg [dreg:$0x5];
	(pc) =	sbr.rel @p0 .LBB2_1-.Ltmp3, $4  }
0x1fa: {  	[hbm:s0], [sflag:s10] =	dma.local [spmem:s14], $0x13C  }
0x1fb: {  	_ =	swait.ge [sflag:s15], $0x13C  }
0x1fc: {  	[sflag:s15] =	ssyncset.done $0x0  }
0x1fd: {  	[sflag:s15] =	ssyncadd.s32 $0xFFFFFEC4  }
0x1fe: {  	_ =	sfence.sel $0x180000  }
0x1ff: {  	[bflag:$0x0] =	sbarrier.arrive $0xFFFF  }
0x200: {  	_ =	strace $0x90000047  }
0x201: {  	s0 =	stileid.u32;
	[bflag:$0x2] =	sbarrier.arrive $0xFFFF  }
0x202: {  	p0 =	sne.s32 s0, $0x0;
	s0 =	rddreg [dreg:$0x2]  }
0x203: {  	s0 =	sadd.s32 @!p0 $0x100000, s0  }
0x204: {  	[sflag:s0] =	ssyncadd.tile.s32 @!p0 $0x1;
	_ =	shalt  }
.Lfunc_end2:
_tile_overlayer_lowered:
.L_overlay_start_2:
0x205: {  	(tag) =	ssettag $0x2  }
0x206: {  	s0 =	rddreg [dreg:$0x0];
	s2 =	stileid.u32  }
0x207: {  	s1 =	rddreg [dreg:$0x1];
	p0 =	sne.s32 s2, $0x0  }
0x208: {  	s3 =	rddreg [dreg:$0x2];
	[bflag:$0x3] =	sbarrier.arrive $0xFFFF;
	s2 =	simm.s32 @!p0 $0x1C02  }
0x209: {  	[timem:s3], [sflag:s2] =	dma.local @!p0 [hbm:s0], s1  }
0x20a: {  	s0 =	simm.s32 @!p0 $0x2  }
0x20b: {  	_ =	swait.ge @!p0 [sflag:s0], s1  }
0x20c: {  	s1 =	ssub.s32 @!p0 $0x0, s1;
	[sflag:s0] =	ssyncset.done @!p0 $0x0  }
0x20d: {  	[sflag:s0] =	ssyncadd.s32 @!p0 s1  }
0x20e: {  	[bflag:$0x3] =	sbarrier.arrive $0xFFFF  }
0x20f: {  	_ =	shalt  }

// kernel: kernel.13.cloned.1.call-start
scs
__scs_entry_jumppad:
0x0: {  	(pc) =	sbr.rel $0x88, $3  }
0x1: {  	(tag) =	ssettag $0x0;
	lr =	simm.s32 $0x1  }
0x2: {  	[smem:$0x3F9B] =	sst lr;
	_ =	strace $0xD0000000  }
0x3: {  	_ = 	snop  }
0x4: {  	_ = 	snop  }
0x5: {  	_ = 	snop  }
0x6: {  	_ = 	snop  }
0x7: {  	_ = 	snop  }
__scs_overlays_trampoline_lowered:
0x8: {  	[smem:$0x3FAA] =	sst s0  }
0x9: {  	[smem:$0x3FAB] =	sst s1  }
0xa: {  	[smem:$0x3FAC] =	sst s2  }
0xb: {  	[smem:$0x3FAD] =	sst s3  }
0xc: {  	[smem:$0x3FAE] =	sst s4  }
0xd: {  	[smem:$0x3FAF] =	sst s5  }
0xe: {  	[smem:$0x3FB0] =	sst s6  }
0xf: {  	[smem:$0x3FB1] =	sst s7  }
0x10: {  	[smem:$0x3FB2] =	sst s8  }
0x11: {  	[smem:$0x3FB3] =	sst s9;
	s0 =	simm.s32 @!p0 $0x0  }
0x12: {  	s1 =	sld [smem:$0x3F99];
	s0 =	simm.s32 @p0 $0x1  }
0x13: {  	[smem:$0x3FB4] =	sst s0;
	s0 =	simm.s32 @!p1 $0x0  }
0x14: {  	s2 =	sld [smem:$0x3F98];
	s0 =	simm.s32 @p1 $0x1  }
0x15: {  	[smem:$0x3FB5] =	sst s0;
	s0 =	simm.s32 @!p2 $0x0  }
0x16: {  	s3 =	sld [smem:$0x3FDB];
	s0 =	simm.s32 @p2 $0x1  }
0x17: {  	s4 =	simm.s32 $0x1BF5;
	[smem:$0x3FB7] =	sst s0  }
0x18: {  	s0 =	sld [smem:$0x3F9A];
	_ =	swait.ge [sflag:s4], $0x0  }
0x19: {  	s7 =	sld [smem:$0x3F9B]  }
0x1a: {  	s8 =	sadd.s32 $0xFFFFE003, lr  }
0x1b: {  	s9 =	sadd.s32 $0xFFFFFEF7, lr;
	s5 =	simm.s32 $0xFFFFFFFF;
	p2 =	slt.u32 s8, $0xFFFFF086  }
0x1c: {  	p1 =	slt.u32 s9, $0xF7A;
	s5 =	simm.s32 @!p2 $0x0  }
0x1d: {  	s5 =	simm.s32 @p1 $0x1;
	p0 =	seq.s32 s7, s2  }
0x1e: {  	s7 =	smul.u32 @!p0 $0xF7A, s2;
	p2 =	seq.s32 @!p0 s5, $0x0  }
0x1f: {  	s9 =	smul.u32 $0xF7A, s1;
	s8 =	simm.s32 @!p0 $0x1BF5;
	p2 =	por !p2, p0  }
0x20: {  	[sflag:s8] =	ssyncset.s32 @!p0 $0xFFFFF086;
	s6 =	sadd.s32 @!p0 s3, s7;
	s7 =	simm.s32 @!p0 $0x108  }
0x21: {  	s3 =	sadd.s32 s3, s9;
	s6 =	sadd.s32 @!p0 $0x88, s6;
	s7 =	simm.s32 @p2 $0x1082  }
0x22: {  	[simem:s7], [sflag:s8] =	dma.local @!p0 [hbm:s6], $0xF7A  }
0x23: {  	s9 =	sor.u32 $0xD0000000, s2;
	s6 =	simm.s32 $0x108;
	_ =	swait.ge @!p0 [sflag:s8], $0x0  }
0x24: {  	s3 =	sadd.s32 $0x88, s3;
	s6 =	simm.s32 @!p1 $0x1082;
	[sflag:s4] =	ssyncset.s32 $0xFFFFF086  }
0x25: {  	[simem:s6], [sflag:s4] =	dma.local [hbm:s3], $0xF7A  }
0x26: {  	[smem:$0x3F9B] =	sst s1;
	(tag) =	ssettag s2;
	_ =	strace s9  }
0x27: {  	s1 =	sld [smem:$0x3FAB]  }
0x28: {  	s2 =	sld [smem:$0x3FAC]  }
0x29: {  	s4 =	sld [smem:$0x3FAE]  }
0x2a: {  	p0 =	seq.s32 s5, $0x0;
	s5 =	sld [smem:$0x3FAF]  }
0x2b: {  	s6 =	sld [smem:$0x3FB0]  }
0x2c: {  	s7 =	sld [smem:$0x3FB1]  }
0x2d: {  	s3 =	simm.s32 $0x108;
	s8 =	sld [smem:$0x3FB2]  }
0x2e: {  	s3 =	simm.s32 @!p0 $0x1082;
	s9 =	sld [smem:$0x3FB3]  }
0x2f: {  	lr =	sadd.s32 s0, s3;
	s0 =	sld [smem:$0x3FAA]  }
0x30: {  	s3 =	sld [smem:$0x3FAD]  }
0x31: {  	[smem:$0x3FB6] =	sst s10  }
0x32: {  	s10 =	sld [smem:$0x3FB4];
	_ =	sdelay $0x3  }
0x33: {  	p0 =	seq.s32 s10, $0x1;
	s10 =	sld [smem:$0x3FB6];
	_ =	sdelay $0x3  }
0x34: {  	[smem:$0x3FB6] =	sst s10  }
0x35: {  	s10 =	sld [smem:$0x3FB5];
	_ =	sdelay $0x3  }
0x36: {  	p1 =	seq.s32 s10, $0x1;
	s10 =	sld [smem:$0x3FB6];
	_ =	sdelay $0x3  }
0x37: {  	[smem:$0x3FB6] =	sst s10  }
0x38: {  	s10 =	sld [smem:$0x3FB7]  }
0x39: {  	_ = 	snop;
	(pc) =	sbr.ind lr, $3  }
0x3a: {  	_ = 	snop  }
0x3b: {  	_ = 	snop  }
0x3c: {  	p2 =	seq.s32 s10, $0x1;
	s10 =	sld [smem:$0x3FB6]  }
0x3d: {  	_ =	shalt  }
0x3e: {  	_ =	shalt  }
0x3f: {  	_ =	shalt  }
0x40: {  	_ =	shalt  }
0x41: {  	_ =	shalt  }
0x42: {  	_ =	shalt  }
0x43: {  	_ =	shalt  }
0x44: {  	_ =	shalt  }
0x45: {  	_ =	shalt  }
0x46: {  	_ =	shalt  }
0x47: {  	_ =	shalt  }
0x48: {  	_ =	shalt  }
0x49: {  	_ =	shalt  }
0x4a: {  	_ =	shalt  }
0x4b: {  	_ =	shalt  }
0x4c: {  	_ =	shalt  }
0x4d: {  	_ =	shalt  }
0x4e: {  	_ =	shalt  }
0x4f: {  	_ =	shalt  }
0x50: {  	_ =	shalt  }
0x51: {  	_ =	shalt  }
0x52: {  	_ =	shalt  }
0x53: {  	_ =	shalt  }
0x54: {  	_ =	shalt  }
0x55: {  	_ =	shalt  }
0x56: {  	_ =	shalt  }
0x57: {  	_ =	shalt  }
0x58: {  	_ =	shalt  }
0x59: {  	_ =	shalt  }
0x5a: {  	_ =	shalt  }
0x5b: {  	_ =	shalt  }
0x5c: {  	_ =	shalt  }
0x5d: {  	_ =	shalt  }
0x5e: {  	_ =	shalt  }
0x5f: {  	_ =	shalt  }
0x60: {  	_ =	shalt  }
0x61: {  	_ =	shalt  }
0x62: {  	_ =	shalt  }
0x63: {  	_ =	shalt  }
0x64: {  	_ =	shalt  }
0x65: {  	_ =	shalt  }
0x66: {  	_ =	shalt  }
0x67: {  	_ =	shalt  }
0x68: {  	_ =	shalt  }
0x69: {  	_ =	shalt  }
0x6a: {  	_ =	shalt  }
0x6b: {  	_ =	shalt  }
0x6c: {  	_ =	shalt  }
0x6d: {  	_ =	shalt  }
0x6e: {  	_ =	shalt  }
0x6f: {  	_ =	shalt  }
0x70: {  	_ =	shalt  }
0x71: {  	_ =	shalt  }
0x72: {  	_ =	shalt  }
0x73: {  	_ =	shalt  }
0x74: {  	_ =	shalt  }
0x75: {  	_ =	shalt  }
0x76: {  	_ =	shalt  }
0x77: {  	_ =	shalt  }
0x78: {  	_ =	shalt  }
0x79: {  	_ =	shalt  }
0x7a: {  	_ =	shalt  }
0x7b: {  	_ =	shalt  }
0x7c: {  	_ =	shalt  }
0x7d: {  	_ =	shalt  }
0x7e: {  	_ =	shalt  }
0x7f: {  	_ =	shalt  }
0x80: {  	_ =	shalt  }
0x81: {  	_ =	shalt  }
0x82: {  	_ =	shalt  }
0x83: {  	_ =	shalt  }
0x84: {  	_ =	shalt  }
0x85: {  	_ =	shalt  }
0x86: {  	_ =	shalt  }
0x87: {  	_ =	shalt  }
.Lfunc_end0:
.L_simem_size_0:
called_computation.1_lowered:
.L_overlay_start_0:
0x88: {  	s2 =	sld [smem:$0x3FD9]  }
0x89: {  	s3 =	sld [smem:$0x3FFE];
	_ =	sdelay $0x1  }
0x8a: {  	s1 =	srdreg.scid  }
0x8b: {  	s0 =	sand.u32 $0x1, s1  }
0x8c: {  	s16 =	sshll.u32 s0, $0xA;
	s2 =	sadd.s32 s3, s2  }
0x8d: {  	s2 =	sadd.s32 s2, s16  }
0x8e: {  	[smem:$0x3FC2] =	sst s2  }
0x8f: {  	_ = 	snop  }
0x90: {  	(tm) =	ssettm $0x1  }
0x91: {  	s17 =	sld [smem:$0x3FFB];
	_ =	sdelay $0x3  }
0x92: {  	_ =	strace s17  }
0x93: {  	s2 =	sld [smem:$0x3FFC];
	_ =	sdelay $0x3  }
0x94: {  	_ =	strace s2  }
0x95: {  	s2 =	sld [smem:$0x3FFD];
	_ =	sdelay $0x3  }
0x96: {  	_ =	strace s2  }
0x97: {  	_ =	strace $0x8FFFFFFF  }
0x98: {  	s18 =	sld [smem:$0x3FDB];
	_ =	sdelay $0x1  }
0x99: {  	s19 =	simm.s32 $_scs_section_size  }
0x9a: {  	s4 =	simm.s32 $_size__tile_overlayer_lowered;
	s5 =	simm.s32 $_tile_overlayer_lowered  }
0x9b: {  	s22 =	simm.s32 $0x1BFF;
	s21 =	sshll.u32 s5, $0x1;
	s2 =	sadd.s32 s19, s18  }
0x9c: {  	s6 =	simm.s32 $0x0;
	s20 =	sshll.u32 s4, $0x1;
	s4 =	sadd.s32 s21, s2  }
0x9d: {  	[timem:s6], [sflag:s22] =	dma.local [hbm:s4], s20  }
0x9e: {  	_ =	swait.ge [sflag:s22], s20  }
0x9f: {  	s3 =	ssub.s32 $0x0, s20;
	[sflag:s22] =	ssyncset.done $0x0  }
0xa0: {  	[sflag:s22] =	ssyncadd.s32 s3;
	_ =	sdelay $0x1  }
0xa1: {  	s23 =	simm.s32 $0x1B8B  }
0xa2: {  	_ =	swait.ge [sflag:s23], $0x1  }
0xa3: {  	[sflag:s23] =	ssyncset.done $0x0  }
0xa4: {  	s25 =	simm.s32 $0x1B8E;
	s24 =	sld [smem:$0x3FFE];
	[sflag:s23] =	ssyncadd.s32 $0xFFFFFFFF  }
0xa5: {  	s26 =	simm.s32 $execute0_lowered;
	[smem:$0x3FD2] =	sst s25  }
0xa6: {  	s4 =	sshll.u32 s26, $0x1;
	_ =	strace $0x80000049;
	[dreg:$0x1] =	wrdreg $0xFFFFFFFF  }
0xa7: {  	s28 =	simm.s32 $_size_execute0_lowered;
	s2 =	sadd.s32 s2, s4;
	[dreg:$0x0] =	wrdreg $0x0  }
0xa8: {  	s4 =	sshll.u32 s28, $0x1;
	[dreg:$0x2] =	wrdreg s2  }
0xa9: {  	[dreg:$0x3] =	wrdreg s4  }
0xaa: {  	[dreg:$0x4] =	wrdreg $0xC0  }
0xab: {  	_ =	task [dreg:s6], $0x5FFFF  }
0xac: {  	[dreg:$0x1] =	wrdreg $0xFFFFFFFF  }
0xad: {  	[dreg:$0x0] =	wrdreg $0x60  }
0xae: {  	[dreg:$0x2] =	wrdreg s24  }
0xaf: {  	[dreg:$0x3] =	wrdreg $0x9B000  }
0xb0: {  	[dreg:$0x4] =	wrdreg $0x9  }
0xb1: {  	_ =	task.clear_ibuf [dreg:s6], $0x5FFFF;
	_ =	strace $0x90000049  }
0xb2: {  	s29 =	simm.s32 $0x9;
	_ =	strace $0x8000004B  }
0xb3: {  	_ =	swait.ge [sflag:s29], $0x1  }
0xb4: {  	[sflag:s29] =	ssyncadd.s32 $0xFFFFFFFF  }
0xb5: {  	_ =	strace $0x9000004B  }
0xb6: {  	_ =	sfence  }
0xb7: {  	s30 =	sld [smem:$0x0];
	_ =	sdelay $0x2  }
0xb8: {  	s31 =	sshll.u32 s1, $0xD;
	s1 =	sshrl.u32 s1, $0x2  }
0xb9: {  	s3 =	sand.u32 $0x4000, s31;
	s1 =	sadd.s32 s1, s30  }
0xba: {  	s0 =	sor.u32 s3, s0;
	s1 =	sshll.u32 s1, $0x11  }
0xbb: {  	s0 =	sor.u32 s1, s0  }
0xbc: {  	s0 =	sadd.s32 $0x8F2B, s0  }
0xbd: {  	[sflag:s0] =	ssyncadd.remote.s32 $0x1  }
0xbe: {  	_ =	sfence.sel $0xFFFF  }
0xbf: {  	[dreg:$0x0] =	wrdreg $0xFFFFFFFF;
	(pc) =	sbr.abs _section_cstart, $3  }
0xc0: {  	[dreg:$0x1] =	wrdreg $0xFFFFFFFF  }
0xc1: {  	_ =	task.clear_ibuf [dreg:s6], $0x2FFFF;
	_ =	strace $0x9FFFFFFF  }
0xc2: {  	(tm) =	ssettm $0x7FFFFFFF  }
0xc3: {  	_ =	shalt  }
tec
execute0_lowered:
.L_overlay_start_1:
0x0: {  	(tag) =	ssettag $0x1  }
0x1: {  	s0 =	srdreg.scid;
	s5 =	rddreg [dreg:$0x0]  }
0x2: {  	s2 =	rddreg [dreg:$0x1];
	s3 =	simm.s32 $0x0;
	s16 =	simm.s32 $0x8000  }
0x3: {  	s17 =	simm.s32 $0x4000;
	s18 =	simm.s32 $0x1;
	s19 =	simm.s32 $0x80  }
0x4: {  	s20 =	simm.s32 $0x2;
	s21 =	simm.s32 $0x8080;
	s22 =	simm.s32 $0x3  }
0x5: {  	s23 =	simm.s32 $0x4;
	s4 =	sand.u32 $0x1, s0;
	s0 =	stileid.u32  }
0x6: {  	s24 =	simm.s32 $0x0;
	[smem:$0x7FF] =	sst s3;
	s7 =	smul.u32 $0x13C00, s0  }
0x7: {  	s13 =	sadd.s32 $0x6C400, s5;
	s1 =	sshll.u32 s4, $0x4;
	s9 =	smul.u32 $0x13C000, s4  }
0x8: {  	s11 =	ssub.s32 $0x2, s4;
	s26 =	sshll.u32 s0, $0x6;
	s15 =	smul.u32 $0xD80000, s4  }
0x9: {  	s28 =	smul.u32 $0xD8000, s0;
	s8 =	sor.u32 s0, s1;
	s1 =	rddreg [dreg:$0x2]  }
0xa: {  	_ =	strace $0x8000004A;
	s12 =	sshrl.u32 s11, $0x1;
	s6 =	smul.u32 $0x360, s8  }
0xb: {  	s10 =	sshrl.u32 s7, $0x3;
	s9 =	sadd.s32 s7, s9;
	s25 =	smul.u32 $0x1B000, s8  }
0xc: {  	s11 =	ssub.s32 s11, s12;
	s14 =	sadd.s32 s7, s2;
	s29 =	smul.u32 $0xD8000, s8  }
0xd: {  	s15 =	sadd.s32 s28, s15;
	s10 =	sadd.s32 s10, s5;
	s9 =	sshrl.u32 s9, $0x3  }
0xe: {  	s31 =	sadd.s32 $0x10000, s15;
	s15 =	sadd.s32 $0xC000, s15;
	s14 =	sshrl.u32 s14, $0x3  }
0xf: {  	s6 =	sadd.s32 s6, s5;
	s9 =	sadd.s32 s9, s5;
	s4 =	sadd.s32 $0x2000, s10  }
.Ltmp0:
0x10: {  	s5 =	sor.u32 $0x1C05, s26;
	s7 =	sadd.s32 s13, s25;
	(pc) =	sbr.rel .LBB2_1-.Ltmp0, $4  }
0x11: {  	s10 =	smax.u32 s11, $0x1;
	s30 =	sshrl.u32 s29, $0x3;
	s12 =	sshrl.u32 s31, $0x3  }
0x12: {  	s15 =	sshrl.u32 s15, $0x3;
	s6 =	sadd.s32 $0x2BC00, s6;
	s8 =	sadd.s32 $0x800, s7  }
0x13: {  	s9 =	sadd.s32 $0x3CC400, s9;
	s11 =	sadd.s32 s13, s30;
	s12 =	sadd.s32 s12, s13  }
0x14: {  	s13 =	sadd.s32 s15, s13;
	s15 =	simm.s32 $0x5;
	s11 =	sadd.s32 $0x1000, s11  }
.LBB2_4:
0x15: {  	_ =	swait.ge [sflag:s23], $0x4000  }
0x16: {  	s24 =	sadd.s32 $0x1, s24;
	[sflag:s23] =	ssyncset.done $0x0  }
0x17: {  	p0 =	sne.s32 s24, s10;
	[sflag:s23] =	ssyncadd.s32 $0xFFFFC000  }
.Ltmp1:
0x18: {  	[bflag:$0x0] =	sbarrier.arrive $0xFFFF;
	(pc) =	sbr.rel @!p0 .LBB2_5-.Ltmp1, $4  }
0x19: {  	[hbm:s9], [sflag:s5] =	dma.local [spmem:s14], $0x2780  }
0x1a: {  	_ =	swait.ge [sflag:s15], $0x2780  }
0x1b: {  	[sflag:s15] =	ssyncset.done $0x0  }
0x1c: {  	[sflag:s15] =	ssyncadd.s32 $0xFFFFD880  }
.LBB2_1:
0x1d: {  	[spmem:s14], [sflag:s5] =	dma.local [hbm:s4], $0x2780  }
0x1e: {  	_ =	swait.ge [sflag:s15], $0x2780  }
0x1f: {  	[sflag:s15] =	ssyncset.done $0x0  }
0x20: {  	[sflag:s15] =	ssyncadd.s32 $0xFFFFD880  }
0x21: {  	[tilespmem:s16], [sflag:$0x5] =	stream.linear.gather [hbm4b:s6+s3], $0x1B00, $0x38;
	[tilespmem:$0x1D700] =	vst v63  }
0x22: {  	_ =	swait.ge [sflag:s15], $0x1B00  }
0x23: {  	[sflag:s15] =	ssyncset.done $0x0  }
0x24: {  	[sflag:s15] =	ssyncadd.s32 $0xFFFFE500  }
0x25: {  	[bflag:$0x0] =	sbarrier.arrive $0xFFFF  }
0x26: {  	[tilespmem:s3], [sflag:$0x1] =	stream.linear.gather [hbm4b:s7+s3], $0x4000, $0x38;
	[tilespmem:$0x1D700] =	vst v63  }
0x27: {  	_ = 	snop  }
0x28: {  	[tilespmem:s17], [sflag:$0x2] =	stream.linear.gather [hbm4b:s8+s3], $0x4000, $0x38;
	[tilespmem:$0x1D700] =	vst v63  }
0x29: {  	_ =	swait.ge [sflag:s18], $0x4000  }
0x2a: {  	[sflag:s18] =	ssyncset.done $0x0  }
0x2b: {  	[sflag:s18] =	ssyncadd.s32 $0xFFFFC000  }
0x2c: {  	[spmem:s2] =	stream.indirect.scatter.add.f32 [tilespmem:s3], [sflag:$0x3], $0x80, s16, s19, $0xb8;
	[tilespmem:$0x1D700] =	vst v63  }
0x2d: {  	_ =	swait.ge [sflag:s20], $0x4000  }
0x2e: {  	[sflag:s20] =	ssyncset.done $0x0  }
0x2f: {  	[sflag:s20] =	ssyncadd.s32 $0xFFFFC000  }
0x30: {  	[spmem:s2] =	stream.indirect.scatter.add.f32 [tilespmem:s17], [sflag:$0x4], $0x80, s21, s19, $0xb8;
	[tilespmem:$0x1D700] =	vst v63  }
0x31: {  	_ =	swait.ge [sflag:s22], $0x4000  }
0x32: {  	[sflag:s22] =	ssyncset.done $0x0  }
0x33: {  	s25 =	simm.s32 $0x8180;
	s26 =	simm.s32 $0x0;
	[sflag:s22] =	ssyncadd.s32 $0xFFFFC000  }
0x34: {  	[tilespmem:s3], [sflag:$0x1] =	stream.linear.gather [hbm4b:s11+s3], $0x4000, $0x38;
	[tilespmem:$0x1D700] =	vst v63  }
.LBB2_2:
0x35: {  	_ =	swait.ge [sflag:s18], $0x4000  }
0x36: {  	[sflag:s18] =	ssyncset.done $0x0  }
0x37: {  	s28 =	sadd.s32 $0xFFFFFF80, s25;
	[sflag:s18] =	ssyncadd.s32 $0xFFFFC000  }
0x38: {  	[spmem:s2] =	stream.indirect.scatter.add.f32 [tilespmem:s3], [sflag:$0x3], $0x80, s28, s19, $0xb8;
	[tilespmem:$0x1D700] =	vst v63  }
0x39: {  	_ =	swait.ge [sflag:s23], $0x4000  }
0x3a: {  	[sflag:s23] =	ssyncset.done $0x0  }
0x3b: {  	s31 =	sadd.s32 s26, s13;
	[sflag:s23] =	ssyncadd.s32 $0xFFFFC000  }
0x3c: {  	[tilespmem:s17], [sflag:$0x2] =	stream.linear.gather [hbm4b:s31+s3], $0x4000, $0x38;
	[tilespmem:$0x1D700] =	vst v63  }
0x3d: {  	_ =	swait.ge [sflag:s20], $0x4000  }
0x3e: {  	p0 =	seq.s32 s26, $0x19000;
	[sflag:s20] =	ssyncset.done $0x0  }
.Ltmp2:
0x3f: {  	[sflag:s20] =	ssyncadd.s32 $0xFFFFC000;
	(pc) =	sbr.rel @p0 .LBB2_4-.Ltmp2, $4  }
0x40: {  	[spmem:s2] =	stream.indirect.scatter.add.f32 [tilespmem:s17], [sflag:$0x4], $0x80, s25, s19, $0xb8;
	[tilespmem:$0x1D700] =	vst v63  }
0x41: {  	_ =	swait.ge [sflag:s22], $0x4000  }
0x42: {  	[sflag:s22] =	ssyncset.done $0x0  }
0x43: {  	[sflag:s22] =	ssyncadd.s32 $0xFFFFC000  }
.Ltmp3:
0x44: {  	(pc) =	sbr.rel .LBB2_2-.Ltmp3, $3  }
0x45: {  	_ =	sdelay $0x1  }
0x46: {  	s28 =	sadd.s32 s26, s12;
	s25 =	sadd.s32 $0x100, s25;
	s26 =	sadd.s32 $0x1000, s26  }
0x47: {  	[tilespmem:s3], [sflag:$0x1] =	stream.linear.gather [hbm4b:s28+s3], $0x4000, $0x38;
	[tilespmem:$0x1D700] =	vst v63  }
.LBB2_5:
0x48: {  	_ =	sfence.sel $0x180000  }
0x49: {  	[bflag:$0x0] =	sbarrier.arrive $0xFFFF  }
0x4a: {  	p0 =	sne.s32 s0, $0x0;
	_ =	strace $0x9000004A  }
0x4b: {  	s0 =	sadd.s32 @!p0 $0x100000, s1;
	[bflag:$0x2] =	sbarrier.arrive $0xFFFF  }
0x4c: {  	[sflag:s0] =	ssyncadd.tile.s32 @!p0 $0x1;
	_ =	shalt  }
.Lfunc_end2:
_tile_overlayer_lowered:
.L_overlay_start_2:
0x4d: {  	(tag) =	ssettag $0x2  }
0x4e: {  	s0 =	rddreg [dreg:$0x0];
	s2 =	stileid.u32  }
0x4f: {  	s1 =	rddreg [dreg:$0x1];
	p0 =	sne.s32 s2, $0x0  }
0x50: {  	s3 =	rddreg [dreg:$0x2];
	[bflag:$0x3] =	sbarrier.arrive $0xFFFF;
	s2 =	simm.s32 @!p0 $0x1C05  }
0x51: {  	[timem:s3], [sflag:s2] =	dma.local @!p0 [hbm:s0], s1  }
0x52: {  	s0 =	simm.s32 @!p0 $0x5  }
0x53: {  	_ =	swait.ge @!p0 [sflag:s0], s1  }
0x54: {  	s1 =	ssub.s32 @!p0 $0x0, s1;
	[sflag:s0] =	ssyncset.done @!p0 $0x0  }
0x55: {  	[sflag:s0] =	ssyncadd.s32 @!p0 s1  }
0x56: {  	[bflag:$0x3] =	sbarrier.arrive $0xFFFF  }
0x57: {  	_ =	shalt  }

// kernel: kernel.16.cloned.1.call-start
scs
__scs_entry_jumppad:
0x0: {  	(pc) =	sbr.rel $0x88, $3  }
0x1: {  	(tag) =	ssettag $0x0;
	lr =	simm.s32 $0x1  }
0x2: {  	[smem:$0x3F9B] =	sst lr;
	_ =	strace $0xD0000000  }
0x3: {  	_ = 	snop  }
0x4: {  	_ = 	snop  }
0x5: {  	_ = 	snop  }
0x6: {  	_ = 	snop  }
0x7: {  	_ = 	snop  }
__scs_overlays_trampoline_lowered:
0x8: {  	[smem:$0x3FAA] =	sst s0  }
0x9: {  	[smem:$0x3FAB] =	sst s1  }
0xa: {  	[smem:$0x3FAC] =	sst s2  }
0xb: {  	[smem:$0x3FAD] =	sst s3  }
0xc: {  	[smem:$0x3FAE] =	sst s4  }
0xd: {  	[smem:$0x3FAF] =	sst s5  }
0xe: {  	[smem:$0x3FB0] =	sst s6  }
0xf: {  	[smem:$0x3FB1] =	sst s7  }
0x10: {  	[smem:$0x3FB2] =	sst s8  }
0x11: {  	[smem:$0x3FB3] =	sst s9;
	s0 =	simm.s32 @!p0 $0x0  }
0x12: {  	s1 =	sld [smem:$0x3F99];
	s0 =	simm.s32 @p0 $0x1  }
0x13: {  	[smem:$0x3FB4] =	sst s0;
	s0 =	simm.s32 @!p1 $0x0  }
0x14: {  	s2 =	sld [smem:$0x3F98];
	s0 =	simm.s32 @p1 $0x1  }
0x15: {  	[smem:$0x3FB5] =	sst s0;
	s0 =	simm.s32 @!p2 $0x0  }
0x16: {  	s3 =	sld [smem:$0x3FDB];
	s0 =	simm.s32 @p2 $0x1  }
0x17: {  	s4 =	simm.s32 $0x1BF5;
	[smem:$0x3FB7] =	sst s0  }
0x18: {  	s0 =	sld [smem:$0x3F9A];
	_ =	swait.ge [sflag:s4], $0x0  }
0x19: {  	s7 =	sld [smem:$0x3F9B]  }
0x1a: {  	s8 =	sadd.s32 $0xFFFFE003, lr  }
0x1b: {  	s9 =	sadd.s32 $0xFFFFFEF7, lr;
	s5 =	simm.s32 $0xFFFFFFFF;
	p2 =	slt.u32 s8, $0xFFFFF086  }
0x1c: {  	p1 =	slt.u32 s9, $0xF7A;
	s5 =	simm.s32 @!p2 $0x0  }
0x1d: {  	s5 =	simm.s32 @p1 $0x1;
	p0 =	seq.s32 s7, s2  }
0x1e: {  	s7 =	smul.u32 @!p0 $0xF7A, s2;
	p2 =	seq.s32 @!p0 s5, $0x0  }
0x1f: {  	s9 =	smul.u32 $0xF7A, s1;
	s8 =	simm.s32 @!p0 $0x1BF5;
	p2 =	por !p2, p0  }
0x20: {  	[sflag:s8] =	ssyncset.s32 @!p0 $0xFFFFF086;
	s6 =	sadd.s32 @!p0 s3, s7;
	s7 =	simm.s32 @!p0 $0x108  }
0x21: {  	s3 =	sadd.s32 s3, s9;
	s6 =	sadd.s32 @!p0 $0x88, s6;
	s7 =	simm.s32 @p2 $0x1082  }
0x22: {  	[simem:s7], [sflag:s8] =	dma.local @!p0 [hbm:s6], $0xF7A  }
0x23: {  	s9 =	sor.u32 $0xD0000000, s2;
	s6 =	simm.s32 $0x108;
	_ =	swait.ge @!p0 [sflag:s8], $0x0  }
0x24: {  	s3 =	sadd.s32 $0x88, s3;
	s6 =	simm.s32 @!p1 $0x1082;
	[sflag:s4] =	ssyncset.s32 $0xFFFFF086  }
0x25: {  	[simem:s6], [sflag:s4] =	dma.local [hbm:s3], $0xF7A  }
0x26: {  	[smem:$0x3F9B] =	sst s1;
	(tag) =	ssettag s2;
	_ =	strace s9  }
0x27: {  	s1 =	sld [smem:$0x3FAB]  }
0x28: {  	s2 =	sld [smem:$0x3FAC]  }
0x29: {  	s4 =	sld [smem:$0x3FAE]  }
0x2a: {  	p0 =	seq.s32 s5, $0x0;
	s5 =	sld [smem:$0x3FAF]  }
0x2b: {  	s6 =	sld [smem:$0x3FB0]  }
0x2c: {  	s7 =	sld [smem:$0x3FB1]  }
0x2d: {  	s3 =	simm.s32 $0x108;
	s8 =	sld [smem:$0x3FB2]  }
0x2e: {  	s3 =	simm.s32 @!p0 $0x1082;
	s9 =	sld [smem:$0x3FB3]  }
0x2f: {  	lr =	sadd.s32 s0, s3;
	s0 =	sld [smem:$0x3FAA]  }
0x30: {  	s3 =	sld [smem:$0x3FAD]  }
0x31: {  	[smem:$0x3FB6] =	sst s10  }
0x32: {  	s10 =	sld [smem:$0x3FB4];
	_ =	sdelay $0x3  }
0x33: {  	p0 =	seq.s32 s10, $0x1;
	s10 =	sld [smem:$0x3FB6];
	_ =	sdelay $0x3  }
0x34: {  	[smem:$0x3FB6] =	sst s10  }
0x35: {  	s10 =	sld [smem:$0x3FB5];
	_ =	sdelay $0x3  }
0x36: {  	p1 =	seq.s32 s10, $0x1;
	s10 =	sld [smem:$0x3FB6];
	_ =	sdelay $0x3  }
0x37: {  	[smem:$0x3FB6] =	sst s10  }
0x38: {  	s10 =	sld [smem:$0x3FB7]  }
0x39: {  	_ = 	snop;
	(pc) =	sbr.ind lr, $3  }
0x3a: {  	_ = 	snop  }
0x3b: {  	_ = 	snop  }
0x3c: {  	p2 =	seq.s32 s10, $0x1;
	s10 =	sld [smem:$0x3FB6]  }
0x3d: {  	_ =	shalt  }
0x3e: {  	_ =	shalt  }
0x3f: {  	_ =	shalt  }
0x40: {  	_ =	shalt  }
0x41: {  	_ =	shalt  }
0x42: {  	_ =	shalt  }
0x43: {  	_ =	shalt  }
0x44: {  	_ =	shalt  }
0x45: {  	_ =	shalt  }
0x46: {  	_ =	shalt  }
0x47: {  	_ =	shalt  }
0x48: {  	_ =	shalt  }
0x49: {  	_ =	shalt  }
0x4a: {  	_ =	shalt  }
0x4b: {  	_ =	shalt  }
0x4c: {  	_ =	shalt  }
0x4d: {  	_ =	shalt  }
0x4e: {  	_ =	shalt  }
0x4f: {  	_ =	shalt  }
0x50: {  	_ =	shalt  }
0x51: {  	_ =	shalt  }
0x52: {  	_ =	shalt  }
0x53: {  	_ =	shalt  }
0x54: {  	_ =	shalt  }
0x55: {  	_ =	shalt  }
0x56: {  	_ =	shalt  }
0x57: {  	_ =	shalt  }
0x58: {  	_ =	shalt  }
0x59: {  	_ =	shalt  }
0x5a: {  	_ =	shalt  }
0x5b: {  	_ =	shalt  }
0x5c: {  	_ =	shalt  }
0x5d: {  	_ =	shalt  }
0x5e: {  	_ =	shalt  }
0x5f: {  	_ =	shalt  }
0x60: {  	_ =	shalt  }
0x61: {  	_ =	shalt  }
0x62: {  	_ =	shalt  }
0x63: {  	_ =	shalt  }
0x64: {  	_ =	shalt  }
0x65: {  	_ =	shalt  }
0x66: {  	_ =	shalt  }
0x67: {  	_ =	shalt  }
0x68: {  	_ =	shalt  }
0x69: {  	_ =	shalt  }
0x6a: {  	_ =	shalt  }
0x6b: {  	_ =	shalt  }
0x6c: {  	_ =	shalt  }
0x6d: {  	_ =	shalt  }
0x6e: {  	_ =	shalt  }
0x6f: {  	_ =	shalt  }
0x70: {  	_ =	shalt  }
0x71: {  	_ =	shalt  }
0x72: {  	_ =	shalt  }
0x73: {  	_ =	shalt  }
0x74: {  	_ =	shalt  }
0x75: {  	_ =	shalt  }
0x76: {  	_ =	shalt  }
0x77: {  	_ =	shalt  }
0x78: {  	_ =	shalt  }
0x79: {  	_ =	shalt  }
0x7a: {  	_ =	shalt  }
0x7b: {  	_ =	shalt  }
0x7c: {  	_ =	shalt  }
0x7d: {  	_ =	shalt  }
0x7e: {  	_ =	shalt  }
0x7f: {  	_ =	shalt  }
0x80: {  	_ =	shalt  }
0x81: {  	_ =	shalt  }
0x82: {  	_ =	shalt  }
0x83: {  	_ =	shalt  }
0x84: {  	_ =	shalt  }
0x85: {  	_ =	shalt  }
0x86: {  	_ =	shalt  }
0x87: {  	_ =	shalt  }
.Lfunc_end0:
.L_simem_size_0:
called_computation.2_lowered:
.L_overlay_start_0:
0x88: {  	s2 =	sld [smem:$0x3FD9]  }
0x89: {  	s3 =	sld [smem:$0x3FFE];
	_ =	sdelay $0x1  }
0x8a: {  	s1 =	srdreg.scid  }
0x8b: {  	s0 =	sand.u32 $0x1, s1  }
0x8c: {  	s17 =	sshll.u32 s0, $0xA;
	s2 =	sadd.s32 s3, s2  }
0x8d: {  	s2 =	sadd.s32 s2, s17  }
0x8e: {  	[smem:$0x3FC2] =	sst s2  }
0x8f: {  	_ = 	snop  }
0x90: {  	(tm) =	ssettm $0x1  }
0x91: {  	s18 =	sld [smem:$0x3FFB];
	_ =	sdelay $0x3  }
0x92: {  	_ =	strace s18  }
0x93: {  	s2 =	sld [smem:$0x3FFC];
	_ =	sdelay $0x3  }
0x94: {  	_ =	strace s2  }
0x95: {  	s2 =	sld [smem:$0x3FFD];
	_ =	sdelay $0x3  }
0x96: {  	_ =	strace s2  }
0x97: {  	_ =	strace $0x8FFFFFFF  }
0x98: {  	s19 =	sld [smem:$0x3FDB];
	_ =	sdelay $0x1  }
0x99: {  	s20 =	simm.s32 $_scs_section_size  }
0x9a: {  	s4 =	simm.s32 $_size__tile_overlayer_lowered;
	s5 =	simm.s32 $_tile_overlayer_lowered  }
0x9b: {  	s6 =	simm.s32 $0x1BFF;
	s21 =	sshll.u32 s5, $0x1;
	s3 =	sadd.s32 s20, s19  }
0x9c: {  	s22 =	simm.s32 $0x0;
	s4 =	sshll.u32 s4, $0x1;
	s5 =	sadd.s32 s21, s3  }
0x9d: {  	[timem:s22], [sflag:s6] =	dma.local [hbm:s5], s4  }
0x9e: {  	_ =	swait.ge [sflag:s6], s4  }
0x9f: {  	s4 =	ssub.s32 $0x0, s4;
	[sflag:s6] =	ssyncset.done $0x0  }
0xa0: {  	[sflag:s6] =	ssyncadd.s32 s4;
	_ =	sdelay $0x1  }
0xa1: {  	s23 =	simm.s32 $0x1B8B  }
0xa2: {  	_ =	swait.ge [sflag:s23], $0x1  }
0xa3: {  	[sflag:s23] =	ssyncset.done $0x0  }
0xa4: {  	[sflag:s23] =	ssyncadd.s32 $0xFFFFFFFF  }
0xa5: {  	s4 =	sld [smem:$0x0]  }
0xa6: {  	s5 =	sand.u32 $0xFFFFFFFE, s1  }
0xa7: {  	p0 =	sne.s32 s1, s5  }
0xa8: {  	s5 =	sshll.u32 @p0 s5, $0xE  }
0xa9: {  	s5 =	sadd.s32 @p0 $0x11B8D, s5;
	s6 =	sshll.u32 @p0 s4, $0x11  }
0xaa: {  	s5 =	sor.u32 @p0 s6, s5  }
0xab: {  	[sflag:s5] =	ssyncadd.remote.s32 @p0 $0x1;
	_ =	sdelay $0x1  }
0xac: {  	s5 =	simm.s32 @p0 $0x1B8D  }
0xad: {  	_ =	swait.eq @p0 [sflag:s5], $0x1  }
0xae: {  	[sflag:s5] =	ssyncadd.s32 @p0 $0xFFFFFFFF  }
0xaf: {  	s6 =	sshll.u32 @!p0 s1, $0xE  }
0xb0: {  	s6 =	sor.u32 @!p0 $0x4000, s6;
	s5 =	simm.s32 @!p0 $0x1B8D  }
0xb1: {  	s4 =	sshll.u32 @!p0 s4, $0x11;
	s6 =	sadd.s32 @!p0 $0x11B8D, s6;
	_ =	swait.eq @!p0 [sflag:s5], $0x1  }
0xb2: {  	s4 =	sor.u32 @!p0 s4, s6;
	[sflag:s5] =	ssyncadd.s32 @!p0 $0xFFFFFFFF  }
0xb3: {  	s25 =	simm.s32 $0x1B8E;
	s24 =	sld [smem:$0x3FFE];
	[sflag:s4] =	ssyncadd.remote.s32 @!p0 $0x1  }
0xb4: {  	s26 =	simm.s32 $execute0_lowered;
	[smem:$0x3FD2] =	sst s25  }
0xb5: {  	s5 =	sshll.u32 s26, $0x1;
	_ =	strace $0x8000004C;
	[dreg:$0x1] =	wrdreg $0xFFFFFFFF  }
0xb6: {  	s28 =	simm.s32 $_size_execute0_lowered;
	s3 =	sadd.s32 s3, s5;
	[dreg:$0x0] =	wrdreg $0x0  }
0xb7: {  	s5 =	sshll.u32 s28, $0x1;
	[dreg:$0x2] =	wrdreg s3  }
0xb8: {  	[dreg:$0x3] =	wrdreg s5  }
0xb9: {  	[dreg:$0x4] =	wrdreg $0xC0  }
0xba: {  	_ =	task [dreg:s22], $0x5FFFF  }
0xbb: {  	[dreg:$0x1] =	wrdreg $0xFFFFFFFF  }
0xbc: {  	[dreg:$0x0] =	wrdreg $0x60  }
0xbd: {  	[dreg:$0x2] =	wrdreg s24  }
0xbe: {  	[dreg:$0x3] =	wrdreg $0x8D800  }
0xbf: {  	[dreg:$0x4] =	wrdreg $0xA  }
0xc0: {  	_ =	task.clear_ibuf [dreg:s22], $0x5FFFF;
	_ =	strace $0x9000004C  }
0xc1: {  	s29 =	simm.s32 $0xA;
	_ =	strace $0x8000004E  }
0xc2: {  	_ =	swait.ge [sflag:s29], $0x1  }
0xc3: {  	[sflag:s29] =	ssyncadd.s32 $0xFFFFFFFF  }
0xc4: {  	_ =	strace $0x9000004E  }
0xc5: {  	_ =	sfence  }
0xc6: {  	s30 =	sld [smem:$0x0];
	_ =	sdelay $0x2  }
0xc7: {  	s31 =	sshll.u32 s1, $0xD;
	s1 =	sshrl.u32 s1, $0x2  }
0xc8: {  	s4 =	sand.u32 $0x4000, s31;
	s1 =	sadd.s32 s1, s30  }
0xc9: {  	s0 =	sor.u32 s4, s0;
	s1 =	sshll.u32 s1, $0x11  }
0xca: {  	s0 =	sor.u32 s1, s0  }
0xcb: {  	s0 =	sadd.s32 $0x8F2B, s0  }
0xcc: {  	[sflag:s0] =	ssyncadd.remote.s32 $0x1  }
0xcd: {  	_ =	sfence.sel $0xFFFF  }
0xce: {  	[dreg:$0x0] =	wrdreg $0xFFFFFFFF;
	(pc) =	sbr.abs _section_cstart, $3  }
0xcf: {  	[dreg:$0x1] =	wrdreg $0xFFFFFFFF  }
0xd0: {  	_ =	task.clear_ibuf [dreg:s22], $0x2FFFF;
	_ =	strace $0x9FFFFFFF  }
0xd1: {  	(tm) =	ssettm $0x7FFFFFFF  }
tec
execute0_lowered:
.L_overlay_start_1:
0x0: {  	(tag) =	ssettag $0x1  }
0x1: {  	s5 =	rddreg [dreg:$0x0]  }
0x2: {  	s2 =	rddreg [dreg:$0x1]  }
0x3: {  	s0 =	rddreg [dreg:$0x2]  }
0x4: {  	s3 =	simm.s32 $0x0;
	s1 =	stileid.u32;
	s4 =	srdreg.scid  }
0x5: {  	s17 =	simm.s32 $0x4000;
	s18 =	simm.s32 $0x1;
	s19 =	simm.s32 $0x80  }
0x6: {  	s20 =	simm.s32 $0x2;
	s21 =	simm.s32 $0x8080;
	s22 =	simm.s32 $0x4  }
0x7: {  	[smem:$0x7FF] =	sst s3;
	s6 =	smul.u32 $0x13C00, s1;
	s7 =	sand.u32 $0x1, s4  }
0x8: {  	s13 =	sadd.s32 $0x41B400, s5;
	s26 =	sshll.u32 s1, $0x6;
	s28 =	smul.u32 $0x6C000, s1  }
0x9: {  	_ =	strace $0x8000004D;
	s4 =	smul.u32 $0x13C000, s7;
	s9 =	sshll.u32 s7, $0x4  }
0xa: {  	s10 =	ssub.s32 $0x2, s7;
	s25 =	smul.u32 $0x6C0000, s7;
	s9 =	sor.u32 s1, s9  }
0xb: {  	s8 =	sshrl.u32 s6, $0x3;
	s23 =	sshrl.u32 s10, $0x1;
	s11 =	smul.u32 $0xD80, s9  }
0xc: {  	s15 =	sadd.s32 s6, s2;
	s8 =	sadd.s32 s8, s5;
	s14 =	smul.u32 $0xD800, s9  }
0xd: {  	s4 =	sadd.s32 s6, s4;
	s10 =	ssub.s32 s10, s23;
	s9 =	smul.u32 $0x6C000, s9  }
0xe: {  	s23 =	simm.s32 $0x3;
	s4 =	sshrl.u32 s4, $0x3;
	s10 =	smax.u32 s10, $0x1  }
0xf: {  	s12 =	sadd.s32 s4, s5;
	s4 =	sadd.s32 $0x2000, s8;
	s24 =	sshrl.u32 s11, $0x3  }
0x10: {  	s9 =	sshrl.u32 s9, $0x3;
	s7 =	sadd.s32 s13, s14;
	s11 =	sadd.s32 s28, s25  }
0x11: {  	s14 =	sshrl.u32 s15, $0x3;
	s15 =	simm.s32 $0x5;
	s6 =	sadd.s32 s5, s24  }
.Ltmp0:
0x12: {  	s5 =	sor.u32 $0x1C05, s26;
	s29 =	sadd.s32 s13, s9;
	(pc) =	sbr.rel .LBB2_1-.Ltmp0, $4  }
0x13: {  	s9 =	sadd.s32 $0x5CB400, s12;
	s30 =	sadd.s32 $0x10000, s11;
	s16 =	sadd.s32 $0xC000, s11  }
0x14: {  	s24 =	simm.s32 $0x0;
	s6 =	sadd.s32 $0x32800, s6;
	s8 =	sadd.s32 $0x800, s29  }
0x15: {  	s12 =	sshrl.u32 s30, $0x3;
	s11 =	sadd.s32 $0x1000, s29;
	s31 =	sshrl.u32 s16, $0x3  }
0x16: {  	s16 =	simm.s32 $0x8000;
	s12 =	sadd.s32 s12, s13;
	s13 =	sadd.s32 s31, s13  }
.LBB2_6:
0x17: {  	_ =	swait.ge [sflag:s23], $0x4000  }
0x18: {  	[sflag:s23] =	ssyncset.done $0x0  }
0x19: {  	[sflag:s23] =	ssyncadd.s32 $0xFFFFC000  }
0x1a: {  	_ =	swait.ge [sflag:s22], $0x4000  }
0x1b: {  	s24 =	sadd.s32 $0x1, s24;
	[sflag:s22] =	ssyncset.done $0x0  }
0x1c: {  	p0 =	sne.s32 s24, s10;
	[sflag:s22] =	ssyncadd.s32 $0xFFFFC000  }
.Ltmp1:
0x1d: {  	[bflag:$0x0] =	sbarrier.arrive $0xFFFF;
	(pc) =	sbr.rel @!p0 .LBB2_7-.Ltmp1, $4  }
0x1e: {  	[hbm:s9], [sflag:s5] =	dma.local [spmem:s14], $0x2780  }
0x1f: {  	_ =	swait.ge [sflag:s15], $0x2780  }
0x20: {  	[sflag:s15] =	ssyncset.done $0x0  }
0x21: {  	[sflag:s15] =	ssyncadd.s32 $0xFFFFD880  }
.LBB2_1:
0x22: {  	[spmem:s14], [sflag:s5] =	dma.local [hbm:s4], $0x2780  }
0x23: {  	_ =	swait.ge [sflag:s15], $0x2780  }
0x24: {  	[sflag:s15] =	ssyncset.done $0x0  }
0x25: {  	[sflag:s15] =	ssyncadd.s32 $0xFFFFD880  }
0x26: {  	[tilespmem:s16], [sflag:$0x5] =	stream.linear.gather [hbm4b:s6+s3], $0xD80, $0x38;
	[tilespmem:$0x1C980] =	vst v63  }
0x27: {  	_ =	swait.ge [sflag:s15], $0xD80  }
0x28: {  	[sflag:s15] =	ssyncset.done $0x0  }
0x29: {  	[sflag:s15] =	ssyncadd.s32 $0xFFFFF280  }
0x2a: {  	[bflag:$0x0] =	sbarrier.arrive $0xFFFF  }
0x2b: {  	[tilespmem:s3], [sflag:$0x1] =	stream.linear.gather [hbm4b:s7+s3], $0x4000, $0x38;
	[tilespmem:$0x1C980] =	vst v63  }
0x2c: {  	_ = 	snop  }
0x2d: {  	[tilespmem:s17], [sflag:$0x2] =	stream.linear.gather [hbm4b:s8+s3], $0x4000, $0x38;
	[tilespmem:$0x1C980] =	vst v63  }
0x2e: {  	_ =	swait.ge [sflag:s18], $0x4000  }
0x2f: {  	[sflag:s18] =	ssyncset.done $0x0  }
0x30: {  	[sflag:s18] =	ssyncadd.s32 $0xFFFFC000  }
0x31: {  	[spmem:s2] =	stream.indirect.scatter.add.f32 [tilespmem:s3], [sflag:$0x3], $0x80, s16, s19, $0xb8;
	[tilespmem:$0x1C980] =	vst v63  }
0x32: {  	_ =	swait.ge [sflag:s20], $0x4000  }
0x33: {  	[sflag:s20] =	ssyncset.done $0x0  }
0x34: {  	[sflag:s20] =	ssyncadd.s32 $0xFFFFC000  }
0x35: {  	[spmem:s2] =	stream.indirect.scatter.add.f32 [tilespmem:s17], [sflag:$0x4], $0x80, s21, s19, $0xb8;
	[tilespmem:$0x1C980] =	vst v63  }
.Ltmp2:
0x36: {  	_ = 	snop;
	(pc) =	sbr.rel .LBB2_2-.Ltmp2, $4  }
0x37: {  	_ =	swait.ge [sflag:s23], $0x4000  }
0x38: {  	s25 =	simm.s32 $0x8100;
	[sflag:s23] =	ssyncset.done $0x0  }
0x39: {  	s26 =	simm.s32 $0x3;
	s28 =	simm.s32 $0x0;
	[sflag:s23] =	ssyncadd.s32 $0xFFFFC000  }
0x3a: {  	[tilespmem:s3], [sflag:$0x1] =	stream.linear.gather [hbm4b:s11+s3], $0x4000, $0x38;
	[tilespmem:$0x1C980] =	vst v63  }
.LBB2_5:
0x3b: {  	s28 =	sadd.s32 $0x1000, s28  }
0x3c: {  	p0 =	sne.s32 s28, $0xD000  }
.Ltmp3:
0x3d: {  	_ = 	snop;
	(pc) =	sbr.rel @!p0 .LBB2_6-.Ltmp3, $2  }
0x3e: {  	_ =	sdelay $0x2  }
0x3f: {  	s25 =	sadd.s32 $0x100, s25;
	s26 =	sadd.s32 $0x2, s26  }
.LBB2_2:
0x40: {  	p0 =	sgt.u32 s26, $0x1A  }
.Ltmp4:
0x41: {  	_ = 	snop;
	(pc) =	sbr.rel @p0 .LBB2_5-.Ltmp4, $4  }
0x42: {  	_ =	swait.ge [sflag:s18], $0x4000  }
0x43: {  	[sflag:s18] =	ssyncset.done $0x0  }
0x44: {  	[sflag:s18] =	ssyncadd.s32 $0xFFFFC000  }
0x45: {  	[spmem:s2] =	stream.indirect.scatter.add.f32 [tilespmem:s3], [sflag:$0x3], $0x80, s25, s19, $0xb8;
	[tilespmem:$0x1C980] =	vst v63  }
0x46: {  	_ =	swait.ge [sflag:s22], $0x4000  }
0x47: {  	[sflag:s22] =	ssyncset.done $0x0  }
0x48: {  	s29 =	sadd.s32 s28, s13;
	p0 =	seq.s32 s28, $0xC000;
	[sflag:s22] =	ssyncadd.s32 $0xFFFFC000  }
0x49: {  	[tilespmem:s17], [sflag:$0x2] =	stream.linear.gather [hbm4b:s29+s3], $0x4000, $0x38;
	[tilespmem:$0x1C980] =	vst v63  }
.Ltmp5:
0x4a: {  	_ = 	snop;
	(pc) =	sbr.rel @p0 .LBB2_6-.Ltmp5, $4  }
0x4b: {  	_ =	swait.ge [sflag:s20], $0x4000  }
0x4c: {  	[sflag:s20] =	ssyncset.done $0x0  }
0x4d: {  	s31 =	sadd.s32 $0x80, s25;
	[sflag:s20] =	ssyncadd.s32 $0xFFFFC000  }
0x4e: {  	[spmem:s2] =	stream.indirect.scatter.add.f32 [tilespmem:s17], [sflag:$0x4], $0x80, s31, s19, $0xb8;
	[tilespmem:$0x1C980] =	vst v63  }
.Ltmp6:
0x4f: {  	(pc) =	sbr.rel .LBB2_5-.Ltmp6, $4  }
0x50: {  	_ =	swait.ge [sflag:s23], $0x4000  }
0x51: {  	[sflag:s23] =	ssyncset.done $0x0  }
0x52: {  	s29 =	sadd.s32 s28, s12;
	[sflag:s23] =	ssyncadd.s32 $0xFFFFC000  }
0x53: {  	[tilespmem:s3], [sflag:$0x1] =	stream.linear.gather [hbm4b:s29+s3], $0x4000, $0x38;
	[tilespmem:$0x1C980] =	vst v63  }
.LBB2_7:
0x54: {  	_ =	sfence.sel $0x180000  }
0x55: {  	[bflag:$0x0] =	sbarrier.arrive $0xFFFF  }
0x56: {  	p0 =	sne.s32 s1, $0x0;
	_ =	strace $0x9000004D  }
0x57: {  	s0 =	sadd.s32 @!p0 $0x100000, s0;
	[bflag:$0x2] =	sbarrier.arrive $0xFFFF  }
0x58: {  	[sflag:s0] =	ssyncadd.tile.s32 @!p0 $0x1;
	_ =	shalt  }
.Lfunc_end2:
_tile_overlayer_lowered:
.L_overlay_start_2:
0x59: {  	(tag) =	ssettag $0x2  }
0x5a: {  	s0 =	rddreg [dreg:$0x0];
	s2 =	stileid.u32  }
0x5b: {  	s1 =	rddreg [dreg:$0x1];
	p0 =	sne.s32 s2, $0x0  }
0x5c: {  	s3 =	rddreg [dreg:$0x2];
	[bflag:$0x3] =	sbarrier.arrive $0xFFFF;
	s2 =	simm.s32 @!p0 $0x1C05  }
0x5d: {  	[timem:s3], [sflag:s2] =	dma.local @!p0 [hbm:s0], s1  }
0x5e: {  	s0 =	simm.s32 @!p0 $0x5  }
0x5f: {  	_ =	swait.ge @!p0 [sflag:s0], s1  }
0x60: {  	s1 =	ssub.s32 @!p0 $0x0, s1;
	[sflag:s0] =	ssyncset.done @!p0 $0x0  }
0x61: {  	[sflag:s0] =	ssyncadd.s32 @!p0 s1  }
0x62: {  	[bflag:$0x3] =	sbarrier.arrive $0xFFFF  }
0x63: {  	_ =	shalt  }

</sc_bundles>
